<compile_context>
chip_gen: v7x
topology: tpu7x:2x2x1
jax: 0.10.2.dev20260603
libtpu: 0.0.44.dev20260713+nightly
codegen_flags: <defaults>
</compile_context>

<pallas_src>
import functools

import jax
import jax.numpy as jnp
from jax import lax
from jax.experimental import pallas as pl
from jax.experimental.pallas import tpu as pltpu
from jax.experimental.pallas import tpu_sc as plsc

VOCAB = 100000
DIM = 64
B = 4096
S = 200
NC = 2
NS = 16
NW = NC * NS
BLK = B // NW
LANES = 16
NVREG = DIM // LANES
TILE = 8 * BLK
EPS = 1e-5
_RSQRT_MAGIC = 0x5F3759DF

_GATHER_DNUMS = lax.GatherDimensionNumbers(
    offset_dims=(), collapsed_slice_dims=(0,), start_index_map=(0,))


def _xshuffle(v, k):
    perm = lax.iota(jnp.int32, LANES) ^ k
    return lax.gather(v, perm[:, None], _GATHER_DNUMS, (1,),
                      mode=lax.GatherScatterMode.PROMISE_IN_BOUNDS)


def _rsqrt(t):
    i = lax.bitcast_convert_type(t, jnp.int32)
    y = lax.bitcast_convert_type(_RSQRT_MAGIC - (i >> 1), jnp.float32)
    for _ in range(2):
        y = y * (1.5 - 0.5 * t * y * y)
    return y


def _pos_encoding():
    pos = jnp.arange(S, dtype=jnp.float32)[:, None]
    d = 2.0 * jnp.arange(DIM, dtype=jnp.float32) / DIM
    pe = pos / jnp.power(10000.0, d)
    pe = pe.at[:, 0::2].set(jnp.sin(pe[:, 0::2]))
    pe = pe.at[:, 1::2].set(jnp.cos(pe[:, 1::2]))
    return pe


def _sc_embed(xt, tok, pe, seg2, ln_scale, ln_bias):
    mesh = plsc.VectorSubcoreMesh(core_axis_name="c", subcore_axis_name="s")

    @functools.partial(
        pl.kernel,
        mesh=mesh,
        out_type=jax.ShapeDtypeStruct((S, DIM // 8, NW, 8, BLK), jnp.float32),
        scratch_types=[
            pltpu.VMEM((2, BLK), jnp.int32),
            pltpu.VMEM((2, BLK, DIM), jnp.float32),
            pltpu.VMEM((DIM // 8, 1, 8, BLK), jnp.float32),
            pltpu.VMEM((DIM // 8, 1, 8, BLK), jnp.float32),
            pltpu.VMEM((S, DIM), jnp.float32),
            pltpu.VMEM((S, DIM), jnp.float32),
            pltpu.VMEM((2, DIM), jnp.float32),
            pltpu.VMEM((DIM,), jnp.float32),
            pltpu.VMEM((DIM,), jnp.float32),
            pltpu.SemaphoreType.DMA,
            pltpu.SemaphoreType.DMA,
            pltpu.SemaphoreType.DMA,
            pltpu.SemaphoreType.DMA,
            pltpu.SemaphoreType.DMA,
            pltpu.SemaphoreType.DMA,
        ],
        compiler_params=pltpu.CompilerParams(use_tc_tiling_on_sc=False, needs_layout_passes=False),
    )
    def k(x_hbm, tok_hbm, pe_hbm, seg_hbm, gam_hbm, bet_hbm, out_hbm,
          idx_v, rows_v, ob0, ob1, add_v, pe_v, seg_v, gam_v, bet_v,
          gs0, gs1, is0, is1, os0, os1):
        gsem = (gs0, gs1)
        isem = (is0, is1)
        osem = (os0, os1)
        obuf = (ob0, ob1)
        wid = lax.axis_index("s") * NC + lax.axis_index("c")
        bbase = wid * BLK
        pltpu.sync_copy(pe_hbm, pe_v)
        pltpu.sync_copy(seg_hbm, seg_v)
        pltpu.sync_copy(gam_hbm, gam_v)
        pltpu.sync_copy(bet_hbm, bet_v)

        def build(i, c):
            srow = jnp.where(i >= S // 2 + 1, 1, 0)
            for g in range(NVREG):
                ds = pl.ds(g * LANES, LANES)
                add_v[i, ds] = pe_v[i, ds] + seg_v[srow, ds]
            return c
        lax.fori_loop(0, S, build, 0)

        def start_gather(buf):
            pltpu.async_copy(tok_hbm.at[idx_v.at[buf]], rows_v.at[buf],
                             gsem[buf])

        def wait_gather(buf):
            pltpu.make_async_copy(tok_hbm.at[idx_v.at[buf]], rows_v.at[buf],
                                  gsem[buf]).wait()

        _lane = lax.iota(jnp.int32, LANES)

        def compute_pos(buf, pos, carry):
            a = [add_v[pos, pl.ds(g * LANES, LANES)] for g in range(NVREG)]

            @plsc.parallel_loop(0, BLK, step=1, unroll=4, carry=carry)
            def row(r, c):
                v = [rows_v[buf, r, pl.ds(g * LANES, LANES)] + a[g]
                     for g in range(NVREG)]
                sm = (v[0] + v[1]) + (v[2] + v[3])
                sq = ((v[0] * v[0] + v[1] * v[1])
                      + (v[2] * v[2] + v[3] * v[3]))
                for kk in (1, 2, 4, 8):
                    sm = sm + _xshuffle(sm, kk)
                    sq = sq + _xshuffle(sq, kk)
                mean = sm * (1.0 / DIM)
                var = sq * (1.0 / DIM) - mean * mean
                y = _rsqrt(var + EPS)
                for g in range(NVREG):
                    rows_v[buf, r, pl.ds(g * LANES, LANES)] = (
                        (v[g] - mean) * (y * c[g]) + c[NVREG + g])
                return c

            @plsc.parallel_loop(0, DIM, step=1, unroll=2, carry=row)
            def tr(d, c):
                dcol = jnp.full((LANES,), d, jnp.int32)
                for bc in range(BLK // LANES):
                    vec = plsc.load_gather(
                        rows_v.at[buf], [_lane + bc * LANES, dcol])
                    obuf[buf][d // 8, 0, d % 8, pl.ds(bc * LANES, LANES)] = vec
                return c
            return tr

        pltpu.sync_copy(x_hbm.at[0, pl.ds(bbase, BLK)], idx_v.at[0])
        start_gather(0)
        pltpu.async_copy(x_hbm.at[1, pl.ds(bbase, BLK)], idx_v.at[1], isem[1])

        carry0 = (tuple(gam_v[pl.ds(g * LANES, LANES)] for g in range(NVREG))
                  + tuple(bet_v[pl.ds(g * LANES, LANES)] for g in range(NVREG)))

        def pair(p, carry):
            for cur in range(2):
                nxt = 1 - cur
                s = 2 * p + cur
                wait_gather(cur)

                @pl.when(s + 1 < S)
                def _():
                    pltpu.make_async_copy(x_hbm.at[s + 1, pl.ds(bbase, BLK)],
                                          idx_v.at[nxt], isem[nxt]).wait()
                    start_gather(nxt)

                @pl.when(s + 2 < S)
                def _():
                    pltpu.async_copy(x_hbm.at[s + 2, pl.ds(bbase, BLK)],
                                     idx_v.at[cur], isem[cur])

                @pl.when(s >= 2)
                def _():
                    pltpu.make_async_copy(
                        obuf[cur],
                        out_hbm.at[s - 2, :, pl.ds(wid, 1)],
                        osem[cur]).wait()

                carry = compute_pos(cur, s, carry)
                pltpu.async_copy(obuf[cur],
                                 out_hbm.at[s, :, pl.ds(wid, 1)],
                                 osem[cur])
            return carry

        lax.fori_loop(0, S // 2, pair, carry0)
        for cur in range(2):
            pltpu.make_async_copy(obuf[cur],
                                  out_hbm.at[cur, :, pl.ds(wid, 1)],
                                  osem[cur]).wait()

    return k(xt, tok, pe, seg2, ln_scale, ln_bias)


def kernel(x, token_table, segment_table, ln_scale, ln_bias):
    pe = _pos_encoding()
    seg2 = lax.slice_in_dim(segment_table, 0, 2)
    xt = x.T
    out5 = _sc_embed(xt, token_table, pe, seg2, ln_scale, ln_bias)
    return out5.transpose(2, 4, 0, 1, 3).reshape(B, S, DIM)

# --- scband reference (transcript-rebuilt; emitter-appended) ---
"""Pipeline reference for scband-joint-embedding-24670292148551 (READ-ONLY COPY).

The authoritative reference and input builder live on the scoring server;
editing this copy changes nothing except your own understanding.
"""

import jax, jax.numpy as jnp
import numpy as np

VOCAB = 100000
DIM = 64
B = 4096
S = 200


def positional_encoding(dim, batch, seqlen):
    pos = jnp.arange(seqlen, dtype=jnp.float32)[:, None]
    d = 2.0 * jnp.arange(dim, dtype=jnp.float32) / dim
    pe = pos / jnp.power(10000.0, d)
    pe = pe.at[:, 0::2].set(jnp.sin(pe[:, 0::2]))
    pe = pe.at[:, 1::2].set(jnp.cos(pe[:, 1::2]))
    return jnp.broadcast_to(pe, (batch, seqlen, dim))


def setup_inputs(seed: int = 0) -> dict:
    key = jax.random.key(seed)
    k1, k2, k3 = jax.random.split(key, 3)
    x = jax.random.randint(k1, (B, S), 0, VOCAB, dtype=jnp.int32)
    token_table = jax.random.normal(k2, (VOCAB, DIM), dtype=jnp.float32)
    segment_table = jax.random.normal(k3, (VOCAB, DIM), dtype=jnp.float32)
    ln_scale = jnp.ones((DIM,), dtype=jnp.float32)
    ln_bias = jnp.zeros((DIM,), dtype=jnp.float32)
    return {"x": x, "token_table": token_table, "segment_table": segment_table, "ln_scale": ln_scale, "ln_bias": ln_bias}


def reference(x, token_table, segment_table, ln_scale, ln_bias):
    batch, seqlen = x.shape
    dim = token_table.shape[1]
    # segment tensor: first half (inclusive of midpoint) is segment 0, rest is segment 1
    seg = jnp.zeros_like(x)
    seg = seg.at[:, seqlen // 2 + 1:].set(1)
    out = jnp.take(token_table, x, axis=0)
    out = out + jnp.take(segment_table, seg, axis=0)
    out = out + positional_encoding(dim, batch, seqlen)
    # LayerNorm over last dim, eps=1e-5 (torch default), biased variance
    mean = jnp.mean(out, axis=-1, keepdims=True)
    var = jnp.var(out, axis=-1, keepdims=True)
    out = (out - mean) / jnp.sqrt(var + 1e-5) * ln_scale + ln_bias
    return out

if __name__ == "__main__":
    import jax
    _d = setup_inputs()
    print(jax.jit(kernel)(*tuple(_d.values())))

</pallas_src>

<mosaic_0001>
#map = affine_map<(d0, d1) -> (0, 0)>
#map1 = affine_map<(d0, d1) -> (0)>
#map2 = affine_map<(d0, d1) -> (0, 0, 0, 0, 0)>
module attributes {stable_mosaic.version = 14 : i64} {
  func.func @k(%arg0: i32, %arg1: i32, %arg2: memref<200x4096xi32, #tpu.memory_space<hbm>>, %arg3: memref<100000x64xf32, #tpu.memory_space<hbm>>, %arg4: memref<200x64xf32, #tpu.memory_space<hbm>>, %arg5: memref<2x64xf32, #tpu.memory_space<hbm>>, %arg6: memref<64xf32, #tpu.memory_space<hbm>>, %arg7: memref<64xf32, #tpu.memory_space<hbm>>, %arg8: memref<200x8x32x8x128xf32, #tpu.memory_space<hbm>>, %arg9: memref<2x128xi32, #tpu.memory_space<vmem>>, %arg10: memref<2x128x64xf32, #tpu.memory_space<vmem>>, %arg11: memref<8x1x8x128xf32, #tpu.memory_space<vmem>>, %arg12: memref<8x1x8x128xf32, #tpu.memory_space<vmem>>, %arg13: memref<200x64xf32, #tpu.memory_space<vmem>>, %arg14: memref<200x64xf32, #tpu.memory_space<vmem>>, %arg15: memref<2x64xf32, #tpu.memory_space<vmem>>, %arg16: memref<64xf32, #tpu.memory_space<vmem>>, %arg17: memref<64xf32, #tpu.memory_space<vmem>>, %arg18: memref<!tpu.dma_semaphore, #tpu.memory_space<semaphore_mem>>, %arg19: memref<!tpu.dma_semaphore, #tpu.memory_space<semaphore_mem>>, %arg20: memref<!tpu.dma_semaphore, #tpu.memory_space<semaphore_mem>>, %arg21: memref<!tpu.dma_semaphore, #tpu.memory_space<semaphore_mem>>, %arg22: memref<!tpu.dma_semaphore, #tpu.memory_space<semaphore_mem>>, %arg23: memref<!tpu.dma_semaphore, #tpu.memory_space<semaphore_mem>>) attributes {dimension_semantics = [#tpu.dimension_semantics<core_parallel>, #tpu.dimension_semantics<subcore_parallel>], iteration_bounds = array<i64: 2, 16>, scalar_prefetch = 0 : i64, scratch_operands = 15 : i64, tpu.core_type = #tpu.core_type<sc_vector_subcore>, window_params = [{transform_indices = #map}, {transform_indices = #map}, {transform_indices = #map}, {transform_indices = #map}, {transform_indices = #map1}, {transform_indices = #map1}, {transform_indices = #map2}]} {
    %mul3A = arith.constant 2 : i32
    %mul3A_0 = arith.muli %arg1, %mul3A : i32
    %add3A = arith.addi %mul3A_0, %arg0 : i32
    %mul3A_1 = arith.constant 128 : i32
    %mul3A_2 = arith.muli %add3A, %mul3A_1 : i32
    "tpu.region"() ({
      %run_scoped3A_74 = tpu.sem_alloc : memref<!tpu.dma_semaphore, #tpu.memory_space<semaphore_mem>>
      tpu.enqueue_dma source(%arg4 : memref<200x64xf32, #tpu.memory_space<hbm>>) target(%arg14 : memref<200x64xf32, #tpu.memory_space<vmem>>) target_semaphore(%run_scoped3A_74 : memref<!tpu.dma_semaphore, #tpu.memory_space<semaphore_mem>>)
      tpu.wait_dma2 semaphore(%run_scoped3A_74 : memref<!tpu.dma_semaphore, #tpu.memory_space<semaphore_mem>>) src(%arg4 : memref<200x64xf32, #tpu.memory_space<hbm>>) dst(%arg14 : memref<200x64xf32, #tpu.memory_space<vmem>>)
      tpu.yield
    }) : () -> ()
    "tpu.region"() ({
      %run_scoped3A_74 = tpu.sem_alloc : memref<!tpu.dma_semaphore, #tpu.memory_space<semaphore_mem>>
      tpu.enqueue_dma source(%arg5 : memref<2x64xf32, #tpu.memory_space<hbm>>) target(%arg15 : memref<2x64xf32, #tpu.memory_space<vmem>>) target_semaphore(%run_scoped3A_74 : memref<!tpu.dma_semaphore, #tpu.memory_space<semaphore_mem>>)
      tpu.wait_dma2 semaphore(%run_scoped3A_74 : memref<!tpu.dma_semaphore, #tpu.memory_space<semaphore_mem>>) src(%arg5 : memref<2x64xf32, #tpu.memory_space<hbm>>) dst(%arg15 : memref<2x64xf32, #tpu.memory_space<vmem>>)
      tpu.yield
    }) : () -> ()
    "tpu.region"() ({
      %run_scoped3A_74 = tpu.sem_alloc : memref<!tpu.dma_semaphore, #tpu.memory_space<semaphore_mem>>
      tpu.enqueue_dma source(%arg6 : memref<64xf32, #tpu.memory_space<hbm>>) target(%arg16 : memref<64xf32, #tpu.memory_space<vmem>>) target_semaphore(%run_scoped3A_74 : memref<!tpu.dma_semaphore, #tpu.memory_space<semaphore_mem>>)
      tpu.wait_dma2 semaphore(%run_scoped3A_74 : memref<!tpu.dma_semaphore, #tpu.memory_space<semaphore_mem>>) src(%arg6 : memref<64xf32, #tpu.memory_space<hbm>>) dst(%arg16 : memref<64xf32, #tpu.memory_space<vmem>>)
      tpu.yield
    }) : () -> ()
    "tpu.region"() ({
      %run_scoped3A_74 = tpu.sem_alloc : memref<!tpu.dma_semaphore, #tpu.memory_space<semaphore_mem>>
      tpu.enqueue_dma source(%arg7 : memref<64xf32, #tpu.memory_space<hbm>>) target(%arg17 : memref<64xf32, #tpu.memory_space<vmem>>) target_semaphore(%run_scoped3A_74 : memref<!tpu.dma_semaphore, #tpu.memory_space<semaphore_mem>>)
      tpu.wait_dma2 semaphore(%run_scoped3A_74 : memref<!tpu.dma_semaphore, #tpu.memory_space<semaphore_mem>>) src(%arg7 : memref<64xf32, #tpu.memory_space<hbm>>) dst(%arg17 : memref<64xf32, #tpu.memory_space<vmem>>)
      tpu.yield
    }) : () -> ()
    %scan3A = arith.constant 0 : i32
    %scan3A_3 = arith.constant 0 : i32
    %scan3A_4 = arith.constant 200 : i32
    %scan3A_5 = arith.addi %scan3A_3, %scan3A_4 : i32
    %scan3A_6 = arith.constant 1 : i32
    scf.for %scan3A_74 = %scan3A_3 to %scan3A_5 step %scan3A_6  : i32 {
      %ge3A = arith.constant 101 : i32
      %ge3A_75 = arith.cmpi sge, %scan3A_74, %ge3A : i32
      %jit3A = arith.constant 1 : i32
      %jit3A_76 = arith.constant 0 : i32
      %select_n3A = arith.select %ge3A_75, %jit3A, %jit3A_76 : i32
      %get3A_77 = arith.index_cast %scan3A_74 : i32 to index
      %get3A_78 = arith.constant 0 : index
      %get3A_79 = tpu.vector_load %arg14[%get3A_77, %get3A_78] {strides = array<i32>} : memref<200x64xf32, #tpu.memory_space<vmem>>, vector<16xf32>,
      %get3A_80 = arith.index_cast %select_n3A : i32 to index
      %get3A_81 = arith.constant 0 : index
      %get3A_82 = tpu.vector_load %arg15[%get3A_80, %get3A_81] {strides = array<i32>} : memref<2x64xf32, #tpu.memory_space<vmem>>, vector<16xf32>,
      %add3A_83 = arith.addf %get3A_79, %get3A_82 : vector<16xf32>
      %swap3A = arith.index_cast %scan3A_74 : i32 to index
      %swap3A_84 = arith.constant 0 : index
      %swap3A_85 = tpu.vector_load %arg13[%swap3A, %swap3A_84] {strides = array<i32>} : memref<200x64xf32, #tpu.memory_space<vmem>>, vector<16xf32>,
      tpu.vector_store %arg13[%swap3A, %swap3A_84], %add3A_83 {strides = array<i32>} : memref<200x64xf32, #tpu.memory_space<vmem>>, vector<16xf32>,
      %get3A_86 = arith.index_cast %scan3A_74 : i32 to index
      %get3A_87 = arith.constant 16 : index
      %get3A_88 = tpu.vector_load %arg14[%get3A_86, %get3A_87] {strides = array<i32>} : memref<200x64xf32, #tpu.memory_space<vmem>>, vector<16xf32>,
      %get3A_89 = arith.index_cast %select_n3A : i32 to index
      %get3A_90 = arith.constant 16 : index
      %get3A_91 = tpu.vector_load %arg15[%get3A_89, %get3A_90] {strides = array<i32>} : memref<2x64xf32, #tpu.memory_space<vmem>>, vector<16xf32>,
      %add3A_92 = arith.addf %get3A_88, %get3A_91 : vector<16xf32>
      %swap3A_93 = arith.index_cast %scan3A_74 : i32 to index
      %swap3A_94 = arith.constant 16 : index
      %swap3A_95 = tpu.vector_load %arg13[%swap3A_93, %swap3A_94] {strides = array<i32>} : memref<200x64xf32, #tpu.memory_space<vmem>>, vector<16xf32>,
      tpu.vector_store %arg13[%swap3A_93, %swap3A_94], %add3A_92 {strides = array<i32>} : memref<200x64xf32, #tpu.memory_space<vmem>>, vector<16xf32>,
      %get3A_96 = arith.index_cast %scan3A_74 : i32 to index
      %get3A_97 = arith.constant 32 : index
      %get3A_98 = tpu.vector_load %arg14[%get3A_96, %get3A_97] {strides = array<i32>} : memref<200x64xf32, #tpu.memory_space<vmem>>, vector<16xf32>,
      %get3A_99 = arith.index_cast %select_n3A : i32 to index
      %get3A_100 = arith.constant 32 : index
      %get3A_101 = tpu.vector_load %arg15[%get3A_99, %get3A_100] {strides = array<i32>} : memref<2x64xf32, #tpu.memory_space<vmem>>, vector<16xf32>,
      %add3A_102 = arith.addf %get3A_98, %get3A_101 : vector<16xf32>
      %swap3A_103 = arith.index_cast %scan3A_74 : i32 to index
      %swap3A_104 = arith.constant 32 : index
      %swap3A_105 = tpu.vector_load %arg13[%swap3A_103, %swap3A_104] {strides = array<i32>} : memref<200x64xf32, #tpu.memory_space<vmem>>, vector<16xf32>,
      tpu.vector_store %arg13[%swap3A_103, %swap3A_104], %add3A_102 {strides = array<i32>} : memref<200x64xf32, #tpu.memory_space<vmem>>, vector<16xf32>,
      %get3A_106 = arith.index_cast %scan3A_74 : i32 to index
      %get3A_107 = arith.constant 48 : index
      %get3A_108 = tpu.vector_load %arg14[%get3A_106, %get3A_107] {strides = array<i32>} : memref<200x64xf32, #tpu.memory_space<vmem>>, vector<16xf32>,
      %get3A_109 = arith.index_cast %select_n3A : i32 to index
      %get3A_110 = arith.constant 48 : index
      %get3A_111 = tpu.vector_load %arg15[%get3A_109, %get3A_110] {strides = array<i32>} : memref<2x64xf32, #tpu.memory_space<vmem>>, vector<16xf32>,
      %add3A_112 = arith.addf %get3A_108, %get3A_111 : vector<16xf32>
      %swap3A_113 = arith.index_cast %scan3A_74 : i32 to index
      %swap3A_114 = arith.constant 48 : index
      %swap3A_115 = tpu.vector_load %arg13[%swap3A_113, %swap3A_114] {strides = array<i32>} : memref<200x64xf32, #tpu.memory_space<vmem>>, vector<16xf32>,
      tpu.vector_store %arg13[%swap3A_113, %swap3A_114], %add3A_112 {strides = array<i32>} : memref<200x64xf32, #tpu.memory_space<vmem>>, vector<16xf32>,
    }
    %scan3A_7 = arith.constant 200 : i32
    %iota3A = tpu.iota {dimensions = array<i32: 0>} : vector<16xi32>
    %run_scoped3A = arith.constant 0 : i32
    %run_scoped3A_8 = arith.constant 0 : i32
    "tpu.region"() ({
      %run_scoped3A_74 = tpu.sem_alloc : memref<!tpu.dma_semaphore, #tpu.memory_space<semaphore_mem>>
      %dma_start3A_75 = arith.constant 0 : i32
      %dma_start3A_76 = tpu.memref_slice %arg9[%run_scoped3A_8, %dma_start3A_75] : memref<2x128xi32, #tpu.memory_space<vmem>> -> memref<1x128xi32, #tpu.memory_space<vmem>>
      %dma_start3A_77 = tpu.memref_squeeze %dma_start3A_76 : memref<1x128xi32, #tpu.memory_space<vmem>> -> memref<128xi32, #tpu.memory_space<vmem>>
      %dma_start3A_78 = tpu.memref_slice %arg2[%run_scoped3A, %mul3A_2] : memref<200x4096xi32, #tpu.memory_space<hbm>> -> memref<1x128xi32, #tpu.memory_space<hbm>>
      %dma_start3A_79 = tpu.memref_squeeze %dma_start3A_78 : memref<1x128xi32, #tpu.memory_space<hbm>> -> memref<128xi32, #tpu.memory_space<hbm>>
      %dma_start3A_80 = arith.constant 0 : i32
      %dma_start3A_81 = tpu.memref_slice %arg9[%run_scoped3A_8, %dma_start3A_80] : memref<2x128xi32, #tpu.memory_space<vmem>> -> memref<1x128xi32, #tpu.memory_space<vmem>>
      %dma_start3A_82 = tpu.memref_squeeze %dma_start3A_81 : memref<1x128xi32, #tpu.memory_space<vmem>> -> memref<128xi32, #tpu.memory_space<vmem>>
      %dma_start3A_83 = tpu.memref_slice %arg2[%run_scoped3A, %mul3A_2] : memref<200x4096xi32, #tpu.memory_space<hbm>> -> memref<1x128xi32, #tpu.memory_space<hbm>>
      %dma_start3A_84 = tpu.memref_squeeze %dma_start3A_83 : memref<1x128xi32, #tpu.memory_space<hbm>> -> memref<128xi32, #tpu.memory_space<hbm>>
      tpu.enqueue_dma source(%dma_start3A_84 : memref<128xi32, #tpu.memory_space<hbm>>) target(%dma_start3A_82 : memref<128xi32, #tpu.memory_space<vmem>>) target_semaphore(%run_scoped3A_74 : memref<!tpu.dma_semaphore, #tpu.memory_space<semaphore_mem>>)
      %dma_wait3A_85 = arith.constant 0 : i32
      %dma_wait3A_86 = tpu.memref_slice %arg9[%run_scoped3A_8, %dma_wait3A_85] : memref<2x128xi32, #tpu.memory_space<vmem>> -> memref<1x128xi32, #tpu.memory_space<vmem>>
      %dma_wait3A_87 = tpu.memref_squeeze %dma_wait3A_86 : memref<1x128xi32, #tpu.memory_space<vmem>> -> memref<128xi32, #tpu.memory_space<vmem>>
      %dma_wait3A_88 = tpu.memref_slice %arg2[%run_scoped3A, %mul3A_2] : memref<200x4096xi32, #tpu.memory_space<hbm>> -> memref<1x128xi32, #tpu.memory_space<hbm>>
      %dma_wait3A_89 = tpu.memref_squeeze %dma_wait3A_88 : memref<1x128xi32, #tpu.memory_space<hbm>> -> memref<128xi32, #tpu.memory_space<hbm>>
      %dma_wait3A_90 = arith.constant 0 : i32
      %dma_wait3A_91 = tpu.memref_slice %arg9[%run_scoped3A_8, %dma_wait3A_90] : memref<2x128xi32, #tpu.memory_space<vmem>> -> memref<1x128xi32, #tpu.memory_space<vmem>>
      %dma_wait3A_92 = tpu.memref_squeeze %dma_wait3A_91 : memref<1x128xi32, #tpu.memory_space<vmem>> -> memref<128xi32, #tpu.memory_space<vmem>>
      %dma_wait3A_93 = tpu.memref_slice %arg2[%run_scoped3A, %mul3A_2] : memref<200x4096xi32, #tpu.memory_space<hbm>> -> memref<1x128xi32, #tpu.memory_space<hbm>>
      %dma_wait3A_94 = tpu.memref_squeeze %dma_wait3A_93 : memref<1x128xi32, #tpu.memory_space<hbm>> -> memref<128xi32, #tpu.memory_space<hbm>>
      tpu.wait_dma2 semaphore(%run_scoped3A_74 : memref<!tpu.dma_semaphore, #tpu.memory_space<semaphore_mem>>) src(%dma_wait3A_94 : memref<128xi32, #tpu.memory_space<hbm>>) dst(%dma_wait3A_92 : memref<128xi32, #tpu.memory_space<vmem>>)
      tpu.yield
    }) : () -> ()
    %dma_start3A = arith.constant 0 : i32
    %dma_start3A_9 = arith.constant 0 : i32
    %dma_start3A_10 = arith.constant 0 : i32
    %dma_start3A_11 = arith.constant 0 : i32
    %dma_start3A_12 = tpu.memref_slice %arg10[%dma_start3A_9, %dma_start3A_10, %dma_start3A_11] : memref<2x128x64xf32, #tpu.memory_space<vmem>> -> memref<1x128x64xf32, #tpu.memory_space<vmem>>
    %dma_start3A_13 = tpu.memref_squeeze %dma_start3A_12 : memref<1x128x64xf32, #tpu.memory_space<vmem>> -> memref<128x64xf32, #tpu.memory_space<vmem>>
    %dma_start3A_14 = arith.constant 0 : i32
    %dma_start3A_15 = tpu.memref_slice %arg9[%dma_start3A, %dma_start3A_14] : memref<2x128xi32, #tpu.memory_space<vmem>> -> memref<1x128xi32, #tpu.memory_space<vmem>>
    %dma_start3A_16 = tpu.memref_squeeze %dma_start3A_15 : memref<1x128xi32, #tpu.memory_space<vmem>> -> memref<128xi32, #tpu.memory_space<vmem>>
    %dma_start3A_17 = arith.constant 0 : i32
    %dma_start3A_18 = arith.constant 0 : i32
    %dma_start3A_19 = tpu.memref_slice %arg3[%dma_start3A_17, %dma_start3A_18] : memref<100000x64xf32, #tpu.memory_space<hbm>> -> memref<100000x64xf32, #tpu.memory_space<hbm>>
    tpu.enqueue_indirect_dma source(%dma_start3A_19 : memref<100000x64xf32, #tpu.memory_space<hbm>>) target(%dma_start3A_13 : memref<128x64xf32, #tpu.memory_space<vmem>>) offsets(%dma_start3A_16 : memref<128xi32, #tpu.memory_space<vmem>>) semaphore(%arg18 : memref<!tpu.dma_semaphore, #tpu.memory_space<semaphore_mem>>)
    %dma_start3A_20 = arith.constant 1 : i32
    %dma_start3A_21 = arith.constant 1 : i32
    %dma_start3A_22 = arith.constant 0 : i32
    %dma_start3A_23 = tpu.memref_slice %arg9[%dma_start3A_21, %dma_start3A_22] : memref<2x128xi32, #tpu.memory_space<vmem>> -> memref<1x128xi32, #tpu.memory_space<vmem>>
    %dma_start3A_24 = tpu.memref_squeeze %dma_start3A_23 : memref<1x128xi32, #tpu.memory_space<vmem>> -> memref<128xi32, #tpu.memory_space<vmem>>
    %dma_start3A_25 = tpu.memref_slice %arg2[%dma_start3A_20, %mul3A_2] : memref<200x4096xi32, #tpu.memory_space<hbm>> -> memref<1x128xi32, #tpu.memory_space<hbm>>
    %dma_start3A_26 = tpu.memref_squeeze %dma_start3A_25 : memref<1x128xi32, #tpu.memory_space<hbm>> -> memref<128xi32, #tpu.memory_space<hbm>>
    %dma_start3A_27 = arith.constant 0 : i32
    %dma_start3A_28 = tpu.memref_slice %arg9[%dma_start3A_21, %dma_start3A_27] : memref<2x128xi32, #tpu.memory_space<vmem>> -> memref<1x128xi32, #tpu.memory_space<vmem>>
    %dma_start3A_29 = tpu.memref_squeeze %dma_start3A_28 : memref<1x128xi32, #tpu.memory_space<vmem>> -> memref<128xi32, #tpu.memory_space<vmem>>
    %dma_start3A_30 = tpu.memref_slice %arg2[%dma_start3A_20, %mul3A_2] : memref<200x4096xi32, #tpu.memory_space<hbm>> -> memref<1x128xi32, #tpu.memory_space<hbm>>
    %dma_start3A_31 = tpu.memref_squeeze %dma_start3A_30 : memref<1x128xi32, #tpu.memory_space<hbm>> -> memref<128xi32, #tpu.memory_space<hbm>>
    tpu.enqueue_dma source(%dma_start3A_31 : memref<128xi32, #tpu.memory_space<hbm>>) target(%dma_start3A_29 : memref<128xi32, #tpu.memory_space<vmem>>) target_semaphore(%arg21 : memref<!tpu.dma_semaphore, #tpu.memory_space<semaphore_mem>>)
    %get3A = arith.constant 0 : index
    %get3A_32 = tpu.vector_load %arg16[%get3A] {strides = array<i32>} : memref<64xf32, #tpu.memory_space<vmem>>, vector<16xf32>,
    %get3A_33 = arith.constant 16 : index
    %get3A_34 = tpu.vector_load %arg16[%get3A_33] {strides = array<i32>} : memref<64xf32, #tpu.memory_space<vmem>>, vector<16xf32>,
    %get3A_35 = arith.constant 32 : index
    %get3A_36 = tpu.vector_load %arg16[%get3A_35] {strides = array<i32>} : memref<64xf32, #tpu.memory_space<vmem>>, vector<16xf32>,
    %get3A_37 = arith.constant 48 : index
    %get3A_38 = tpu.vector_load %arg16[%get3A_37] {strides = array<i32>} : memref<64xf32, #tpu.memory_space<vmem>>, vector<16xf32>,
    %get3A_39 = arith.constant 0 : index
    %get3A_40 = tpu.vector_load %arg17[%get3A_39] {strides = array<i32>} : memref<64xf32, #tpu.memory_space<vmem>>, vector<16xf32>,
    %get3A_41 = arith.constant 16 : index
    %get3A_42 = tpu.vector_load %arg17[%get3A_41] {strides = array<i32>} : memref<64xf32, #tpu.memory_space<vmem>>, vector<16xf32>,
    %get3A_43 = arith.constant 32 : index
    %get3A_44 = tpu.vector_load %arg17[%get3A_43] {strides = array<i32>} : memref<64xf32, #tpu.memory_space<vmem>>, vector<16xf32>,
    %get3A_45 = arith.constant 48 : index
    %get3A_46 = tpu.vector_load %arg17[%get3A_45] {strides = array<i32>} : memref<64xf32, #tpu.memory_space<vmem>>, vector<16xf32>,
    %scan3A_47 = arith.constant 0 : i32
    %scan3A_48 = arith.constant 100 : i32
    %scan3A_49 = arith.addi %scan3A_47, %scan3A_48 : i32
    %scan3A_50 = arith.constant 1 : i32
    %scan3A_51:8 = scf.for %scan3A_74 = %scan3A_47 to %scan3A_49 step %scan3A_50 iter_args(%scan3A_75 = %get3A_32, %scan3A_76 = %get3A_34, %scan3A_77 = %get3A_36, %scan3A_78 = %get3A_38, %scan3A_79 = %get3A_40, %scan3A_80 = %get3A_42, %scan3A_81 = %get3A_44, %scan3A_82 = %get3A_46) -> (vector<16xf32>, vector<16xf32>, vector<16xf32>, vector<16xf32>, vector<16xf32>, vector<16xf32>, vector<16xf32>, vector<16xf32>)  : i32 {
      %mul3A_83 = arith.constant 2 : i32
      %mul3A_84 = arith.muli %mul3A_83, %scan3A_74 : i32
      %add3A_85 = arith.constant 0 : i32
      %add3A_86 = arith.addi %mul3A_84, %add3A_85 : i32
      %dma_wait3A_87 = arith.constant 0 : i32
      %dma_wait3A_88 = arith.constant 0 : i32
      %dma_wait3A_89 = arith.constant 0 : i32
      %dma_wait3A_90 = arith.constant 0 : i32
      %dma_wait3A_91 = tpu.memref_slice %arg10[%dma_wait3A_88, %dma_wait3A_89, %dma_wait3A_90] : memref<2x128x64xf32, #tpu.memory_space<vmem>> -> memref<1x128x64xf32, #tpu.memory_space<vmem>>
      %dma_wait3A_92 = tpu.memref_squeeze %dma_wait3A_91 : memref<1x128x64xf32, #tpu.memory_space<vmem>> -> memref<128x64xf32, #tpu.memory_space<vmem>>
      %dma_wait3A_93 = arith.constant 0 : i32
      %dma_wait3A_94 = tpu.memref_slice %arg9[%dma_wait3A_87, %dma_wait3A_93] : memref<2x128xi32, #tpu.memory_space<vmem>> -> memref<1x128xi32, #tpu.memory_space<vmem>>
      %dma_wait3A_95 = tpu.memref_squeeze %dma_wait3A_94 : memref<1x128xi32, #tpu.memory_space<vmem>> -> memref<128xi32, #tpu.memory_space<vmem>>
      %dma_wait3A_96 = arith.constant 0 : i32
      %dma_wait3A_97 = arith.constant 0 : i32
      %dma_wait3A_98 = tpu.memref_slice %arg3[%dma_wait3A_96, %dma_wait3A_97] : memref<100000x64xf32, #tpu.memory_space<hbm>> -> memref<100000x64xf32, #tpu.memory_space<hbm>>
      tpu.wait_indirect_dma semaphore(%arg18 : memref<!tpu.dma_semaphore, #tpu.memory_space<semaphore_mem>>) src(%dma_wait3A_98 : memref<100000x64xf32, #tpu.memory_space<hbm>>) dst(%dma_wait3A_92 : memref<128x64xf32, #tpu.memory_space<vmem>>)
      %add3A_99 = arith.constant 1 : i32
      %add3A_100 = arith.addi %add3A_86, %add3A_99 : i32
      %lt3A = arith.constant 200 : i32
      %lt3A_101 = arith.cmpi slt, %add3A_100, %lt3A : i32
      %convert_element_type3A = arith.extui %lt3A_101 : i1 to i32
      %cond3A = arith.constant 0 : i32
      %cond3A_102 = arith.cmpi ne, %convert_element_type3A, %cond3A : i32
      scf.if %cond3A_102 {
        %add3A_208 = arith.constant 1 : i32
        %add3A_209 = arith.addi %add3A_86, %add3A_208 : i32
        %dma_wait3A_210 = arith.constant 1 : i32
        %dma_wait3A_211 = arith.constant 0 : i32
        %dma_wait3A_212 = tpu.memref_slice %arg9[%dma_wait3A_210, %dma_wait3A_211] : memref<2x128xi32, #tpu.memory_space<vmem>> -> memref<1x128xi32, #tpu.memory_space<vmem>>
        %dma_wait3A_213 = tpu.memref_squeeze %dma_wait3A_212 : memref<1x128xi32, #tpu.memory_space<vmem>> -> memref<128xi32, #tpu.memory_space<vmem>>
        %dma_wait3A_214 = tpu.memref_slice %arg2[%add3A_209, %mul3A_2] : memref<200x4096xi32, #tpu.memory_space<hbm>> -> memref<1x128xi32, #tpu.memory_space<hbm>>
        %dma_wait3A_215 = tpu.memref_squeeze %dma_wait3A_214 : memref<1x128xi32, #tpu.memory_space<hbm>> -> memref<128xi32, #tpu.memory_space<hbm>>
        %dma_wait3A_216 = arith.constant 0 : i32
        %dma_wait3A_217 = tpu.memref_slice %arg9[%dma_wait3A_210, %dma_wait3A_216] : memref<2x128xi32, #tpu.memory_space<vmem>> -> memref<1x128xi32, #tpu.memory_space<vmem>>
        %dma_wait3A_218 = tpu.memref_squeeze %dma_wait3A_217 : memref<1x128xi32, #tpu.memory_space<vmem>> -> memref<128xi32, #tpu.memory_space<vmem>>
        %dma_wait3A_219 = tpu.memref_slice %arg2[%add3A_209, %mul3A_2] : memref<200x4096xi32, #tpu.memory_space<hbm>> -> memref<1x128xi32, #tpu.memory_space<hbm>>
        %dma_wait3A_220 = tpu.memref_squeeze %dma_wait3A_219 : memref<1x128xi32, #tpu.memory_space<hbm>> -> memref<128xi32, #tpu.memory_space<hbm>>
        tpu.wait_dma2 semaphore(%arg21 : memref<!tpu.dma_semaphore, #tpu.memory_space<semaphore_mem>>) src(%dma_wait3A_220 : memref<128xi32, #tpu.memory_space<hbm>>) dst(%dma_wait3A_218 : memref<128xi32, #tpu.memory_space<vmem>>)
        %dma_start3A_221 = arith.constant 1 : i32
        %dma_start3A_222 = arith.constant 1 : i32
        %dma_start3A_223 = arith.constant 0 : i32
        %dma_start3A_224 = arith.constant 0 : i32
        %dma_start3A_225 = tpu.memref_slice %arg10[%dma_start3A_222, %dma_start3A_223, %dma_start3A_224] : memref<2x128x64xf32, #tpu.memory_space<vmem>> -> memref<1x128x64xf32, #tpu.memory_space<vmem>>
        %dma_start3A_226 = tpu.memref_squeeze %dma_start3A_225 : memref<1x128x64xf32, #tpu.memory_space<vmem>> -> memref<128x64xf32, #tpu.memory_space<vmem>>
        %dma_start3A_227 = arith.constant 0 : i32
        %dma_start3A_228 = tpu.memref_slice %arg9[%dma_start3A_221, %dma_start3A_227] : memref<2x128xi32, #tpu.memory_space<vmem>> -> memref<1x128xi32, #tpu.memory_space<vmem>>
        %dma_start3A_229 = tpu.memref_squeeze %dma_start3A_228 : memref<1x128xi32, #tpu.memory_space<vmem>> -> memref<128xi32, #tpu.memory_space<vmem>>
        %dma_start3A_230 = arith.constant 0 : i32
        %dma_start3A_231 = arith.constant 0 : i32
        %dma_start3A_232 = tpu.memref_slice %arg3[%dma_start3A_230, %dma_start3A_231] : memref<100000x64xf32, #tpu.memory_space<hbm>> -> memref<100000x64xf32, #tpu.memory_space<hbm>>
        tpu.enqueue_indirect_dma source(%dma_start3A_232 : memref<100000x64xf32, #tpu.memory_space<hbm>>) target(%dma_start3A_226 : memref<128x64xf32, #tpu.memory_space<vmem>>) offsets(%dma_start3A_229 : memref<128xi32, #tpu.memory_space<vmem>>) semaphore(%arg19 : memref<!tpu.dma_semaphore, #tpu.memory_space<semaphore_mem>>)
      } else {
      }
      %add3A_103 = arith.constant 2 : i32
      %add3A_104 = arith.addi %add3A_86, %add3A_103 : i32
      %lt3A_105 = arith.constant 200 : i32
      %lt3A_106 = arith.cmpi slt, %add3A_104, %lt3A_105 : i32
      %convert_element_type3A_107 = arith.extui %lt3A_106 : i1 to i32
      %cond3A_108 = arith.constant 0 : i32
      %cond3A_109 = arith.cmpi ne, %convert_element_type3A_107, %cond3A_108 : i32
      scf.if %cond3A_109 {
        %add3A_208 = arith.constant 2 : i32
        %add3A_209 = arith.addi %add3A_86, %add3A_208 : i32
        %dma_start3A_210 = arith.constant 0 : i32
        %dma_start3A_211 = arith.constant 0 : i32
        %dma_start3A_212 = tpu.memref_slice %arg9[%dma_start3A_210, %dma_start3A_211] : memref<2x128xi32, #tpu.memory_space<vmem>> -> memref<1x128xi32, #tpu.memory_space<vmem>>
        %dma_start3A_213 = tpu.memref_squeeze %dma_start3A_212 : memref<1x128xi32, #tpu.memory_space<vmem>> -> memref<128xi32, #tpu.memory_space<vmem>>
        %dma_start3A_214 = tpu.memref_slice %arg2[%add3A_209, %mul3A_2] : memref<200x4096xi32, #tpu.memory_space<hbm>> -> memref<1x128xi32, #tpu.memory_space<hbm>>
        %dma_start3A_215 = tpu.memref_squeeze %dma_start3A_214 : memref<1x128xi32, #tpu.memory_space<hbm>> -> memref<128xi32, #tpu.memory_space<hbm>>
        %dma_start3A_216 = arith.constant 0 : i32
        %dma_start3A_217 = tpu.memref_slice %arg9[%dma_start3A_210, %dma_start3A_216] : memref<2x128xi32, #tpu.memory_space<vmem>> -> memref<1x128xi32, #tpu.memory_space<vmem>>
        %dma_start3A_218 = tpu.memref_squeeze %dma_start3A_217 : memref<1x128xi32, #tpu.memory_space<vmem>> -> memref<128xi32, #tpu.memory_space<vmem>>
        %dma_start3A_219 = tpu.memref_slice %arg2[%add3A_209, %mul3A_2] : memref<200x4096xi32, #tpu.memory_space<hbm>> -> memref<1x128xi32, #tpu.memory_space<hbm>>
        %dma_start3A_220 = tpu.memref_squeeze %dma_start3A_219 : memref<1x128xi32, #tpu.memory_space<hbm>> -> memref<128xi32, #tpu.memory_space<hbm>>
        tpu.enqueue_dma source(%dma_start3A_220 : memref<128xi32, #tpu.memory_space<hbm>>) target(%dma_start3A_218 : memref<128xi32, #tpu.memory_space<vmem>>) target_semaphore(%arg20 : memref<!tpu.dma_semaphore, #tpu.memory_space<semaphore_mem>>)
      } else {
      }
      %ge3A = arith.constant 2 : i32
      %ge3A_110 = arith.cmpi sge, %add3A_86, %ge3A : i32
      %convert_element_type3A_111 = arith.extui %ge3A_110 : i1 to i32
      %cond3A_112 = arith.constant 0 : i32
      %cond3A_113 = arith.cmpi ne, %convert_element_type3A_111, %cond3A_112 : i32
      scf.if %cond3A_113 {
        %sub3A = arith.constant 2 : i32
        %sub3A_208 = arith.subi %add3A_86, %sub3A : i32
        %dma_wait3A_209 = arith.constant 0 : i32
        %dma_wait3A_210 = arith.constant 0 : i32
        %dma_wait3A_211 = arith.constant 0 : i32
        %dma_wait3A_212 = tpu.memref_slice %arg8[%sub3A_208, %dma_wait3A_209, %add3A, %dma_wait3A_210, %dma_wait3A_211] : memref<200x8x32x8x128xf32, #tpu.memory_space<hbm>> -> memref<1x8x1x8x128xf32, #tpu.memory_space<hbm>>
        %dma_wait3A_213 = tpu.memref_squeeze %dma_wait3A_212 : memref<1x8x1x8x128xf32, #tpu.memory_space<hbm>> -> memref<8x1x8x128xf32, #tpu.memory_space<hbm>>
        %dma_wait3A_214 = arith.constant 0 : i32
        %dma_wait3A_215 = arith.constant 0 : i32
        %dma_wait3A_216 = arith.constant 0 : i32
        %dma_wait3A_217 = tpu.memref_slice %arg8[%sub3A_208, %dma_wait3A_214, %add3A, %dma_wait3A_215, %dma_wait3A_216] : memref<200x8x32x8x128xf32, #tpu.memory_space<hbm>> -> memref<1x8x1x8x128xf32, #tpu.memory_space<hbm>>
        %dma_wait3A_218 = tpu.memref_squeeze %dma_wait3A_217 : memref<1x8x1x8x128xf32, #tpu.memory_space<hbm>> -> memref<8x1x8x128xf32, #tpu.memory_space<hbm>>
        tpu.wait_dma2 semaphore(%arg22 : memref<!tpu.dma_semaphore, #tpu.memory_space<semaphore_mem>>) src(%arg11 : memref<8x1x8x128xf32, #tpu.memory_space<vmem>>) dst(%dma_wait3A_218 : memref<8x1x8x128xf32, #tpu.memory_space<hbm>>)
      } else {
      }
      %get3A_114 = arith.index_cast %add3A_86 : i32 to index
      %get3A_115 = arith.constant 0 : index
      %get3A_116 = tpu.vector_load %arg13[%get3A_114, %get3A_115] {strides = array<i32>} : memref<200x64xf32, #tpu.memory_space<vmem>>, vector<16xf32>,
      %get3A_117 = arith.index_cast %add3A_86 : i32 to index
      %get3A_118 = arith.constant 16 : index
      %get3A_119 = tpu.vector_load %arg13[%get3A_117, %get3A_118] {strides = array<i32>} : memref<200x64xf32, #tpu.memory_space<vmem>>, vector<16xf32>,
      %get3A_120 = arith.index_cast %add3A_86 : i32 to index
      %get3A_121 = arith.constant 32 : index
      %get3A_122 = tpu.vector_load %arg13[%get3A_120, %get3A_121] {strides = array<i32>} : memref<200x64xf32, #tpu.memory_space<vmem>>, vector<16xf32>,
      %get3A_123 = arith.index_cast %add3A_86 : i32 to index
      %get3A_124 = arith.constant 48 : index
      %get3A_125 = tpu.vector_load %arg13[%get3A_123, %get3A_124] {strides = array<i32>} : memref<200x64xf32, #tpu.memory_space<vmem>>, vector<16xf32>,
      %parallel_loop3A = arith.constant 0 : i32
      %parallel_loop3A_126 = arith.constant 128 : i32
      %parallel_loop3A_127 = arith.constant 1 : i32
      %parallel_loop3A_128:8 = scf.for %parallel_loop3A_208 = %parallel_loop3A to %parallel_loop3A_126 step %parallel_loop3A_127 iter_args(%parallel_loop3A_209 = %scan3A_75, %parallel_loop3A_210 = %scan3A_76, %parallel_loop3A_211 = %scan3A_77, %parallel_loop3A_212 = %scan3A_78, %parallel_loop3A_213 = %scan3A_79, %parallel_loop3A_214 = %scan3A_80, %parallel_loop3A_215 = %scan3A_81, %parallel_loop3A_216 = %scan3A_82) -> (vector<16xf32>, vector<16xf32>, vector<16xf32>, vector<16xf32>, vector<16xf32>, vector<16xf32>, vector<16xf32>, vector<16xf32>)  : i32 {
        %parallel_loop3A_217 = arith.constant 0 : i32
        %parallel_loop3A_218 = arith.index_cast %parallel_loop3A_217 : i32 to index
        %parallel_loop3A_219 = arith.index_cast %parallel_loop3A_208 : i32 to index
        %parallel_loop3A_220 = arith.constant 0 : index
        %parallel_loop3A_221 = tpu.vector_load %arg10[%parallel_loop3A_218, %parallel_loop3A_219, %parallel_loop3A_220] {strides = array<i32>} : memref<2x128x64xf32, #tpu.memory_space<vmem>>, vector<16xf32>,
        %parallel_loop3A_222 = arith.addf %parallel_loop3A_221, %get3A_116 : vector<16xf32>
        %parallel_loop3A_223 = arith.constant 0 : i32
        %parallel_loop3A_224 = arith.index_cast %parallel_loop3A_223 : i32 to index
        %parallel_loop3A_225 = arith.index_cast %parallel_loop3A_208 : i32 to index
        %parallel_loop3A_226 = arith.constant 16 : index
        %parallel_loop3A_227 = tpu.vector_load %arg10[%parallel_loop3A_224, %parallel_loop3A_225, %parallel_loop3A_226] {strides = array<i32>} : memref<2x128x64xf32, #tpu.memory_space<vmem>>, vector<16xf32>,
        %parallel_loop3A_228 = arith.addf %parallel_loop3A_227, %get3A_119 : vector<16xf32>
        %parallel_loop3A_229 = arith.constant 0 : i32
        %parallel_loop3A_230 = arith.index_cast %parallel_loop3A_229 : i32 to index
        %parallel_loop3A_231 = arith.index_cast %parallel_loop3A_208 : i32 to index
        %parallel_loop3A_232 = arith.constant 32 : index
        %parallel_loop3A_233 = tpu.vector_load %arg10[%parallel_loop3A_230, %parallel_loop3A_231, %parallel_loop3A_232] {strides = array<i32>} : memref<2x128x64xf32, #tpu.memory_space<vmem>>, vector<16xf32>,
        %parallel_loop3A_234 = arith.addf %parallel_loop3A_233, %get3A_122 : vector<16xf32>
        %parallel_loop3A_235 = arith.constant 0 : i32
        %parallel_loop3A_236 = arith.index_cast %parallel_loop3A_235 : i32 to index
        %parallel_loop3A_237 = arith.index_cast %parallel_loop3A_208 : i32 to index
        %parallel_loop3A_238 = arith.constant 48 : index
        %parallel_loop3A_239 = tpu.vector_load %arg10[%parallel_loop3A_236, %parallel_loop3A_237, %parallel_loop3A_238] {strides = array<i32>} : memref<2x128x64xf32, #tpu.memory_space<vmem>>, vector<16xf32>,
        %parallel_loop3A_240 = arith.addf %parallel_loop3A_239, %get3A_125 : vector<16xf32>
        %parallel_loop3A_241 = arith.addf %parallel_loop3A_222, %parallel_loop3A_228 : vector<16xf32>
        %parallel_loop3A_242 = arith.addf %parallel_loop3A_234, %parallel_loop3A_240 : vector<16xf32>
        %parallel_loop3A_243 = arith.addf %parallel_loop3A_241, %parallel_loop3A_242 : vector<16xf32>
        %parallel_loop3A_244 = arith.mulf %parallel_loop3A_222, %parallel_loop3A_222 : vector<16xf32>
        %parallel_loop3A_245 = arith.mulf %parallel_loop3A_228, %parallel_loop3A_228 : vector<16xf32>
        %parallel_loop3A_246 = arith.addf %parallel_loop3A_244, %parallel_loop3A_245 : vector<16xf32>
        %parallel_loop3A_247 = arith.mulf %parallel_loop3A_234, %parallel_loop3A_234 : vector<16xf32>
        %parallel_loop3A_248 = arith.mulf %parallel_loop3A_240, %parallel_loop3A_240 : vector<16xf32>
        %parallel_loop3A_249 = arith.addf %parallel_loop3A_247, %parallel_loop3A_248 : vector<16xf32>
        %parallel_loop3A_250 = arith.addf %parallel_loop3A_246, %parallel_loop3A_249 : vector<16xf32>
        %parallel_loop3A_251 = tpu.iota {dimensions = array<i32: 0>} : vector<16xi32>
        %parallel_loop3A_252 = arith.constant 1 : i32
        %parallel_loop3A_253 = vector.broadcast %parallel_loop3A_252 : i32 to vector<16xi32>
        %parallel_loop3A_254 = arith.xori %parallel_loop3A_251, %parallel_loop3A_253 : vector<16xi32>
        %parallel_loop3A_255 = vector.shape_cast %parallel_loop3A_254 : vector<16xi32> to vector<16x1xi32>
        %parallel_loop3A_256 = vector.shape_cast %parallel_loop3A_255 : vector<16x1xi32> to vector<16xi32>
        %parallel_loop3A_257 = tpu.dynamic_gather %parallel_loop3A_243[%parallel_loop3A_256] in [0] : vector<16xf32>, vector<16xi32> -> vector<16xf32>
        %parallel_loop3A_258 = arith.addf %parallel_loop3A_243, %parallel_loop3A_257 : vector<16xf32>
        %parallel_loop3A_259 = tpu.iota {dimensions = array<i32: 0>} : vector<16xi32>
        %parallel_loop3A_260 = arith.constant 1 : i32
        %parallel_loop3A_261 = vector.broadcast %parallel_loop3A_260 : i32 to vector<16xi32>
        %parallel_loop3A_262 = arith.xori %parallel_loop3A_259, %parallel_loop3A_261 : vector<16xi32>
        %parallel_loop3A_263 = vector.shape_cast %parallel_loop3A_262 : vector<16xi32> to vector<16x1xi32>
        %parallel_loop3A_264 = vector.shape_cast %parallel_loop3A_263 : vector<16x1xi32> to vector<16xi32>
        %parallel_loop3A_265 = tpu.dynamic_gather %parallel_loop3A_250[%parallel_loop3A_264] in [0] : vector<16xf32>, vector<16xi32> -> vector<16xf32>
        %parallel_loop3A_266 = arith.addf %parallel_loop3A_250, %parallel_loop3A_265 : vector<16xf32>
        %parallel_loop3A_267 = tpu.iota {dimensions = array<i32: 0>} : vector<16xi32>
        %parallel_loop3A_268 = arith.constant 2 : i32
        %parallel_loop3A_269 = vector.broadcast %parallel_loop3A_268 : i32 to vector<16xi32>
        %parallel_loop3A_270 = arith.xori %parallel_loop3A_267, %parallel_loop3A_269 : vector<16xi32>
        %parallel_loop3A_271 = vector.shape_cast %parallel_loop3A_270 : vector<16xi32> to vector<16x1xi32>
        %parallel_loop3A_272 = vector.shape_cast %parallel_loop3A_271 : vector<16x1xi32> to vector<16xi32>
        %parallel_loop3A_273 = tpu.dynamic_gather %parallel_loop3A_258[%parallel_loop3A_272] in [0] : vector<16xf32>, vector<16xi32> -> vector<16xf32>
        %parallel_loop3A_274 = arith.addf %parallel_loop3A_258, %parallel_loop3A_273 : vector<16xf32>
        %parallel_loop3A_275 = tpu.iota {dimensions = array<i32: 0>} : vector<16xi32>
        %parallel_loop3A_276 = arith.constant 2 : i32
        %parallel_loop3A_277 = vector.broadcast %parallel_loop3A_276 : i32 to vector<16xi32>
        %parallel_loop3A_278 = arith.xori %parallel_loop3A_275, %parallel_loop3A_277 : vector<16xi32>
        %parallel_loop3A_279 = vector.shape_cast %parallel_loop3A_278 : vector<16xi32> to vector<16x1xi32>
        %parallel_loop3A_280 = vector.shape_cast %parallel_loop3A_279 : vector<16x1xi32> to vector<16xi32>
        %parallel_loop3A_281 = tpu.dynamic_gather %parallel_loop3A_266[%parallel_loop3A_280] in [0] : vector<16xf32>, vector<16xi32> -> vector<16xf32>
        %parallel_loop3A_282 = arith.addf %parallel_loop3A_266, %parallel_loop3A_281 : vector<16xf32>
        %parallel_loop3A_283 = tpu.iota {dimensions = array<i32: 0>} : vector<16xi32>
        %parallel_loop3A_284 = arith.constant 4 : i32
        %parallel_loop3A_285 = vector.broadcast %parallel_loop3A_284 : i32 to vector<16xi32>
        %parallel_loop3A_286 = arith.xori %parallel_loop3A_283, %parallel_loop3A_285 : vector<16xi32>
        %parallel_loop3A_287 = vector.shape_cast %parallel_loop3A_286 : vector<16xi32> to vector<16x1xi32>
        %parallel_loop3A_288 = vector.shape_cast %parallel_loop3A_287 : vector<16x1xi32> to vector<16xi32>
        %parallel_loop3A_289 = tpu.dynamic_gather %parallel_loop3A_274[%parallel_loop3A_288] in [0] : vector<16xf32>, vector<16xi32> -> vector<16xf32>
        %parallel_loop3A_290 = arith.addf %parallel_loop3A_274, %parallel_loop3A_289 : vector<16xf32>
        %parallel_loop3A_291 = tpu.iota {dimensions = array<i32: 0>} : vector<16xi32>
        %parallel_loop3A_292 = arith.constant 4 : i32
        %parallel_loop3A_293 = vector.broadcast %parallel_loop3A_292 : i32 to vector<16xi32>
        %parallel_loop3A_294 = arith.xori %parallel_loop3A_291, %parallel_loop3A_293 : vector<16xi32>
        %parallel_loop3A_295 = vector.shape_cast %parallel_loop3A_294 : vector<16xi32> to vector<16x1xi32>
        %parallel_loop3A_296 = vector.shape_cast %parallel_loop3A_295 : vector<16x1xi32> to vector<16xi32>
        %parallel_loop3A_297 = tpu.dynamic_gather %parallel_loop3A_282[%parallel_loop3A_296] in [0] : vector<16xf32>, vector<16xi32> -> vector<16xf32>
        %parallel_loop3A_298 = arith.addf %parallel_loop3A_282, %parallel_loop3A_297 : vector<16xf32>
        %parallel_loop3A_299 = tpu.iota {dimensions = array<i32: 0>} : vector<16xi32>
        %parallel_loop3A_300 = arith.constant 8 : i32
        %parallel_loop3A_301 = vector.broadcast %parallel_loop3A_300 : i32 to vector<16xi32>
        %parallel_loop3A_302 = arith.xori %parallel_loop3A_299, %parallel_loop3A_301 : vector<16xi32>
        %parallel_loop3A_303 = vector.shape_cast %parallel_loop3A_302 : vector<16xi32> to vector<16x1xi32>
        %parallel_loop3A_304 = vector.shape_cast %parallel_loop3A_303 : vector<16x1xi32> to vector<16xi32>
        %parallel_loop3A_305 = tpu.dynamic_gather %parallel_loop3A_290[%parallel_loop3A_304] in [0] : vector<16xf32>, vector<16xi32> -> vector<16xf32>
        %parallel_loop3A_306 = arith.addf %parallel_loop3A_290, %parallel_loop3A_305 : vector<16xf32>
        %parallel_loop3A_307 = tpu.iota {dimensions = array<i32: 0>} : vector<16xi32>
        %parallel_loop3A_308 = arith.constant 8 : i32
        %parallel_loop3A_309 = vector.broadcast %parallel_loop3A_308 : i32 to vector<16xi32>
        %parallel_loop3A_310 = arith.xori %parallel_loop3A_307, %parallel_loop3A_309 : vector<16xi32>
        %parallel_loop3A_311 = vector.shape_cast %parallel_loop3A_310 : vector<16xi32> to vector<16x1xi32>
        %parallel_loop3A_312 = vector.shape_cast %parallel_loop3A_311 : vector<16x1xi32> to vector<16xi32>
        %parallel_loop3A_313 = tpu.dynamic_gather %parallel_loop3A_298[%parallel_loop3A_312] in [0] : vector<16xf32>, vector<16xi32> -> vector<16xf32>
        %parallel_loop3A_314 = arith.addf %parallel_loop3A_298, %parallel_loop3A_313 : vector<16xf32>
        %parallel_loop3A_315 = arith.constant 1.562500e-02 : f32
        %parallel_loop3A_316 = vector.broadcast %parallel_loop3A_315 : f32 to vector<16xf32>
        %parallel_loop3A_317 = arith.mulf %parallel_loop3A_306, %parallel_loop3A_316 : vector<16xf32>
        %parallel_loop3A_318 = arith.constant 1.562500e-02 : f32
        %parallel_loop3A_319 = vector.broadcast %parallel_loop3A_318 : f32 to vector<16xf32>
        %parallel_loop3A_320 = arith.mulf %parallel_loop3A_314, %parallel_loop3A_319 : vector<16xf32>
        %parallel_loop3A_321 = arith.mulf %parallel_loop3A_317, %parallel_loop3A_317 : vector<16xf32>
        %parallel_loop3A_322 = arith.subf %parallel_loop3A_320, %parallel_loop3A_321 : vector<16xf32>
        %parallel_loop3A_323 = arith.constant 9.99999974E-6 : f32
        %parallel_loop3A_324 = vector.broadcast %parallel_loop3A_323 : f32 to vector<16xf32>
        %parallel_loop3A_325 = arith.addf %parallel_loop3A_322, %parallel_loop3A_324 : vector<16xf32>
        %parallel_loop3A_326 = tpu.bitcast %parallel_loop3A_325 : vector<16xf32> -> vector<16xi32>
        %parallel_loop3A_327 = arith.constant 1 : i32
        %parallel_loop3A_328 = vector.broadcast %parallel_loop3A_327 : i32 to vector<16xi32>
        %parallel_loop3A_329 = arith.shrsi %parallel_loop3A_326, %parallel_loop3A_328 : vector<16xi32>
        %parallel_loop3A_330 = arith.constant 1597463007 : i32
        %parallel_loop3A_331 = vector.broadcast %parallel_loop3A_330 : i32 to vector<16xi32>
        %parallel_loop3A_332 = arith.subi %parallel_loop3A_331, %parallel_loop3A_329 : vector<16xi32>
        %parallel_loop3A_333 = tpu.bitcast %parallel_loop3A_332 : vector<16xi32> -> vector<16xf32>
        %parallel_loop3A_334 = arith.constant 5.000000e-01 : f32
        %parallel_loop3A_335 = vector.broadcast %parallel_loop3A_334 : f32 to vector<16xf32>
        %parallel_loop3A_336 = arith.mulf %parallel_loop3A_335, %parallel_loop3A_325 : vector<16xf32>
        %parallel_loop3A_337 = arith.mulf %parallel_loop3A_336, %parallel_loop3A_333 : vector<16xf32>
        %parallel_loop3A_338 = arith.mulf %parallel_loop3A_337, %parallel_loop3A_333 : vector<16xf32>
        %parallel_loop3A_339 = arith.constant 1.500000e+00 : f32
        %parallel_loop3A_340 = vector.broadcast %parallel_loop3A_339 : f32 to vector<16xf32>
        %parallel_loop3A_341 = arith.subf %parallel_loop3A_340, %parallel_loop3A_338 : vector<16xf32>
        %parallel_loop3A_342 = arith.mulf %parallel_loop3A_333, %parallel_loop3A_341 : vector<16xf32>
        %parallel_loop3A_343 = arith.constant 5.000000e-01 : f32
        %parallel_loop3A_344 = vector.broadcast %parallel_loop3A_343 : f32 to vector<16xf32>
        %parallel_loop3A_345 = arith.mulf %parallel_loop3A_344, %parallel_loop3A_325 : vector<16xf32>
        %parallel_loop3A_346 = arith.mulf %parallel_loop3A_345, %parallel_loop3A_342 : vector<16xf32>
        %parallel_loop3A_347 = arith.mulf %parallel_loop3A_346, %parallel_loop3A_342 : vector<16xf32>
        %parallel_loop3A_348 = arith.constant 1.500000e+00 : f32
        %parallel_loop3A_349 = vector.broadcast %parallel_loop3A_348 : f32 to vector<16xf32>
        %parallel_loop3A_350 = arith.subf %parallel_loop3A_349, %parallel_loop3A_347 : vector<16xf32>
        %parallel_loop3A_351 = arith.mulf %parallel_loop3A_342, %parallel_loop3A_350 : vector<16xf32>
        %parallel_loop3A_352 = arith.subf %parallel_loop3A_222, %parallel_loop3A_317 : vector<16xf32>
        %parallel_loop3A_353 = arith.mulf %parallel_loop3A_351, %parallel_loop3A_209 : vector<16xf32>
        %parallel_loop3A_354 = arith.mulf %parallel_loop3A_352, %parallel_loop3A_353 : vector<16xf32>
        %parallel_loop3A_355 = arith.addf %parallel_loop3A_354, %parallel_loop3A_213 : vector<16xf32>
        %parallel_loop3A_356 = arith.constant 0 : i32
        %parallel_loop3A_357 = arith.index_cast %parallel_loop3A_356 : i32 to index
        %parallel_loop3A_358 = arith.index_cast %parallel_loop3A_208 : i32 to index
        %parallel_loop3A_359 = arith.constant 0 : index
        %parallel_loop3A_360 = tpu.vector_load %arg10[%parallel_loop3A_357, %parallel_loop3A_358, %parallel_loop3A_359] {strides = array<i32>} : memref<2x128x64xf32, #tpu.memory_space<vmem>>, vector<16xf32>,
        tpu.vector_store %arg10[%parallel_loop3A_357, %parallel_loop3A_358, %parallel_loop3A_359], %parallel_loop3A_355 {strides = array<i32>} : memref<2x128x64xf32, #tpu.memory_space<vmem>>, vector<16xf32>,
        %parallel_loop3A_361 = arith.subf %parallel_loop3A_228, %parallel_loop3A_317 : vector<16xf32>
        %parallel_loop3A_362 = arith.mulf %parallel_loop3A_351, %parallel_loop3A_210 : vector<16xf32>
        %parallel_loop3A_363 = arith.mulf %parallel_loop3A_361, %parallel_loop3A_362 : vector<16xf32>
        %parallel_loop3A_364 = arith.addf %parallel_loop3A_363, %parallel_loop3A_214 : vector<16xf32>
        %parallel_loop3A_365 = arith.constant 0 : i32
        %parallel_loop3A_366 = arith.index_cast %parallel_loop3A_365 : i32 to index
        %parallel_loop3A_367 = arith.index_cast %parallel_loop3A_208 : i32 to index
        %parallel_loop3A_368 = arith.constant 16 : index
        %parallel_loop3A_369 = tpu.vector_load %arg10[%parallel_loop3A_366, %parallel_loop3A_367, %parallel_loop3A_368] {strides = array<i32>} : memref<2x128x64xf32, #tpu.memory_space<vmem>>, vector<16xf32>,
        tpu.vector_store %arg10[%parallel_loop3A_366, %parallel_loop3A_367, %parallel_loop3A_368], %parallel_loop3A_364 {strides = array<i32>} : memref<2x128x64xf32, #tpu.memory_space<vmem>>, vector<16xf32>,
        %parallel_loop3A_370 = arith.subf %parallel_loop3A_234, %parallel_loop3A_317 : vector<16xf32>
        %parallel_loop3A_371 = arith.mulf %parallel_loop3A_351, %parallel_loop3A_211 : vector<16xf32>
        %parallel_loop3A_372 = arith.mulf %parallel_loop3A_370, %parallel_loop3A_371 : vector<16xf32>
        %parallel_loop3A_373 = arith.addf %parallel_loop3A_372, %parallel_loop3A_215 : vector<16xf32>
        %parallel_loop3A_374 = arith.constant 0 : i32
        %parallel_loop3A_375 = arith.index_cast %parallel_loop3A_374 : i32 to index
        %parallel_loop3A_376 = arith.index_cast %parallel_loop3A_208 : i32 to index
        %parallel_loop3A_377 = arith.constant 32 : index
        %parallel_loop3A_378 = tpu.vector_load %arg10[%parallel_loop3A_375, %parallel_loop3A_376, %parallel_loop3A_377] {strides = array<i32>} : memref<2x128x64xf32, #tpu.memory_space<vmem>>, vector<16xf32>,
        tpu.vector_store %arg10[%parallel_loop3A_375, %parallel_loop3A_376, %parallel_loop3A_377], %parallel_loop3A_373 {strides = array<i32>} : memref<2x128x64xf32, #tpu.memory_space<vmem>>, vector<16xf32>,
        %parallel_loop3A_379 = arith.subf %parallel_loop3A_240, %parallel_loop3A_317 : vector<16xf32>
        %parallel_loop3A_380 = arith.mulf %parallel_loop3A_351, %parallel_loop3A_212 : vector<16xf32>
        %parallel_loop3A_381 = arith.mulf %parallel_loop3A_379, %parallel_loop3A_380 : vector<16xf32>
        %parallel_loop3A_382 = arith.addf %parallel_loop3A_381, %parallel_loop3A_216 : vector<16xf32>
        %parallel_loop3A_383 = arith.constant 0 : i32
        %parallel_loop3A_384 = arith.index_cast %parallel_loop3A_383 : i32 to index
        %parallel_loop3A_385 = arith.index_cast %parallel_loop3A_208 : i32 to index
        %parallel_loop3A_386 = arith.constant 48 : index
        %parallel_loop3A_387 = tpu.vector_load %arg10[%parallel_loop3A_384, %parallel_loop3A_385, %parallel_loop3A_386] {strides = array<i32>} : memref<2x128x64xf32, #tpu.memory_space<vmem>>, vector<16xf32>,
        tpu.vector_store %arg10[%parallel_loop3A_384, %parallel_loop3A_385, %parallel_loop3A_386], %parallel_loop3A_382 {strides = array<i32>} : memref<2x128x64xf32, #tpu.memory_space<vmem>>, vector<16xf32>,
        scf.yield %parallel_loop3A_209, %parallel_loop3A_210, %parallel_loop3A_211, %parallel_loop3A_212, %parallel_loop3A_213, %parallel_loop3A_214, %parallel_loop3A_215, %parallel_loop3A_216 : vector<16xf32>, vector<16xf32>, vector<16xf32>, vector<16xf32>, vector<16xf32>, vector<16xf32>, vector<16xf32>, vector<16xf32>
      } {sc.loop_unroll_factor = 4 : i64, sc.parallel_access}
      %parallel_loop3A_129 = arith.constant 0 : i32
      %parallel_loop3A_130 = arith.constant 64 : i32
      %parallel_loop3A_131 = arith.constant 1 : i32
      %parallel_loop3A_132:8 = scf.for %parallel_loop3A_208 = %parallel_loop3A_129 to %parallel_loop3A_130 step %parallel_loop3A_131 iter_args(%parallel_loop3A_209 = %parallel_loop3A_128#0, %parallel_loop3A_210 = %parallel_loop3A_128#1, %parallel_loop3A_211 = %parallel_loop3A_128#2, %parallel_loop3A_212 = %parallel_loop3A_128#3, %parallel_loop3A_213 = %parallel_loop3A_128#4, %parallel_loop3A_214 = %parallel_loop3A_128#5, %parallel_loop3A_215 = %parallel_loop3A_128#6, %parallel_loop3A_216 = %parallel_loop3A_128#7) -> (vector<16xf32>, vector<16xf32>, vector<16xf32>, vector<16xf32>, vector<16xf32>, vector<16xf32>, vector<16xf32>, vector<16xf32>)  : i32 {
        %parallel_loop3A_217 = vector.broadcast %parallel_loop3A_208 : i32 to vector<16xi32>
        %parallel_loop3A_218 = arith.constant 0 : i32
        %parallel_loop3A_219 = vector.broadcast %parallel_loop3A_218 : i32 to vector<16xi32>
        %parallel_loop3A_220 = arith.addi %iota3A, %parallel_loop3A_219 : vector<16xi32>
        %parallel_loop3A_221 = arith.constant 0 : i32
        %parallel_loop3A_222 = arith.constant 0 : i32
        %parallel_loop3A_223 = arith.constant 0 : i32
        %parallel_loop3A_224 = tpu.memref_slice %arg10[%parallel_loop3A_221, %parallel_loop3A_222, %parallel_loop3A_223] : memref<2x128x64xf32, #tpu.memory_space<vmem>> -> memref<1x128x64xf32, #tpu.memory_space<vmem>>
        %parallel_loop3A_225 = tpu.memref_squeeze %parallel_loop3A_224 : memref<1x128x64xf32, #tpu.memory_space<vmem>> -> memref<128x64xf32, #tpu.memory_space<vmem>>
        %parallel_loop3A_226 = tpu.vector_load_idx %parallel_loop3A_225[%parallel_loop3A_220, %parallel_loop3A_217] : memref<128x64xf32, #tpu.memory_space<vmem>>[vector<16xi32>, vector<16xi32>], vector<16xf32>,
        %parallel_loop3A_227 = arith.constant 8 : i32
        %parallel_loop3A_228 = arith.divsi %parallel_loop3A_208, %parallel_loop3A_227 : i32
        %parallel_loop3A_229 = arith.constant 0 : i32
        %parallel_loop3A_230 = arith.cmpi sgt, %parallel_loop3A_208, %parallel_loop3A_229 : i32
        %parallel_loop3A_231 = arith.extui %parallel_loop3A_230 : i1 to i32
        %parallel_loop3A_232 = arith.constant 0 : i32
        %parallel_loop3A_233 = arith.cmpi slt, %parallel_loop3A_208, %parallel_loop3A_232 : i32
        %parallel_loop3A_234 = arith.extui %parallel_loop3A_233 : i1 to i32
        %parallel_loop3A_235 = arith.subi %parallel_loop3A_231, %parallel_loop3A_234 : i32
        %parallel_loop3A_236 = arith.constant 0 : i32
        %parallel_loop3A_237 = arith.cmpi sgt, %parallel_loop3A_227, %parallel_loop3A_236 : i32
        %parallel_loop3A_238 = arith.extui %parallel_loop3A_237 : i1 to i32
        %parallel_loop3A_239 = arith.constant 0 : i32
        %parallel_loop3A_240 = arith.cmpi slt, %parallel_loop3A_227, %parallel_loop3A_239 : i32
        %parallel_loop3A_241 = arith.extui %parallel_loop3A_240 : i1 to i32
        %parallel_loop3A_242 = arith.subi %parallel_loop3A_238, %parallel_loop3A_241 : i32
        %parallel_loop3A_243 = arith.cmpi ne, %parallel_loop3A_235, %parallel_loop3A_242 : i32
        %parallel_loop3A_244 = arith.remsi %parallel_loop3A_208, %parallel_loop3A_227 : i32
        %parallel_loop3A_245 = arith.constant 0 : i32
        %parallel_loop3A_246 = arith.cmpi ne, %parallel_loop3A_244, %parallel_loop3A_245 : i32
        %parallel_loop3A_247 = arith.andi %parallel_loop3A_243, %parallel_loop3A_246 : i1
        %parallel_loop3A_248 = arith.constant 1 : i32
        %parallel_loop3A_249 = arith.subi %parallel_loop3A_228, %parallel_loop3A_248 : i32
        %parallel_loop3A_250 = arith.select %parallel_loop3A_247, %parallel_loop3A_249, %parallel_loop3A_228 : i32
        %parallel_loop3A_251 = arith.constant 8 : i32
        %parallel_loop3A_252 = arith.constant 0 : i32
        %parallel_loop3A_253 = arith.cmpi eq, %parallel_loop3A_251, %parallel_loop3A_252 : i32
        %parallel_loop3A_254 = arith.constant 1 : i32
        %parallel_loop3A_255 = arith.select %parallel_loop3A_253, %parallel_loop3A_254, %parallel_loop3A_251 : i32
        %parallel_loop3A_256 = arith.remsi %parallel_loop3A_208, %parallel_loop3A_255 : i32
        %parallel_loop3A_257 = arith.constant 0 : i32
        %parallel_loop3A_258 = arith.cmpi ne, %parallel_loop3A_256, %parallel_loop3A_257 : i32
        %parallel_loop3A_259 = arith.constant 0 : i32
        %parallel_loop3A_260 = arith.cmpi slt, %parallel_loop3A_256, %parallel_loop3A_259 : i32
        %parallel_loop3A_261 = arith.constant 0 : i32
        %parallel_loop3A_262 = arith.cmpi slt, %parallel_loop3A_255, %parallel_loop3A_261 : i32
        %parallel_loop3A_263 = arith.xori %parallel_loop3A_260, %parallel_loop3A_262 : i1
        %parallel_loop3A_264 = arith.andi %parallel_loop3A_263, %parallel_loop3A_258 : i1
        %parallel_loop3A_265 = arith.addi %parallel_loop3A_256, %parallel_loop3A_255 : i32
        %parallel_loop3A_266 = arith.select %parallel_loop3A_264, %parallel_loop3A_265, %parallel_loop3A_256 : i32
        %parallel_loop3A_267 = arith.constant 0 : i32
        %parallel_loop3A_268 = arith.index_cast %parallel_loop3A_250 : i32 to index
        %parallel_loop3A_269 = arith.index_cast %parallel_loop3A_267 : i32 to index
        %parallel_loop3A_270 = arith.index_cast %parallel_loop3A_266 : i32 to index
        %parallel_loop3A_271 = arith.constant 0 : index
        %parallel_loop3A_272 = tpu.vector_load %arg11[%parallel_loop3A_268, %parallel_loop3A_269, %parallel_loop3A_270, %parallel_loop3A_271] {strides = array<i32>} : memref<8x1x8x128xf32, #tpu.memory_space<vmem>>, vector<16xf32>,
        tpu.vector_store %arg11[%parallel_loop3A_268, %parallel_loop3A_269, %parallel_loop3A_270, %parallel_loop3A_271], %parallel_loop3A_226 {strides = array<i32>} : memref<8x1x8x128xf32, #tpu.memory_space<vmem>>, vector<16xf32>,
        %parallel_loop3A_273 = arith.constant 16 : i32
        %parallel_loop3A_274 = vector.broadcast %parallel_loop3A_273 : i32 to vector<16xi32>
        %parallel_loop3A_275 = arith.addi %iota3A, %parallel_loop3A_274 : vector<16xi32>
        %parallel_loop3A_276 = arith.constant 0 : i32
        %parallel_loop3A_277 = arith.constant 0 : i32
        %parallel_loop3A_278 = arith.constant 0 : i32
        %parallel_loop3A_279 = tpu.memref_slice %arg10[%parallel_loop3A_276, %parallel_loop3A_277, %parallel_loop3A_278] : memref<2x128x64xf32, #tpu.memory_space<vmem>> -> memref<1x128x64xf32, #tpu.memory_space<vmem>>
        %parallel_loop3A_280 = tpu.memref_squeeze %parallel_loop3A_279 : memref<1x128x64xf32, #tpu.memory_space<vmem>> -> memref<128x64xf32, #tpu.memory_space<vmem>>
        %parallel_loop3A_281 = tpu.vector_load_idx %parallel_loop3A_280[%parallel_loop3A_275, %parallel_loop3A_217] : memref<128x64xf32, #tpu.memory_space<vmem>>[vector<16xi32>, vector<16xi32>], vector<16xf32>,
        %parallel_loop3A_282 = arith.constant 8 : i32
        %parallel_loop3A_283 = arith.divsi %parallel_loop3A_208, %parallel_loop3A_282 : i32
        %parallel_loop3A_284 = arith.constant 0 : i32
        %parallel_loop3A_285 = arith.cmpi sgt, %parallel_loop3A_208, %parallel_loop3A_284 : i32
        %parallel_loop3A_286 = arith.extui %parallel_loop3A_285 : i1 to i32
        %parallel_loop3A_287 = arith.constant 0 : i32
        %parallel_loop3A_288 = arith.cmpi slt, %parallel_loop3A_208, %parallel_loop3A_287 : i32
        %parallel_loop3A_289 = arith.extui %parallel_loop3A_288 : i1 to i32
        %parallel_loop3A_290 = arith.subi %parallel_loop3A_286, %parallel_loop3A_289 : i32
        %parallel_loop3A_291 = arith.constant 0 : i32
        %parallel_loop3A_292 = arith.cmpi sgt, %parallel_loop3A_282, %parallel_loop3A_291 : i32
        %parallel_loop3A_293 = arith.extui %parallel_loop3A_292 : i1 to i32
        %parallel_loop3A_294 = arith.constant 0 : i32
        %parallel_loop3A_295 = arith.cmpi slt, %parallel_loop3A_282, %parallel_loop3A_294 : i32
        %parallel_loop3A_296 = arith.extui %parallel_loop3A_295 : i1 to i32
        %parallel_loop3A_297 = arith.subi %parallel_loop3A_293, %parallel_loop3A_296 : i32
        %parallel_loop3A_298 = arith.cmpi ne, %parallel_loop3A_290, %parallel_loop3A_297 : i32
        %parallel_loop3A_299 = arith.remsi %parallel_loop3A_208, %parallel_loop3A_282 : i32
        %parallel_loop3A_300 = arith.constant 0 : i32
        %parallel_loop3A_301 = arith.cmpi ne, %parallel_loop3A_299, %parallel_loop3A_300 : i32
        %parallel_loop3A_302 = arith.andi %parallel_loop3A_298, %parallel_loop3A_301 : i1
        %parallel_loop3A_303 = arith.constant 1 : i32
        %parallel_loop3A_304 = arith.subi %parallel_loop3A_283, %parallel_loop3A_303 : i32
        %parallel_loop3A_305 = arith.select %parallel_loop3A_302, %parallel_loop3A_304, %parallel_loop3A_283 : i32
        %parallel_loop3A_306 = arith.constant 8 : i32
        %parallel_loop3A_307 = arith.constant 0 : i32
        %parallel_loop3A_308 = arith.cmpi eq, %parallel_loop3A_306, %parallel_loop3A_307 : i32
        %parallel_loop3A_309 = arith.constant 1 : i32
        %parallel_loop3A_310 = arith.select %parallel_loop3A_308, %parallel_loop3A_309, %parallel_loop3A_306 : i32
        %parallel_loop3A_311 = arith.remsi %parallel_loop3A_208, %parallel_loop3A_310 : i32
        %parallel_loop3A_312 = arith.constant 0 : i32
        %parallel_loop3A_313 = arith.cmpi ne, %parallel_loop3A_311, %parallel_loop3A_312 : i32
        %parallel_loop3A_314 = arith.constant 0 : i32
        %parallel_loop3A_315 = arith.cmpi slt, %parallel_loop3A_311, %parallel_loop3A_314 : i32
        %parallel_loop3A_316 = arith.constant 0 : i32
        %parallel_loop3A_317 = arith.cmpi slt, %parallel_loop3A_310, %parallel_loop3A_316 : i32
        %parallel_loop3A_318 = arith.xori %parallel_loop3A_315, %parallel_loop3A_317 : i1
        %parallel_loop3A_319 = arith.andi %parallel_loop3A_318, %parallel_loop3A_313 : i1
        %parallel_loop3A_320 = arith.addi %parallel_loop3A_311, %parallel_loop3A_310 : i32
        %parallel_loop3A_321 = arith.select %parallel_loop3A_319, %parallel_loop3A_320, %parallel_loop3A_311 : i32
        %parallel_loop3A_322 = arith.constant 0 : i32
        %parallel_loop3A_323 = arith.index_cast %parallel_loop3A_305 : i32 to index
        %parallel_loop3A_324 = arith.index_cast %parallel_loop3A_322 : i32 to index
        %parallel_loop3A_325 = arith.index_cast %parallel_loop3A_321 : i32 to index
        %parallel_loop3A_326 = arith.constant 16 : index
        %parallel_loop3A_327 = tpu.vector_load %arg11[%parallel_loop3A_323, %parallel_loop3A_324, %parallel_loop3A_325, %parallel_loop3A_326] {strides = array<i32>} : memref<8x1x8x128xf32, #tpu.memory_space<vmem>>, vector<16xf32>,
        tpu.vector_store %arg11[%parallel_loop3A_323, %parallel_loop3A_324, %parallel_loop3A_325, %parallel_loop3A_326], %parallel_loop3A_281 {strides = array<i32>} : memref<8x1x8x128xf32, #tpu.memory_space<vmem>>, vector<16xf32>,
        %parallel_loop3A_328 = arith.constant 32 : i32
        %parallel_loop3A_329 = vector.broadcast %parallel_loop3A_328 : i32 to vector<16xi32>
        %parallel_loop3A_330 = arith.addi %iota3A, %parallel_loop3A_329 : vector<16xi32>
        %parallel_loop3A_331 = arith.constant 0 : i32
        %parallel_loop3A_332 = arith.constant 0 : i32
        %parallel_loop3A_333 = arith.constant 0 : i32
        %parallel_loop3A_334 = tpu.memref_slice %arg10[%parallel_loop3A_331, %parallel_loop3A_332, %parallel_loop3A_333] : memref<2x128x64xf32, #tpu.memory_space<vmem>> -> memref<1x128x64xf32, #tpu.memory_space<vmem>>
        %parallel_loop3A_335 = tpu.memref_squeeze %parallel_loop3A_334 : memref<1x128x64xf32, #tpu.memory_space<vmem>> -> memref<128x64xf32, #tpu.memory_space<vmem>>
        %parallel_loop3A_336 = tpu.vector_load_idx %parallel_loop3A_335[%parallel_loop3A_330, %parallel_loop3A_217] : memref<128x64xf32, #tpu.memory_space<vmem>>[vector<16xi32>, vector<16xi32>], vector<16xf32>,
        %parallel_loop3A_337 = arith.constant 8 : i32
        %parallel_loop3A_338 = arith.divsi %parallel_loop3A_208, %parallel_loop3A_337 : i32
        %parallel_loop3A_339 = arith.constant 0 : i32
        %parallel_loop3A_340 = arith.cmpi sgt, %parallel_loop3A_208, %parallel_loop3A_339 : i32
        %parallel_loop3A_341 = arith.extui %parallel_loop3A_340 : i1 to i32
        %parallel_loop3A_342 = arith.constant 0 : i32
        %parallel_loop3A_343 = arith.cmpi slt, %parallel_loop3A_208, %parallel_loop3A_342 : i32
        %parallel_loop3A_344 = arith.extui %parallel_loop3A_343 : i1 to i32
        %parallel_loop3A_345 = arith.subi %parallel_loop3A_341, %parallel_loop3A_344 : i32
        %parallel_loop3A_346 = arith.constant 0 : i32
        %parallel_loop3A_347 = arith.cmpi sgt, %parallel_loop3A_337, %parallel_loop3A_346 : i32
        %parallel_loop3A_348 = arith.extui %parallel_loop3A_347 : i1 to i32
        %parallel_loop3A_349 = arith.constant 0 : i32
        %parallel_loop3A_350 = arith.cmpi slt, %parallel_loop3A_337, %parallel_loop3A_349 : i32
        %parallel_loop3A_351 = arith.extui %parallel_loop3A_350 : i1 to i32
        %parallel_loop3A_352 = arith.subi %parallel_loop3A_348, %parallel_loop3A_351 : i32
        %parallel_loop3A_353 = arith.cmpi ne, %parallel_loop3A_345, %parallel_loop3A_352 : i32
        %parallel_loop3A_354 = arith.remsi %parallel_loop3A_208, %parallel_loop3A_337 : i32
        %parallel_loop3A_355 = arith.constant 0 : i32
        %parallel_loop3A_356 = arith.cmpi ne, %parallel_loop3A_354, %parallel_loop3A_355 : i32
        %parallel_loop3A_357 = arith.andi %parallel_loop3A_353, %parallel_loop3A_356 : i1
        %parallel_loop3A_358 = arith.constant 1 : i32
        %parallel_loop3A_359 = arith.subi %parallel_loop3A_338, %parallel_loop3A_358 : i32
        %parallel_loop3A_360 = arith.select %parallel_loop3A_357, %parallel_loop3A_359, %parallel_loop3A_338 : i32
        %parallel_loop3A_361 = arith.constant 8 : i32
        %parallel_loop3A_362 = arith.constant 0 : i32
        %parallel_loop3A_363 = arith.cmpi eq, %parallel_loop3A_361, %parallel_loop3A_362 : i32
        %parallel_loop3A_364 = arith.constant 1 : i32
        %parallel_loop3A_365 = arith.select %parallel_loop3A_363, %parallel_loop3A_364, %parallel_loop3A_361 : i32
        %parallel_loop3A_366 = arith.remsi %parallel_loop3A_208, %parallel_loop3A_365 : i32
        %parallel_loop3A_367 = arith.constant 0 : i32
        %parallel_loop3A_368 = arith.cmpi ne, %parallel_loop3A_366, %parallel_loop3A_367 : i32
        %parallel_loop3A_369 = arith.constant 0 : i32
        %parallel_loop3A_370 = arith.cmpi slt, %parallel_loop3A_366, %parallel_loop3A_369 : i32
        %parallel_loop3A_371 = arith.constant 0 : i32
        %parallel_loop3A_372 = arith.cmpi slt, %parallel_loop3A_365, %parallel_loop3A_371 : i32
        %parallel_loop3A_373 = arith.xori %parallel_loop3A_370, %parallel_loop3A_372 : i1
        %parallel_loop3A_374 = arith.andi %parallel_loop3A_373, %parallel_loop3A_368 : i1
        %parallel_loop3A_375 = arith.addi %parallel_loop3A_366, %parallel_loop3A_365 : i32
        %parallel_loop3A_376 = arith.select %parallel_loop3A_374, %parallel_loop3A_375, %parallel_loop3A_366 : i32
        %parallel_loop3A_377 = arith.constant 0 : i32
        %parallel_loop3A_378 = arith.index_cast %parallel_loop3A_360 : i32 to index
        %parallel_loop3A_379 = arith.index_cast %parallel_loop3A_377 : i32 to index
        %parallel_loop3A_380 = arith.index_cast %parallel_loop3A_376 : i32 to index
        %parallel_loop3A_381 = arith.constant 32 : index
        %parallel_loop3A_382 = tpu.vector_load %arg11[%parallel_loop3A_378, %parallel_loop3A_379, %parallel_loop3A_380, %parallel_loop3A_381] {strides = array<i32>} : memref<8x1x8x128xf32, #tpu.memory_space<vmem>>, vector<16xf32>,
        tpu.vector_store %arg11[%parallel_loop3A_378, %parallel_loop3A_379, %parallel_loop3A_380, %parallel_loop3A_381], %parallel_loop3A_336 {strides = array<i32>} : memref<8x1x8x128xf32, #tpu.memory_space<vmem>>, vector<16xf32>,
        %parallel_loop3A_383 = arith.constant 48 : i32
        %parallel_loop3A_384 = vector.broadcast %parallel_loop3A_383 : i32 to vector<16xi32>
        %parallel_loop3A_385 = arith.addi %iota3A, %parallel_loop3A_384 : vector<16xi32>
        %parallel_loop3A_386 = arith.constant 0 : i32
        %parallel_loop3A_387 = arith.constant 0 : i32
        %parallel_loop3A_388 = arith.constant 0 : i32
        %parallel_loop3A_389 = tpu.memref_slice %arg10[%parallel_loop3A_386, %parallel_loop3A_387, %parallel_loop3A_388] : memref<2x128x64xf32, #tpu.memory_space<vmem>> -> memref<1x128x64xf32, #tpu.memory_space<vmem>>
        %parallel_loop3A_390 = tpu.memref_squeeze %parallel_loop3A_389 : memref<1x128x64xf32, #tpu.memory_space<vmem>> -> memref<128x64xf32, #tpu.memory_space<vmem>>
        %parallel_loop3A_391 = tpu.vector_load_idx %parallel_loop3A_390[%parallel_loop3A_385, %parallel_loop3A_217] : memref<128x64xf32, #tpu.memory_space<vmem>>[vector<16xi32>, vector<16xi32>], vector<16xf32>,
        %parallel_loop3A_392 = arith.constant 8 : i32
        %parallel_loop3A_393 = arith.divsi %parallel_loop3A_208, %parallel_loop3A_392 : i32
        %parallel_loop3A_394 = arith.constant 0 : i32
        %parallel_loop3A_395 = arith.cmpi sgt, %parallel_loop3A_208, %parallel_loop3A_394 : i32
        %parallel_loop3A_396 = arith.extui %parallel_loop3A_395 : i1 to i32
        %parallel_loop3A_397 = arith.constant 0 : i32
        %parallel_loop3A_398 = arith.cmpi slt, %parallel_loop3A_208, %parallel_loop3A_397 : i32
        %parallel_loop3A_399 = arith.extui %parallel_loop3A_398 : i1 to i32
        %parallel_loop3A_400 = arith.subi %parallel_loop3A_396, %parallel_loop3A_399 : i32
        %parallel_loop3A_401 = arith.constant 0 : i32
        %parallel_loop3A_402 = arith.cmpi sgt, %parallel_loop3A_392, %parallel_loop3A_401 : i32
        %parallel_loop3A_403 = arith.extui %parallel_loop3A_402 : i1 to i32
        %parallel_loop3A_404 = arith.constant 0 : i32
        %parallel_loop3A_405 = arith.cmpi slt, %parallel_loop3A_392, %parallel_loop3A_404 : i32
        %parallel_loop3A_406 = arith.extui %parallel_loop3A_405 : i1 to i32
        %parallel_loop3A_407 = arith.subi %parallel_loop3A_403, %parallel_loop3A_406 : i32
        %parallel_loop3A_408 = arith.cmpi ne, %parallel_loop3A_400, %parallel_loop3A_407 : i32
        %parallel_loop3A_409 = arith.remsi %parallel_loop3A_208, %parallel_loop3A_392 : i32
        %parallel_loop3A_410 = arith.constant 0 : i32
        %parallel_loop3A_411 = arith.cmpi ne, %parallel_loop3A_409, %parallel_loop3A_410 : i32
        %parallel_loop3A_412 = arith.andi %parallel_loop3A_408, %parallel_loop3A_411 : i1
        %parallel_loop3A_413 = arith.constant 1 : i32
        %parallel_loop3A_414 = arith.subi %parallel_loop3A_393, %parallel_loop3A_413 : i32
        %parallel_loop3A_415 = arith.select %parallel_loop3A_412, %parallel_loop3A_414, %parallel_loop3A_393 : i32
        %parallel_loop3A_416 = arith.constant 8 : i32
        %parallel_loop3A_417 = arith.constant 0 : i32
        %parallel_loop3A_418 = arith.cmpi eq, %parallel_loop3A_416, %parallel_loop3A_417 : i32
        %parallel_loop3A_419 = arith.constant 1 : i32
        %parallel_loop3A_420 = arith.select %parallel_loop3A_418, %parallel_loop3A_419, %parallel_loop3A_416 : i32
        %parallel_loop3A_421 = arith.remsi %parallel_loop3A_208, %parallel_loop3A_420 : i32
        %parallel_loop3A_422 = arith.constant 0 : i32
        %parallel_loop3A_423 = arith.cmpi ne, %parallel_loop3A_421, %parallel_loop3A_422 : i32
        %parallel_loop3A_424 = arith.constant 0 : i32
        %parallel_loop3A_425 = arith.cmpi slt, %parallel_loop3A_421, %parallel_loop3A_424 : i32
        %parallel_loop3A_426 = arith.constant 0 : i32
        %parallel_loop3A_427 = arith.cmpi slt, %parallel_loop3A_420, %parallel_loop3A_426 : i32
        %parallel_loop3A_428 = arith.xori %parallel_loop3A_425, %parallel_loop3A_427 : i1
        %parallel_loop3A_429 = arith.andi %parallel_loop3A_428, %parallel_loop3A_423 : i1
        %parallel_loop3A_430 = arith.addi %parallel_loop3A_421, %parallel_loop3A_420 : i32
        %parallel_loop3A_431 = arith.select %parallel_loop3A_429, %parallel_loop3A_430, %parallel_loop3A_421 : i32
        %parallel_loop3A_432 = arith.constant 0 : i32
        %parallel_loop3A_433 = arith.index_cast %parallel_loop3A_415 : i32 to index
        %parallel_loop3A_434 = arith.index_cast %parallel_loop3A_432 : i32 to index
        %parallel_loop3A_435 = arith.index_cast %parallel_loop3A_431 : i32 to index
        %parallel_loop3A_436 = arith.constant 48 : index
        %parallel_loop3A_437 = tpu.vector_load %arg11[%parallel_loop3A_433, %parallel_loop3A_434, %parallel_loop3A_435, %parallel_loop3A_436] {strides = array<i32>} : memref<8x1x8x128xf32, #tpu.memory_space<vmem>>, vector<16xf32>,
        tpu.vector_store %arg11[%parallel_loop3A_433, %parallel_loop3A_434, %parallel_loop3A_435, %parallel_loop3A_436], %parallel_loop3A_391 {strides = array<i32>} : memref<8x1x8x128xf32, #tpu.memory_space<vmem>>, vector<16xf32>,
        %parallel_loop3A_438 = arith.constant 64 : i32
        %parallel_loop3A_439 = vector.broadcast %parallel_loop3A_438 : i32 to vector<16xi32>
        %parallel_loop3A_440 = arith.addi %iota3A, %parallel_loop3A_439 : vector<16xi32>
        %parallel_loop3A_441 = arith.constant 0 : i32
        %parallel_loop3A_442 = arith.constant 0 : i32
        %parallel_loop3A_443 = arith.constant 0 : i32
        %parallel_loop3A_444 = tpu.memref_slice %arg10[%parallel_loop3A_441, %parallel_loop3A_442, %parallel_loop3A_443] : memref<2x128x64xf32, #tpu.memory_space<vmem>> -> memref<1x128x64xf32, #tpu.memory_space<vmem>>
        %parallel_loop3A_445 = tpu.memref_squeeze %parallel_loop3A_444 : memref<1x128x64xf32, #tpu.memory_space<vmem>> -> memref<128x64xf32, #tpu.memory_space<vmem>>
        %parallel_loop3A_446 = tpu.vector_load_idx %parallel_loop3A_445[%parallel_loop3A_440, %parallel_loop3A_217] : memref<128x64xf32, #tpu.memory_space<vmem>>[vector<16xi32>, vector<16xi32>], vector<16xf32>,
        %parallel_loop3A_447 = arith.constant 8 : i32
        %parallel_loop3A_448 = arith.divsi %parallel_loop3A_208, %parallel_loop3A_447 : i32
        %parallel_loop3A_449 = arith.constant 0 : i32
        %parallel_loop3A_450 = arith.cmpi sgt, %parallel_loop3A_208, %parallel_loop3A_449 : i32
        %parallel_loop3A_451 = arith.extui %parallel_loop3A_450 : i1 to i32
        %parallel_loop3A_452 = arith.constant 0 : i32
        %parallel_loop3A_453 = arith.cmpi slt, %parallel_loop3A_208, %parallel_loop3A_452 : i32
        %parallel_loop3A_454 = arith.extui %parallel_loop3A_453 : i1 to i32
        %parallel_loop3A_455 = arith.subi %parallel_loop3A_451, %parallel_loop3A_454 : i32
        %parallel_loop3A_456 = arith.constant 0 : i32
        %parallel_loop3A_457 = arith.cmpi sgt, %parallel_loop3A_447, %parallel_loop3A_456 : i32
        %parallel_loop3A_458 = arith.extui %parallel_loop3A_457 : i1 to i32
        %parallel_loop3A_459 = arith.constant 0 : i32
        %parallel_loop3A_460 = arith.cmpi slt, %parallel_loop3A_447, %parallel_loop3A_459 : i32
        %parallel_loop3A_461 = arith.extui %parallel_loop3A_460 : i1 to i32
        %parallel_loop3A_462 = arith.subi %parallel_loop3A_458, %parallel_loop3A_461 : i32
        %parallel_loop3A_463 = arith.cmpi ne, %parallel_loop3A_455, %parallel_loop3A_462 : i32
        %parallel_loop3A_464 = arith.remsi %parallel_loop3A_208, %parallel_loop3A_447 : i32
        %parallel_loop3A_465 = arith.constant 0 : i32
        %parallel_loop3A_466 = arith.cmpi ne, %parallel_loop3A_464, %parallel_loop3A_465 : i32
        %parallel_loop3A_467 = arith.andi %parallel_loop3A_463, %parallel_loop3A_466 : i1
        %parallel_loop3A_468 = arith.constant 1 : i32
        %parallel_loop3A_469 = arith.subi %parallel_loop3A_448, %parallel_loop3A_468 : i32
        %parallel_loop3A_470 = arith.select %parallel_loop3A_467, %parallel_loop3A_469, %parallel_loop3A_448 : i32
        %parallel_loop3A_471 = arith.constant 8 : i32
        %parallel_loop3A_472 = arith.constant 0 : i32
        %parallel_loop3A_473 = arith.cmpi eq, %parallel_loop3A_471, %parallel_loop3A_472 : i32
        %parallel_loop3A_474 = arith.constant 1 : i32
        %parallel_loop3A_475 = arith.select %parallel_loop3A_473, %parallel_loop3A_474, %parallel_loop3A_471 : i32
        %parallel_loop3A_476 = arith.remsi %parallel_loop3A_208, %parallel_loop3A_475 : i32
        %parallel_loop3A_477 = arith.constant 0 : i32
        %parallel_loop3A_478 = arith.cmpi ne, %parallel_loop3A_476, %parallel_loop3A_477 : i32
        %parallel_loop3A_479 = arith.constant 0 : i32
        %parallel_loop3A_480 = arith.cmpi slt, %parallel_loop3A_476, %parallel_loop3A_479 : i32
        %parallel_loop3A_481 = arith.constant 0 : i32
        %parallel_loop3A_482 = arith.cmpi slt, %parallel_loop3A_475, %parallel_loop3A_481 : i32
        %parallel_loop3A_483 = arith.xori %parallel_loop3A_480, %parallel_loop3A_482 : i1
        %parallel_loop3A_484 = arith.andi %parallel_loop3A_483, %parallel_loop3A_478 : i1
        %parallel_loop3A_485 = arith.addi %parallel_loop3A_476, %parallel_loop3A_475 : i32
        %parallel_loop3A_486 = arith.select %parallel_loop3A_484, %parallel_loop3A_485, %parallel_loop3A_476 : i32
        %parallel_loop3A_487 = arith.constant 0 : i32
        %parallel_loop3A_488 = arith.index_cast %parallel_loop3A_470 : i32 to index
        %parallel_loop3A_489 = arith.index_cast %parallel_loop3A_487 : i32 to index
        %parallel_loop3A_490 = arith.index_cast %parallel_loop3A_486 : i32 to index
        %parallel_loop3A_491 = arith.constant 64 : index
        %parallel_loop3A_492 = tpu.vector_load %arg11[%parallel_loop3A_488, %parallel_loop3A_489, %parallel_loop3A_490, %parallel_loop3A_491] {strides = array<i32>} : memref<8x1x8x128xf32, #tpu.memory_space<vmem>>, vector<16xf32>,
        tpu.vector_store %arg11[%parallel_loop3A_488, %parallel_loop3A_489, %parallel_loop3A_490, %parallel_loop3A_491], %parallel_loop3A_446 {strides = array<i32>} : memref<8x1x8x128xf32, #tpu.memory_space<vmem>>, vector<16xf32>,
        %parallel_loop3A_493 = arith.constant 80 : i32
        %parallel_loop3A_494 = vector.broadcast %parallel_loop3A_493 : i32 to vector<16xi32>
        %parallel_loop3A_495 = arith.addi %iota3A, %parallel_loop3A_494 : vector<16xi32>
        %parallel_loop3A_496 = arith.constant 0 : i32
        %parallel_loop3A_497 = arith.constant 0 : i32
        %parallel_loop3A_498 = arith.constant 0 : i32
        %parallel_loop3A_499 = tpu.memref_slice %arg10[%parallel_loop3A_496, %parallel_loop3A_497, %parallel_loop3A_498] : memref<2x128x64xf32, #tpu.memory_space<vmem>> -> memref<1x128x64xf32, #tpu.memory_space<vmem>>
        %parallel_loop3A_500 = tpu.memref_squeeze %parallel_loop3A_499 : memref<1x128x64xf32, #tpu.memory_space<vmem>> -> memref<128x64xf32, #tpu.memory_space<vmem>>
        %parallel_loop3A_501 = tpu.vector_load_idx %parallel_loop3A_500[%parallel_loop3A_495, %parallel_loop3A_217] : memref<128x64xf32, #tpu.memory_space<vmem>>[vector<16xi32>, vector<16xi32>], vector<16xf32>,
        %parallel_loop3A_502 = arith.constant 8 : i32
        %parallel_loop3A_503 = arith.divsi %parallel_loop3A_208, %parallel_loop3A_502 : i32
        %parallel_loop3A_504 = arith.constant 0 : i32
        %parallel_loop3A_505 = arith.cmpi sgt, %parallel_loop3A_208, %parallel_loop3A_504 : i32
        %parallel_loop3A_506 = arith.extui %parallel_loop3A_505 : i1 to i32
        %parallel_loop3A_507 = arith.constant 0 : i32
        %parallel_loop3A_508 = arith.cmpi slt, %parallel_loop3A_208, %parallel_loop3A_507 : i32
        %parallel_loop3A_509 = arith.extui %parallel_loop3A_508 : i1 to i32
        %parallel_loop3A_510 = arith.subi %parallel_loop3A_506, %parallel_loop3A_509 : i32
        %parallel_loop3A_511 = arith.constant 0 : i32
        %parallel_loop3A_512 = arith.cmpi sgt, %parallel_loop3A_502, %parallel_loop3A_511 : i32
        %parallel_loop3A_513 = arith.extui %parallel_loop3A_512 : i1 to i32
        %parallel_loop3A_514 = arith.constant 0 : i32
        %parallel_loop3A_515 = arith.cmpi slt, %parallel_loop3A_502, %parallel_loop3A_514 : i32
        %parallel_loop3A_516 = arith.extui %parallel_loop3A_515 : i1 to i32
        %parallel_loop3A_517 = arith.subi %parallel_loop3A_513, %parallel_loop3A_516 : i32
        %parallel_loop3A_518 = arith.cmpi ne, %parallel_loop3A_510, %parallel_loop3A_517 : i32
        %parallel_loop3A_519 = arith.remsi %parallel_loop3A_208, %parallel_loop3A_502 : i32
        %parallel_loop3A_520 = arith.constant 0 : i32
        %parallel_loop3A_521 = arith.cmpi ne, %parallel_loop3A_519, %parallel_loop3A_520 : i32
        %parallel_loop3A_522 = arith.andi %parallel_loop3A_518, %parallel_loop3A_521 : i1
        %parallel_loop3A_523 = arith.constant 1 : i32
        %parallel_loop3A_524 = arith.subi %parallel_loop3A_503, %parallel_loop3A_523 : i32
        %parallel_loop3A_525 = arith.select %parallel_loop3A_522, %parallel_loop3A_524, %parallel_loop3A_503 : i32
        %parallel_loop3A_526 = arith.constant 8 : i32
        %parallel_loop3A_527 = arith.constant 0 : i32
        %parallel_loop3A_528 = arith.cmpi eq, %parallel_loop3A_526, %parallel_loop3A_527 : i32
        %parallel_loop3A_529 = arith.constant 1 : i32
        %parallel_loop3A_530 = arith.select %parallel_loop3A_528, %parallel_loop3A_529, %parallel_loop3A_526 : i32
        %parallel_loop3A_531 = arith.remsi %parallel_loop3A_208, %parallel_loop3A_530 : i32
        %parallel_loop3A_532 = arith.constant 0 : i32
        %parallel_loop3A_533 = arith.cmpi ne, %parallel_loop3A_531, %parallel_loop3A_532 : i32
        %parallel_loop3A_534 = arith.constant 0 : i32
        %parallel_loop3A_535 = arith.cmpi slt, %parallel_loop3A_531, %parallel_loop3A_534 : i32
        %parallel_loop3A_536 = arith.constant 0 : i32
        %parallel_loop3A_537 = arith.cmpi slt, %parallel_loop3A_530, %parallel_loop3A_536 : i32
        %parallel_loop3A_538 = arith.xori %parallel_loop3A_535, %parallel_loop3A_537 : i1
        %parallel_loop3A_539 = arith.andi %parallel_loop3A_538, %parallel_loop3A_533 : i1
        %parallel_loop3A_540 = arith.addi %parallel_loop3A_531, %parallel_loop3A_530 : i32
        %parallel_loop3A_541 = arith.select %parallel_loop3A_539, %parallel_loop3A_540, %parallel_loop3A_531 : i32
        %parallel_loop3A_542 = arith.constant 0 : i32
        %parallel_loop3A_543 = arith.index_cast %parallel_loop3A_525 : i32 to index
        %parallel_loop3A_544 = arith.index_cast %parallel_loop3A_542 : i32 to index
        %parallel_loop3A_545 = arith.index_cast %parallel_loop3A_541 : i32 to index
        %parallel_loop3A_546 = arith.constant 80 : index
        %parallel_loop3A_547 = tpu.vector_load %arg11[%parallel_loop3A_543, %parallel_loop3A_544, %parallel_loop3A_545, %parallel_loop3A_546] {strides = array<i32>} : memref<8x1x8x128xf32, #tpu.memory_space<vmem>>, vector<16xf32>,
        tpu.vector_store %arg11[%parallel_loop3A_543, %parallel_loop3A_544, %parallel_loop3A_545, %parallel_loop3A_546], %parallel_loop3A_501 {strides = array<i32>} : memref<8x1x8x128xf32, #tpu.memory_space<vmem>>, vector<16xf32>,
        %parallel_loop3A_548 = arith.constant 96 : i32
        %parallel_loop3A_549 = vector.broadcast %parallel_loop3A_548 : i32 to vector<16xi32>
        %parallel_loop3A_550 = arith.addi %iota3A, %parallel_loop3A_549 : vector<16xi32>
        %parallel_loop3A_551 = arith.constant 0 : i32
        %parallel_loop3A_552 = arith.constant 0 : i32
        %parallel_loop3A_553 = arith.constant 0 : i32
        %parallel_loop3A_554 = tpu.memref_slice %arg10[%parallel_loop3A_551, %parallel_loop3A_552, %parallel_loop3A_553] : memref<2x128x64xf32, #tpu.memory_space<vmem>> -> memref<1x128x64xf32, #tpu.memory_space<vmem>>
        %parallel_loop3A_555 = tpu.memref_squeeze %parallel_loop3A_554 : memref<1x128x64xf32, #tpu.memory_space<vmem>> -> memref<128x64xf32, #tpu.memory_space<vmem>>
        %parallel_loop3A_556 = tpu.vector_load_idx %parallel_loop3A_555[%parallel_loop3A_550, %parallel_loop3A_217] : memref<128x64xf32, #tpu.memory_space<vmem>>[vector<16xi32>, vector<16xi32>], vector<16xf32>,
        %parallel_loop3A_557 = arith.constant 8 : i32
        %parallel_loop3A_558 = arith.divsi %parallel_loop3A_208, %parallel_loop3A_557 : i32
        %parallel_loop3A_559 = arith.constant 0 : i32
        %parallel_loop3A_560 = arith.cmpi sgt, %parallel_loop3A_208, %parallel_loop3A_559 : i32
        %parallel_loop3A_561 = arith.extui %parallel_loop3A_560 : i1 to i32
        %parallel_loop3A_562 = arith.constant 0 : i32
        %parallel_loop3A_563 = arith.cmpi slt, %parallel_loop3A_208, %parallel_loop3A_562 : i32
        %parallel_loop3A_564 = arith.extui %parallel_loop3A_563 : i1 to i32
        %parallel_loop3A_565 = arith.subi %parallel_loop3A_561, %parallel_loop3A_564 : i32
        %parallel_loop3A_566 = arith.constant 0 : i32
        %parallel_loop3A_567 = arith.cmpi sgt, %parallel_loop3A_557, %parallel_loop3A_566 : i32
        %parallel_loop3A_568 = arith.extui %parallel_loop3A_567 : i1 to i32
        %parallel_loop3A_569 = arith.constant 0 : i32
        %parallel_loop3A_570 = arith.cmpi slt, %parallel_loop3A_557, %parallel_loop3A_569 : i32
        %parallel_loop3A_571 = arith.extui %parallel_loop3A_570 : i1 to i32
        %parallel_loop3A_572 = arith.subi %parallel_loop3A_568, %parallel_loop3A_571 : i32
        %parallel_loop3A_573 = arith.cmpi ne, %parallel_loop3A_565, %parallel_loop3A_572 : i32
        %parallel_loop3A_574 = arith.remsi %parallel_loop3A_208, %parallel_loop3A_557 : i32
        %parallel_loop3A_575 = arith.constant 0 : i32
        %parallel_loop3A_576 = arith.cmpi ne, %parallel_loop3A_574, %parallel_loop3A_575 : i32
        %parallel_loop3A_577 = arith.andi %parallel_loop3A_573, %parallel_loop3A_576 : i1
        %parallel_loop3A_578 = arith.constant 1 : i32
        %parallel_loop3A_579 = arith.subi %parallel_loop3A_558, %parallel_loop3A_578 : i32
        %parallel_loop3A_580 = arith.select %parallel_loop3A_577, %parallel_loop3A_579, %parallel_loop3A_558 : i32
        %parallel_loop3A_581 = arith.constant 8 : i32
        %parallel_loop3A_582 = arith.constant 0 : i32
        %parallel_loop3A_583 = arith.cmpi eq, %parallel_loop3A_581, %parallel_loop3A_582 : i32
        %parallel_loop3A_584 = arith.constant 1 : i32
        %parallel_loop3A_585 = arith.select %parallel_loop3A_583, %parallel_loop3A_584, %parallel_loop3A_581 : i32
        %parallel_loop3A_586 = arith.remsi %parallel_loop3A_208, %parallel_loop3A_585 : i32
        %parallel_loop3A_587 = arith.constant 0 : i32
        %parallel_loop3A_588 = arith.cmpi ne, %parallel_loop3A_586, %parallel_loop3A_587 : i32
        %parallel_loop3A_589 = arith.constant 0 : i32
        %parallel_loop3A_590 = arith.cmpi slt, %parallel_loop3A_586, %parallel_loop3A_589 : i32
        %parallel_loop3A_591 = arith.constant 0 : i32
        %parallel_loop3A_592 = arith.cmpi slt, %parallel_loop3A_585, %parallel_loop3A_591 : i32
        %parallel_loop3A_593 = arith.xori %parallel_loop3A_590, %parallel_loop3A_592 : i1
        %parallel_loop3A_594 = arith.andi %parallel_loop3A_593, %parallel_loop3A_588 : i1
        %parallel_loop3A_595 = arith.addi %parallel_loop3A_586, %parallel_loop3A_585 : i32
        %parallel_loop3A_596 = arith.select %parallel_loop3A_594, %parallel_loop3A_595, %parallel_loop3A_586 : i32
        %parallel_loop3A_597 = arith.constant 0 : i32
        %parallel_loop3A_598 = arith.index_cast %parallel_loop3A_580 : i32 to index
        %parallel_loop3A_599 = arith.index_cast %parallel_loop3A_597 : i32 to index
        %parallel_loop3A_600 = arith.index_cast %parallel_loop3A_596 : i32 to index
        %parallel_loop3A_601 = arith.constant 96 : index
        %parallel_loop3A_602 = tpu.vector_load %arg11[%parallel_loop3A_598, %parallel_loop3A_599, %parallel_loop3A_600, %parallel_loop3A_601] {strides = array<i32>} : memref<8x1x8x128xf32, #tpu.memory_space<vmem>>, vector<16xf32>,
        tpu.vector_store %arg11[%parallel_loop3A_598, %parallel_loop3A_599, %parallel_loop3A_600, %parallel_loop3A_601], %parallel_loop3A_556 {strides = array<i32>} : memref<8x1x8x128xf32, #tpu.memory_space<vmem>>, vector<16xf32>,
        %parallel_loop3A_603 = arith.constant 112 : i32
        %parallel_loop3A_604 = vector.broadcast %parallel_loop3A_603 : i32 to vector<16xi32>
        %parallel_loop3A_605 = arith.addi %iota3A, %parallel_loop3A_604 : vector<16xi32>
        %parallel_loop3A_606 = arith.constant 0 : i32
        %parallel_loop3A_607 = arith.constant 0 : i32
        %parallel_loop3A_608 = arith.constant 0 : i32
        %parallel_loop3A_609 = tpu.memref_slice %arg10[%parallel_loop3A_606, %parallel_loop3A_607, %parallel_loop3A_608] : memref<2x128x64xf32, #tpu.memory_space<vmem>> -> memref<1x128x64xf32, #tpu.memory_space<vmem>>
        %parallel_loop3A_610 = tpu.memref_squeeze %parallel_loop3A_609 : memref<1x128x64xf32, #tpu.memory_space<vmem>> -> memref<128x64xf32, #tpu.memory_space<vmem>>
        %parallel_loop3A_611 = tpu.vector_load_idx %parallel_loop3A_610[%parallel_loop3A_605, %parallel_loop3A_217] : memref<128x64xf32, #tpu.memory_space<vmem>>[vector<16xi32>, vector<16xi32>], vector<16xf32>,
        %parallel_loop3A_612 = arith.constant 8 : i32
        %parallel_loop3A_613 = arith.divsi %parallel_loop3A_208, %parallel_loop3A_612 : i32
        %parallel_loop3A_614 = arith.constant 0 : i32
        %parallel_loop3A_615 = arith.cmpi sgt, %parallel_loop3A_208, %parallel_loop3A_614 : i32
        %parallel_loop3A_616 = arith.extui %parallel_loop3A_615 : i1 to i32
        %parallel_loop3A_617 = arith.constant 0 : i32
        %parallel_loop3A_618 = arith.cmpi slt, %parallel_loop3A_208, %parallel_loop3A_617 : i32
        %parallel_loop3A_619 = arith.extui %parallel_loop3A_618 : i1 to i32
        %parallel_loop3A_620 = arith.subi %parallel_loop3A_616, %parallel_loop3A_619 : i32
        %parallel_loop3A_621 = arith.constant 0 : i32
        %parallel_loop3A_622 = arith.cmpi sgt, %parallel_loop3A_612, %parallel_loop3A_621 : i32
        %parallel_loop3A_623 = arith.extui %parallel_loop3A_622 : i1 to i32
        %parallel_loop3A_624 = arith.constant 0 : i32
        %parallel_loop3A_625 = arith.cmpi slt, %parallel_loop3A_612, %parallel_loop3A_624 : i32
        %parallel_loop3A_626 = arith.extui %parallel_loop3A_625 : i1 to i32
        %parallel_loop3A_627 = arith.subi %parallel_loop3A_623, %parallel_loop3A_626 : i32
        %parallel_loop3A_628 = arith.cmpi ne, %parallel_loop3A_620, %parallel_loop3A_627 : i32
        %parallel_loop3A_629 = arith.remsi %parallel_loop3A_208, %parallel_loop3A_612 : i32
        %parallel_loop3A_630 = arith.constant 0 : i32
        %parallel_loop3A_631 = arith.cmpi ne, %parallel_loop3A_629, %parallel_loop3A_630 : i32
        %parallel_loop3A_632 = arith.andi %parallel_loop3A_628, %parallel_loop3A_631 : i1
        %parallel_loop3A_633 = arith.constant 1 : i32
        %parallel_loop3A_634 = arith.subi %parallel_loop3A_613, %parallel_loop3A_633 : i32
        %parallel_loop3A_635 = arith.select %parallel_loop3A_632, %parallel_loop3A_634, %parallel_loop3A_613 : i32
        %parallel_loop3A_636 = arith.constant 8 : i32
        %parallel_loop3A_637 = arith.constant 0 : i32
        %parallel_loop3A_638 = arith.cmpi eq, %parallel_loop3A_636, %parallel_loop3A_637 : i32
        %parallel_loop3A_639 = arith.constant 1 : i32
        %parallel_loop3A_640 = arith.select %parallel_loop3A_638, %parallel_loop3A_639, %parallel_loop3A_636 : i32
        %parallel_loop3A_641 = arith.remsi %parallel_loop3A_208, %parallel_loop3A_640 : i32
        %parallel_loop3A_642 = arith.constant 0 : i32
        %parallel_loop3A_643 = arith.cmpi ne, %parallel_loop3A_641, %parallel_loop3A_642 : i32
        %parallel_loop3A_644 = arith.constant 0 : i32
        %parallel_loop3A_645 = arith.cmpi slt, %parallel_loop3A_641, %parallel_loop3A_644 : i32
        %parallel_loop3A_646 = arith.constant 0 : i32
        %parallel_loop3A_647 = arith.cmpi slt, %parallel_loop3A_640, %parallel_loop3A_646 : i32
        %parallel_loop3A_648 = arith.xori %parallel_loop3A_645, %parallel_loop3A_647 : i1
        %parallel_loop3A_649 = arith.andi %parallel_loop3A_648, %parallel_loop3A_643 : i1
        %parallel_loop3A_650 = arith.addi %parallel_loop3A_641, %parallel_loop3A_640 : i32
        %parallel_loop3A_651 = arith.select %parallel_loop3A_649, %parallel_loop3A_650, %parallel_loop3A_641 : i32
        %parallel_loop3A_652 = arith.constant 0 : i32
        %parallel_loop3A_653 = arith.index_cast %parallel_loop3A_635 : i32 to index
        %parallel_loop3A_654 = arith.index_cast %parallel_loop3A_652 : i32 to index
        %parallel_loop3A_655 = arith.index_cast %parallel_loop3A_651 : i32 to index
        %parallel_loop3A_656 = arith.constant 112 : index
        %parallel_loop3A_657 = tpu.vector_load %arg11[%parallel_loop3A_653, %parallel_loop3A_654, %parallel_loop3A_655, %parallel_loop3A_656] {strides = array<i32>} : memref<8x1x8x128xf32, #tpu.memory_space<vmem>>, vector<16xf32>,
        tpu.vector_store %arg11[%parallel_loop3A_653, %parallel_loop3A_654, %parallel_loop3A_655, %parallel_loop3A_656], %parallel_loop3A_611 {strides = array<i32>} : memref<8x1x8x128xf32, #tpu.memory_space<vmem>>, vector<16xf32>,
        scf.yield %parallel_loop3A_209, %parallel_loop3A_210, %parallel_loop3A_211, %parallel_loop3A_212, %parallel_loop3A_213, %parallel_loop3A_214, %parallel_loop3A_215, %parallel_loop3A_216 : vector<16xf32>, vector<16xf32>, vector<16xf32>, vector<16xf32>, vector<16xf32>, vector<16xf32>, vector<16xf32>, vector<16xf32>
      } {sc.loop_unroll_factor = 2 : i64, sc.parallel_access}
      %dma_start3A_133 = arith.constant 0 : i32
      %dma_start3A_134 = arith.constant 0 : i32
      %dma_start3A_135 = arith.constant 0 : i32
      %dma_start3A_136 = tpu.memref_slice %arg8[%add3A_86, %dma_start3A_133, %add3A, %dma_start3A_134, %dma_start3A_135] : memref<200x8x32x8x128xf32, #tpu.memory_space<hbm>> -> memref<1x8x1x8x128xf32, #tpu.memory_space<hbm>>
      %dma_start3A_137 = tpu.memref_squeeze %dma_start3A_136 : memref<1x8x1x8x128xf32, #tpu.memory_space<hbm>> -> memref<8x1x8x128xf32, #tpu.memory_space<hbm>>
      %dma_start3A_138 = arith.constant 0 : i32
      %dma_start3A_139 = arith.constant 0 : i32
      %dma_start3A_140 = arith.constant 0 : i32
      %dma_start3A_141 = tpu.memref_slice %arg8[%add3A_86, %dma_start3A_138, %add3A, %dma_start3A_139, %dma_start3A_140] : memref<200x8x32x8x128xf32, #tpu.memory_space<hbm>> -> memref<1x8x1x8x128xf32, #tpu.memory_space<hbm>>
      %dma_start3A_142 = tpu.memref_squeeze %dma_start3A_141 : memref<1x8x1x8x128xf32, #tpu.memory_space<hbm>> -> memref<8x1x8x128xf32, #tpu.memory_space<hbm>>
      tpu.enqueue_dma source(%arg11 : memref<8x1x8x128xf32, #tpu.memory_space<vmem>>) target(%dma_start3A_142 : memref<8x1x8x128xf32, #tpu.memory_space<hbm>>) target_semaphore(%arg22 : memref<!tpu.dma_semaphore, #tpu.memory_space<semaphore_mem>>)
      %mul3A_143 = arith.constant 2 : i32
      %mul3A_144 = arith.muli %mul3A_143, %scan3A_74 : i32
      %add3A_145 = arith.constant 1 : i32
      %add3A_146 = arith.addi %mul3A_144, %add3A_145 : i32
      %dma_wait3A_147 = arith.constant 1 : i32
      %dma_wait3A_148 = arith.constant 1 : i32
      %dma_wait3A_149 = arith.constant 0 : i32
      %dma_wait3A_150 = arith.constant 0 : i32
      %dma_wait3A_151 = tpu.memref_slice %arg10[%dma_wait3A_148, %dma_wait3A_149, %dma_wait3A_150] : memref<2x128x64xf32, #tpu.memory_space<vmem>> -> memref<1x128x64xf32, #tpu.memory_space<vmem>>
      %dma_wait3A_152 = tpu.memref_squeeze %dma_wait3A_151 : memref<1x128x64xf32, #tpu.memory_space<vmem>> -> memref<128x64xf32, #tpu.memory_space<vmem>>
      %dma_wait3A_153 = arith.constant 0 : i32
      %dma_wait3A_154 = tpu.memref_slice %arg9[%dma_wait3A_147, %dma_wait3A_153] : memref<2x128xi32, #tpu.memory_space<vmem>> -> memref<1x128xi32, #tpu.memory_space<vmem>>
      %dma_wait3A_155 = tpu.memref_squeeze %dma_wait3A_154 : memref<1x128xi32, #tpu.memory_space<vmem>> -> memref<128xi32, #tpu.memory_space<vmem>>
      %dma_wait3A_156 = arith.constant 0 : i32
      %dma_wait3A_157 = arith.constant 0 : i32
      %dma_wait3A_158 = tpu.memref_slice %arg3[%dma_wait3A_156, %dma_wait3A_157] : memref<100000x64xf32, #tpu.memory_space<hbm>> -> memref<100000x64xf32, #tpu.memory_space<hbm>>
      tpu.wait_indirect_dma semaphore(%arg19 : memref<!tpu.dma_semaphore, #tpu.memory_space<semaphore_mem>>) src(%dma_wait3A_158 : memref<100000x64xf32, #tpu.memory_space<hbm>>) dst(%dma_wait3A_152 : memref<128x64xf32, #tpu.memory_space<vmem>>)
      %add3A_159 = arith.constant 1 : i32
      %add3A_160 = arith.addi %add3A_146, %add3A_159 : i32
      %lt3A_161 = arith.constant 200 : i32
      %lt3A_162 = arith.cmpi slt, %add3A_160, %lt3A_161 : i32
      %convert_element_type3A_163 = arith.extui %lt3A_162 : i1 to i32
      %cond3A_164 = arith.constant 0 : i32
      %cond3A_165 = arith.cmpi ne, %convert_element_type3A_163, %cond3A_164 : i32
      scf.if %cond3A_165 {
        %add3A_208 = arith.constant 1 : i32
        %add3A_209 = arith.addi %add3A_146, %add3A_208 : i32
        %dma_wait3A_210 = arith.constant 0 : i32
        %dma_wait3A_211 = arith.constant 0 : i32
        %dma_wait3A_212 = tpu.memref_slice %arg9[%dma_wait3A_210, %dma_wait3A_211] : memref<2x128xi32, #tpu.memory_space<vmem>> -> memref<1x128xi32, #tpu.memory_space<vmem>>
        %dma_wait3A_213 = tpu.memref_squeeze %dma_wait3A_212 : memref<1x128xi32, #tpu.memory_space<vmem>> -> memref<128xi32, #tpu.memory_space<vmem>>
        %dma_wait3A_214 = tpu.memref_slice %arg2[%add3A_209, %mul3A_2] : memref<200x4096xi32, #tpu.memory_space<hbm>> -> memref<1x128xi32, #tpu.memory_space<hbm>>
        %dma_wait3A_215 = tpu.memref_squeeze %dma_wait3A_214 : memref<1x128xi32, #tpu.memory_space<hbm>> -> memref<128xi32, #tpu.memory_space<hbm>>
        %dma_wait3A_216 = arith.constant 0 : i32
        %dma_wait3A_217 = tpu.memref_slice %arg9[%dma_wait3A_210, %dma_wait3A_216] : memref<2x128xi32, #tpu.memory_space<vmem>> -> memref<1x128xi32, #tpu.memory_space<vmem>>
        %dma_wait3A_218 = tpu.memref_squeeze %dma_wait3A_217 : memref<1x128xi32, #tpu.memory_space<vmem>> -> memref<128xi32, #tpu.memory_space<vmem>>
        %dma_wait3A_219 = tpu.memref_slice %arg2[%add3A_209, %mul3A_2] : memref<200x4096xi32, #tpu.memory_space<hbm>> -> memref<1x128xi32, #tpu.memory_space<hbm>>
        %dma_wait3A_220 = tpu.memref_squeeze %dma_wait3A_219 : memref<1x128xi32, #tpu.memory_space<hbm>> -> memref<128xi32, #tpu.memory_space<hbm>>
        tpu.wait_dma2 semaphore(%arg20 : memref<!tpu.dma_semaphore, #tpu.memory_space<semaphore_mem>>) src(%dma_wait3A_220 : memref<128xi32, #tpu.memory_space<hbm>>) dst(%dma_wait3A_218 : memref<128xi32, #tpu.memory_space<vmem>>)
        %dma_start3A_221 = arith.constant 0 : i32
        %dma_start3A_222 = arith.constant 0 : i32
        %dma_start3A_223 = arith.constant 0 : i32
        %dma_start3A_224 = arith.constant 0 : i32
        %dma_start3A_225 = tpu.memref_slice %arg10[%dma_start3A_222, %dma_start3A_223, %dma_start3A_224] : memref<2x128x64xf32, #tpu.memory_space<vmem>> -> memref<1x128x64xf32, #tpu.memory_space<vmem>>
        %dma_start3A_226 = tpu.memref_squeeze %dma_start3A_225 : memref<1x128x64xf32, #tpu.memory_space<vmem>> -> memref<128x64xf32, #tpu.memory_space<vmem>>
        %dma_start3A_227 = arith.constant 0 : i32
        %dma_start3A_228 = tpu.memref_slice %arg9[%dma_start3A_221, %dma_start3A_227] : memref<2x128xi32, #tpu.memory_space<vmem>> -> memref<1x128xi32, #tpu.memory_space<vmem>>
        %dma_start3A_229 = tpu.memref_squeeze %dma_start3A_228 : memref<1x128xi32, #tpu.memory_space<vmem>> -> memref<128xi32, #tpu.memory_space<vmem>>
        %dma_start3A_230 = arith.constant 0 : i32
        %dma_start3A_231 = arith.constant 0 : i32
        %dma_start3A_232 = tpu.memref_slice %arg3[%dma_start3A_230, %dma_start3A_231] : memref<100000x64xf32, #tpu.memory_space<hbm>> -> memref<100000x64xf32, #tpu.memory_space<hbm>>
        tpu.enqueue_indirect_dma source(%dma_start3A_232 : memref<100000x64xf32, #tpu.memory_space<hbm>>) target(%dma_start3A_226 : memref<128x64xf32, #tpu.memory_space<vmem>>) offsets(%dma_start3A_229 : memref<128xi32, #tpu.memory_space<vmem>>) semaphore(%arg18 : memref<!tpu.dma_semaphore, #tpu.memory_space<semaphore_mem>>)
      } else {
      }
      %add3A_166 = arith.constant 2 : i32
      %add3A_167 = arith.addi %add3A_146, %add3A_166 : i32
      %lt3A_168 = arith.constant 200 : i32
      %lt3A_169 = arith.cmpi slt, %add3A_167, %lt3A_168 : i32
      %convert_element_type3A_170 = arith.extui %lt3A_169 : i1 to i32
      %cond3A_171 = arith.constant 0 : i32
      %cond3A_172 = arith.cmpi ne, %convert_element_type3A_170, %cond3A_171 : i32
      scf.if %cond3A_172 {
        %add3A_208 = arith.constant 2 : i32
        %add3A_209 = arith.addi %add3A_146, %add3A_208 : i32
        %dma_start3A_210 = arith.constant 1 : i32
        %dma_start3A_211 = arith.constant 0 : i32
        %dma_start3A_212 = tpu.memref_slice %arg9[%dma_start3A_210, %dma_start3A_211] : memref<2x128xi32, #tpu.memory_space<vmem>> -> memref<1x128xi32, #tpu.memory_space<vmem>>
        %dma_start3A_213 = tpu.memref_squeeze %dma_start3A_212 : memref<1x128xi32, #tpu.memory_space<vmem>> -> memref<128xi32, #tpu.memory_space<vmem>>
        %dma_start3A_214 = tpu.memref_slice %arg2[%add3A_209, %mul3A_2] : memref<200x4096xi32, #tpu.memory_space<hbm>> -> memref<1x128xi32, #tpu.memory_space<hbm>>
        %dma_start3A_215 = tpu.memref_squeeze %dma_start3A_214 : memref<1x128xi32, #tpu.memory_space<hbm>> -> memref<128xi32, #tpu.memory_space<hbm>>
        %dma_start3A_216 = arith.constant 0 : i32
        %dma_start3A_217 = tpu.memref_slice %arg9[%dma_start3A_210, %dma_start3A_216] : memref<2x128xi32, #tpu.memory_space<vmem>> -> memref<1x128xi32, #tpu.memory_space<vmem>>
        %dma_start3A_218 = tpu.memref_squeeze %dma_start3A_217 : memref<1x128xi32, #tpu.memory_space<vmem>> -> memref<128xi32, #tpu.memory_space<vmem>>
        %dma_start3A_219 = tpu.memref_slice %arg2[%add3A_209, %mul3A_2] : memref<200x4096xi32, #tpu.memory_space<hbm>> -> memref<1x128xi32, #tpu.memory_space<hbm>>
        %dma_start3A_220 = tpu.memref_squeeze %dma_start3A_219 : memref<1x128xi32, #tpu.memory_space<hbm>> -> memref<128xi32, #tpu.memory_space<hbm>>
        tpu.enqueue_dma source(%dma_start3A_220 : memref<128xi32, #tpu.memory_space<hbm>>) target(%dma_start3A_218 : memref<128xi32, #tpu.memory_space<vmem>>) target_semaphore(%arg21 : memref<!tpu.dma_semaphore, #tpu.memory_space<semaphore_mem>>)
      } else {
      }
      %ge3A_173 = arith.constant 2 : i32
      %ge3A_174 = arith.cmpi sge, %add3A_146, %ge3A_173 : i32
      %convert_element_type3A_175 = arith.extui %ge3A_174 : i1 to i32
      %cond3A_176 = arith.constant 0 : i32
      %cond3A_177 = arith.cmpi ne, %convert_element_type3A_175, %cond3A_176 : i32
      scf.if %cond3A_177 {
        %sub3A = arith.constant 2 : i32
        %sub3A_208 = arith.subi %add3A_146, %sub3A : i32
        %dma_wait3A_209 = arith.constant 0 : i32
        %dma_wait3A_210 = arith.constant 0 : i32
        %dma_wait3A_211 = arith.constant 0 : i32
        %dma_wait3A_212 = tpu.memref_slice %arg8[%sub3A_208, %dma_wait3A_209, %add3A, %dma_wait3A_210, %dma_wait3A_211] : memref<200x8x32x8x128xf32, #tpu.memory_space<hbm>> -> memref<1x8x1x8x128xf32, #tpu.memory_space<hbm>>
        %dma_wait3A_213 = tpu.memref_squeeze %dma_wait3A_212 : memref<1x8x1x8x128xf32, #tpu.memory_space<hbm>> -> memref<8x1x8x128xf32, #tpu.memory_space<hbm>>
        %dma_wait3A_214 = arith.constant 0 : i32
        %dma_wait3A_215 = arith.constant 0 : i32
        %dma_wait3A_216 = arith.constant 0 : i32
        %dma_wait3A_217 = tpu.memref_slice %arg8[%sub3A_208, %dma_wait3A_214, %add3A, %dma_wait3A_215, %dma_wait3A_216] : memref<200x8x32x8x128xf32, #tpu.memory_space<hbm>> -> memref<1x8x1x8x128xf32, #tpu.memory_space<hbm>>
        %dma_wait3A_218 = tpu.memref_squeeze %dma_wait3A_217 : memref<1x8x1x8x128xf32, #tpu.memory_space<hbm>> -> memref<8x1x8x128xf32, #tpu.memory_space<hbm>>
        tpu.wait_dma2 semaphore(%arg23 : memref<!tpu.dma_semaphore, #tpu.memory_space<semaphore_mem>>) src(%arg12 : memref<8x1x8x128xf32, #tpu.memory_space<vmem>>) dst(%dma_wait3A_218 : memref<8x1x8x128xf32, #tpu.memory_space<hbm>>)
      } else {
      }
      %get3A_178 = arith.index_cast %add3A_146 : i32 to index
      %get3A_179 = arith.constant 0 : index
      %get3A_180 = tpu.vector_load %arg13[%get3A_178, %get3A_179] {strides = array<i32>} : memref<200x64xf32, #tpu.memory_space<vmem>>, vector<16xf32>,
      %get3A_181 = arith.index_cast %add3A_146 : i32 to index
      %get3A_182 = arith.constant 16 : index
      %get3A_183 = tpu.vector_load %arg13[%get3A_181, %get3A_182] {strides = array<i32>} : memref<200x64xf32, #tpu.memory_space<vmem>>, vector<16xf32>,
      %get3A_184 = arith.index_cast %add3A_146 : i32 to index
      %get3A_185 = arith.constant 32 : index
      %get3A_186 = tpu.vector_load %arg13[%get3A_184, %get3A_185] {strides = array<i32>} : memref<200x64xf32, #tpu.memory_space<vmem>>, vector<16xf32>,
      %get3A_187 = arith.index_cast %add3A_146 : i32 to index
      %get3A_188 = arith.constant 48 : index
      %get3A_189 = tpu.vector_load %arg13[%get3A_187, %get3A_188] {strides = array<i32>} : memref<200x64xf32, #tpu.memory_space<vmem>>, vector<16xf32>,
      %parallel_loop3A_190 = arith.constant 0 : i32
      %parallel_loop3A_191 = arith.constant 128 : i32
      %parallel_loop3A_192 = arith.constant 1 : i32
      %parallel_loop3A_193:8 = scf.for %parallel_loop3A_208 = %parallel_loop3A_190 to %parallel_loop3A_191 step %parallel_loop3A_192 iter_args(%parallel_loop3A_209 = %parallel_loop3A_132#0, %parallel_loop3A_210 = %parallel_loop3A_132#1, %parallel_loop3A_211 = %parallel_loop3A_132#2, %parallel_loop3A_212 = %parallel_loop3A_132#3, %parallel_loop3A_213 = %parallel_loop3A_132#4, %parallel_loop3A_214 = %parallel_loop3A_132#5, %parallel_loop3A_215 = %parallel_loop3A_132#6, %parallel_loop3A_216 = %parallel_loop3A_132#7) -> (vector<16xf32>, vector<16xf32>, vector<16xf32>, vector<16xf32>, vector<16xf32>, vector<16xf32>, vector<16xf32>, vector<16xf32>)  : i32 {
        %parallel_loop3A_217 = arith.constant 1 : i32
        %parallel_loop3A_218 = arith.index_cast %parallel_loop3A_217 : i32 to index
        %parallel_loop3A_219 = arith.index_cast %parallel_loop3A_208 : i32 to index
        %parallel_loop3A_220 = arith.constant 0 : index
        %parallel_loop3A_221 = tpu.vector_load %arg10[%parallel_loop3A_218, %parallel_loop3A_219, %parallel_loop3A_220] {strides = array<i32>} : memref<2x128x64xf32, #tpu.memory_space<vmem>>, vector<16xf32>,
        %parallel_loop3A_222 = arith.addf %parallel_loop3A_221, %get3A_180 : vector<16xf32>
        %parallel_loop3A_223 = arith.constant 1 : i32
        %parallel_loop3A_224 = arith.index_cast %parallel_loop3A_223 : i32 to index
        %parallel_loop3A_225 = arith.index_cast %parallel_loop3A_208 : i32 to index
        %parallel_loop3A_226 = arith.constant 16 : index
        %parallel_loop3A_227 = tpu.vector_load %arg10[%parallel_loop3A_224, %parallel_loop3A_225, %parallel_loop3A_226] {strides = array<i32>} : memref<2x128x64xf32, #tpu.memory_space<vmem>>, vector<16xf32>,
        %parallel_loop3A_228 = arith.addf %parallel_loop3A_227, %get3A_183 : vector<16xf32>
        %parallel_loop3A_229 = arith.constant 1 : i32
        %parallel_loop3A_230 = arith.index_cast %parallel_loop3A_229 : i32 to index
        %parallel_loop3A_231 = arith.index_cast %parallel_loop3A_208 : i32 to index
        %parallel_loop3A_232 = arith.constant 32 : index
        %parallel_loop3A_233 = tpu.vector_load %arg10[%parallel_loop3A_230, %parallel_loop3A_231, %parallel_loop3A_232] {strides = array<i32>} : memref<2x128x64xf32, #tpu.memory_space<vmem>>, vector<16xf32>,
        %parallel_loop3A_234 = arith.addf %parallel_loop3A_233, %get3A_186 : vector<16xf32>
        %parallel_loop3A_235 = arith.constant 1 : i32
        %parallel_loop3A_236 = arith.index_cast %parallel_loop3A_235 : i32 to index
        %parallel_loop3A_237 = arith.index_cast %parallel_loop3A_208 : i32 to index
        %parallel_loop3A_238 = arith.constant 48 : index
        %parallel_loop3A_239 = tpu.vector_load %arg10[%parallel_loop3A_236, %parallel_loop3A_237, %parallel_loop3A_238] {strides = array<i32>} : memref<2x128x64xf32, #tpu.memory_space<vmem>>, vector<16xf32>,
        %parallel_loop3A_240 = arith.addf %parallel_loop3A_239, %get3A_189 : vector<16xf32>
        %parallel_loop3A_241 = arith.addf %parallel_loop3A_222, %parallel_loop3A_228 : vector<16xf32>
        %parallel_loop3A_242 = arith.addf %parallel_loop3A_234, %parallel_loop3A_240 : vector<16xf32>
        %parallel_loop3A_243 = arith.addf %parallel_loop3A_241, %parallel_loop3A_242 : vector<16xf32>
        %parallel_loop3A_244 = arith.mulf %parallel_loop3A_222, %parallel_loop3A_222 : vector<16xf32>
        %parallel_loop3A_245 = arith.mulf %parallel_loop3A_228, %parallel_loop3A_228 : vector<16xf32>
        %parallel_loop3A_246 = arith.addf %parallel_loop3A_244, %parallel_loop3A_245 : vector<16xf32>
        %parallel_loop3A_247 = arith.mulf %parallel_loop3A_234, %parallel_loop3A_234 : vector<16xf32>
        %parallel_loop3A_248 = arith.mulf %parallel_loop3A_240, %parallel_loop3A_240 : vector<16xf32>
        %parallel_loop3A_249 = arith.addf %parallel_loop3A_247, %parallel_loop3A_248 : vector<16xf32>
        %parallel_loop3A_250 = arith.addf %parallel_loop3A_246, %parallel_loop3A_249 : vector<16xf32>
        %parallel_loop3A_251 = tpu.iota {dimensions = array<i32: 0>} : vector<16xi32>
        %parallel_loop3A_252 = arith.constant 1 : i32
        %parallel_loop3A_253 = vector.broadcast %parallel_loop3A_252 : i32 to vector<16xi32>
        %parallel_loop3A_254 = arith.xori %parallel_loop3A_251, %parallel_loop3A_253 : vector<16xi32>
        %parallel_loop3A_255 = vector.shape_cast %parallel_loop3A_254 : vector<16xi32> to vector<16x1xi32>
        %parallel_loop3A_256 = vector.shape_cast %parallel_loop3A_255 : vector<16x1xi32> to vector<16xi32>
        %parallel_loop3A_257 = tpu.dynamic_gather %parallel_loop3A_243[%parallel_loop3A_256] in [0] : vector<16xf32>, vector<16xi32> -> vector<16xf32>
        %parallel_loop3A_258 = arith.addf %parallel_loop3A_243, %parallel_loop3A_257 : vector<16xf32>
        %parallel_loop3A_259 = tpu.iota {dimensions = array<i32: 0>} : vector<16xi32>
        %parallel_loop3A_260 = arith.constant 1 : i32
        %parallel_loop3A_261 = vector.broadcast %parallel_loop3A_260 : i32 to vector<16xi32>
        %parallel_loop3A_262 = arith.xori %parallel_loop3A_259, %parallel_loop3A_261 : vector<16xi32>
        %parallel_loop3A_263 = vector.shape_cast %parallel_loop3A_262 : vector<16xi32> to vector<16x1xi32>
        %parallel_loop3A_264 = vector.shape_cast %parallel_loop3A_263 : vector<16x1xi32> to vector<16xi32>
        %parallel_loop3A_265 = tpu.dynamic_gather %parallel_loop3A_250[%parallel_loop3A_264] in [0] : vector<16xf32>, vector<16xi32> -> vector<16xf32>
        %parallel_loop3A_266 = arith.addf %parallel_loop3A_250, %parallel_loop3A_265 : vector<16xf32>
        %parallel_loop3A_267 = tpu.iota {dimensions = array<i32: 0>} : vector<16xi32>
        %parallel_loop3A_268 = arith.constant 2 : i32
        %parallel_loop3A_269 = vector.broadcast %parallel_loop3A_268 : i32 to vector<16xi32>
        %parallel_loop3A_270 = arith.xori %parallel_loop3A_267, %parallel_loop3A_269 : vector<16xi32>
        %parallel_loop3A_271 = vector.shape_cast %parallel_loop3A_270 : vector<16xi32> to vector<16x1xi32>
        %parallel_loop3A_272 = vector.shape_cast %parallel_loop3A_271 : vector<16x1xi32> to vector<16xi32>
        %parallel_loop3A_273 = tpu.dynamic_gather %parallel_loop3A_258[%parallel_loop3A_272] in [0] : vector<16xf32>, vector<16xi32> -> vector<16xf32>
        %parallel_loop3A_274 = arith.addf %parallel_loop3A_258, %parallel_loop3A_273 : vector<16xf32>
        %parallel_loop3A_275 = tpu.iota {dimensions = array<i32: 0>} : vector<16xi32>
        %parallel_loop3A_276 = arith.constant 2 : i32
        %parallel_loop3A_277 = vector.broadcast %parallel_loop3A_276 : i32 to vector<16xi32>
        %parallel_loop3A_278 = arith.xori %parallel_loop3A_275, %parallel_loop3A_277 : vector<16xi32>
        %parallel_loop3A_279 = vector.shape_cast %parallel_loop3A_278 : vector<16xi32> to vector<16x1xi32>
        %parallel_loop3A_280 = vector.shape_cast %parallel_loop3A_279 : vector<16x1xi32> to vector<16xi32>
        %parallel_loop3A_281 = tpu.dynamic_gather %parallel_loop3A_266[%parallel_loop3A_280] in [0] : vector<16xf32>, vector<16xi32> -> vector<16xf32>
        %parallel_loop3A_282 = arith.addf %parallel_loop3A_266, %parallel_loop3A_281 : vector<16xf32>
        %parallel_loop3A_283 = tpu.iota {dimensions = array<i32: 0>} : vector<16xi32>
        %parallel_loop3A_284 = arith.constant 4 : i32
        %parallel_loop3A_285 = vector.broadcast %parallel_loop3A_284 : i32 to vector<16xi32>
        %parallel_loop3A_286 = arith.xori %parallel_loop3A_283, %parallel_loop3A_285 : vector<16xi32>
        %parallel_loop3A_287 = vector.shape_cast %parallel_loop3A_286 : vector<16xi32> to vector<16x1xi32>
        %parallel_loop3A_288 = vector.shape_cast %parallel_loop3A_287 : vector<16x1xi32> to vector<16xi32>
        %parallel_loop3A_289 = tpu.dynamic_gather %parallel_loop3A_274[%parallel_loop3A_288] in [0] : vector<16xf32>, vector<16xi32> -> vector<16xf32>
        %parallel_loop3A_290 = arith.addf %parallel_loop3A_274, %parallel_loop3A_289 : vector<16xf32>
        %parallel_loop3A_291 = tpu.iota {dimensions = array<i32: 0>} : vector<16xi32>
        %parallel_loop3A_292 = arith.constant 4 : i32
        %parallel_loop3A_293 = vector.broadcast %parallel_loop3A_292 : i32 to vector<16xi32>
        %parallel_loop3A_294 = arith.xori %parallel_loop3A_291, %parallel_loop3A_293 : vector<16xi32>
        %parallel_loop3A_295 = vector.shape_cast %parallel_loop3A_294 : vector<16xi32> to vector<16x1xi32>
        %parallel_loop3A_296 = vector.shape_cast %parallel_loop3A_295 : vector<16x1xi32> to vector<16xi32>
        %parallel_loop3A_297 = tpu.dynamic_gather %parallel_loop3A_282[%parallel_loop3A_296] in [0] : vector<16xf32>, vector<16xi32> -> vector<16xf32>
        %parallel_loop3A_298 = arith.addf %parallel_loop3A_282, %parallel_loop3A_297 : vector<16xf32>
        %parallel_loop3A_299 = tpu.iota {dimensions = array<i32: 0>} : vector<16xi32>
        %parallel_loop3A_300 = arith.constant 8 : i32
        %parallel_loop3A_301 = vector.broadcast %parallel_loop3A_300 : i32 to vector<16xi32>
        %parallel_loop3A_302 = arith.xori %parallel_loop3A_299, %parallel_loop3A_301 : vector<16xi32>
        %parallel_loop3A_303 = vector.shape_cast %parallel_loop3A_302 : vector<16xi32> to vector<16x1xi32>
        %parallel_loop3A_304 = vector.shape_cast %parallel_loop3A_303 : vector<16x1xi32> to vector<16xi32>
        %parallel_loop3A_305 = tpu.dynamic_gather %parallel_loop3A_290[%parallel_loop3A_304] in [0] : vector<16xf32>, vector<16xi32> -> vector<16xf32>
        %parallel_loop3A_306 = arith.addf %parallel_loop3A_290, %parallel_loop3A_305 : vector<16xf32>
        %parallel_loop3A_307 = tpu.iota {dimensions = array<i32: 0>} : vector<16xi32>
        %parallel_loop3A_308 = arith.constant 8 : i32
        %parallel_loop3A_309 = vector.broadcast %parallel_loop3A_308 : i32 to vector<16xi32>
        %parallel_loop3A_310 = arith.xori %parallel_loop3A_307, %parallel_loop3A_309 : vector<16xi32>
        %parallel_loop3A_311 = vector.shape_cast %parallel_loop3A_310 : vector<16xi32> to vector<16x1xi32>
        %parallel_loop3A_312 = vector.shape_cast %parallel_loop3A_311 : vector<16x1xi32> to vector<16xi32>
        %parallel_loop3A_313 = tpu.dynamic_gather %parallel_loop3A_298[%parallel_loop3A_312] in [0] : vector<16xf32>, vector<16xi32> -> vector<16xf32>
        %parallel_loop3A_314 = arith.addf %parallel_loop3A_298, %parallel_loop3A_313 : vector<16xf32>
        %parallel_loop3A_315 = arith.constant 1.562500e-02 : f32
        %parallel_loop3A_316 = vector.broadcast %parallel_loop3A_315 : f32 to vector<16xf32>
        %parallel_loop3A_317 = arith.mulf %parallel_loop3A_306, %parallel_loop3A_316 : vector<16xf32>
        %parallel_loop3A_318 = arith.constant 1.562500e-02 : f32
        %parallel_loop3A_319 = vector.broadcast %parallel_loop3A_318 : f32 to vector<16xf32>
        %parallel_loop3A_320 = arith.mulf %parallel_loop3A_314, %parallel_loop3A_319 : vector<16xf32>
        %parallel_loop3A_321 = arith.mulf %parallel_loop3A_317, %parallel_loop3A_317 : vector<16xf32>
        %parallel_loop3A_322 = arith.subf %parallel_loop3A_320, %parallel_loop3A_321 : vector<16xf32>
        %parallel_loop3A_323 = arith.constant 9.99999974E-6 : f32
        %parallel_loop3A_324 = vector.broadcast %parallel_loop3A_323 : f32 to vector<16xf32>
        %parallel_loop3A_325 = arith.addf %parallel_loop3A_322, %parallel_loop3A_324 : vector<16xf32>
        %parallel_loop3A_326 = tpu.bitcast %parallel_loop3A_325 : vector<16xf32> -> vector<16xi32>
        %parallel_loop3A_327 = arith.constant 1 : i32
        %parallel_loop3A_328 = vector.broadcast %parallel_loop3A_327 : i32 to vector<16xi32>
        %parallel_loop3A_329 = arith.shrsi %parallel_loop3A_326, %parallel_loop3A_328 : vector<16xi32>
        %parallel_loop3A_330 = arith.constant 1597463007 : i32
        %parallel_loop3A_331 = vector.broadcast %parallel_loop3A_330 : i32 to vector<16xi32>
        %parallel_loop3A_332 = arith.subi %parallel_loop3A_331, %parallel_loop3A_329 : vector<16xi32>
        %parallel_loop3A_333 = tpu.bitcast %parallel_loop3A_332 : vector<16xi32> -> vector<16xf32>
        %parallel_loop3A_334 = arith.constant 5.000000e-01 : f32
        %parallel_loop3A_335 = vector.broadcast %parallel_loop3A_334 : f32 to vector<16xf32>
        %parallel_loop3A_336 = arith.mulf %parallel_loop3A_335, %parallel_loop3A_325 : vector<16xf32>
        %parallel_loop3A_337 = arith.mulf %parallel_loop3A_336, %parallel_loop3A_333 : vector<16xf32>
        %parallel_loop3A_338 = arith.mulf %parallel_loop3A_337, %parallel_loop3A_333 : vector<16xf32>
        %parallel_loop3A_339 = arith.constant 1.500000e+00 : f32
        %parallel_loop3A_340 = vector.broadcast %parallel_loop3A_339 : f32 to vector<16xf32>
        %parallel_loop3A_341 = arith.subf %parallel_loop3A_340, %parallel_loop3A_338 : vector<16xf32>
        %parallel_loop3A_342 = arith.mulf %parallel_loop3A_333, %parallel_loop3A_341 : vector<16xf32>
        %parallel_loop3A_343 = arith.constant 5.000000e-01 : f32
        %parallel_loop3A_344 = vector.broadcast %parallel_loop3A_343 : f32 to vector<16xf32>
        %parallel_loop3A_345 = arith.mulf %parallel_loop3A_344, %parallel_loop3A_325 : vector<16xf32>
        %parallel_loop3A_346 = arith.mulf %parallel_loop3A_345, %parallel_loop3A_342 : vector<16xf32>
        %parallel_loop3A_347 = arith.mulf %parallel_loop3A_346, %parallel_loop3A_342 : vector<16xf32>
        %parallel_loop3A_348 = arith.constant 1.500000e+00 : f32
        %parallel_loop3A_349 = vector.broadcast %parallel_loop3A_348 : f32 to vector<16xf32>
        %parallel_loop3A_350 = arith.subf %parallel_loop3A_349, %parallel_loop3A_347 : vector<16xf32>
        %parallel_loop3A_351 = arith.mulf %parallel_loop3A_342, %parallel_loop3A_350 : vector<16xf32>
        %parallel_loop3A_352 = arith.subf %parallel_loop3A_222, %parallel_loop3A_317 : vector<16xf32>
        %parallel_loop3A_353 = arith.mulf %parallel_loop3A_351, %parallel_loop3A_209 : vector<16xf32>
        %parallel_loop3A_354 = arith.mulf %parallel_loop3A_352, %parallel_loop3A_353 : vector<16xf32>
        %parallel_loop3A_355 = arith.addf %parallel_loop3A_354, %parallel_loop3A_213 : vector<16xf32>
        %parallel_loop3A_356 = arith.constant 1 : i32
        %parallel_loop3A_357 = arith.index_cast %parallel_loop3A_356 : i32 to index
        %parallel_loop3A_358 = arith.index_cast %parallel_loop3A_208 : i32 to index
        %parallel_loop3A_359 = arith.constant 0 : index
        %parallel_loop3A_360 = tpu.vector_load %arg10[%parallel_loop3A_357, %parallel_loop3A_358, %parallel_loop3A_359] {strides = array<i32>} : memref<2x128x64xf32, #tpu.memory_space<vmem>>, vector<16xf32>,
        tpu.vector_store %arg10[%parallel_loop3A_357, %parallel_loop3A_358, %parallel_loop3A_359], %parallel_loop3A_355 {strides = array<i32>} : memref<2x128x64xf32, #tpu.memory_space<vmem>>, vector<16xf32>,
        %parallel_loop3A_361 = arith.subf %parallel_loop3A_228, %parallel_loop3A_317 : vector<16xf32>
        %parallel_loop3A_362 = arith.mulf %parallel_loop3A_351, %parallel_loop3A_210 : vector<16xf32>
        %parallel_loop3A_363 = arith.mulf %parallel_loop3A_361, %parallel_loop3A_362 : vector<16xf32>
        %parallel_loop3A_364 = arith.addf %parallel_loop3A_363, %parallel_loop3A_214 : vector<16xf32>
        %parallel_loop3A_365 = arith.constant 1 : i32
        %parallel_loop3A_366 = arith.index_cast %parallel_loop3A_365 : i32 to index
        %parallel_loop3A_367 = arith.index_cast %parallel_loop3A_208 : i32 to index
        %parallel_loop3A_368 = arith.constant 16 : index
        %parallel_loop3A_369 = tpu.vector_load %arg10[%parallel_loop3A_366, %parallel_loop3A_367, %parallel_loop3A_368] {strides = array<i32>} : memref<2x128x64xf32, #tpu.memory_space<vmem>>, vector<16xf32>,
        tpu.vector_store %arg10[%parallel_loop3A_366, %parallel_loop3A_367, %parallel_loop3A_368], %parallel_loop3A_364 {strides = array<i32>} : memref<2x128x64xf32, #tpu.memory_space<vmem>>, vector<16xf32>,
        %parallel_loop3A_370 = arith.subf %parallel_loop3A_234, %parallel_loop3A_317 : vector<16xf32>
        %parallel_loop3A_371 = arith.mulf %parallel_loop3A_351, %parallel_loop3A_211 : vector<16xf32>
        %parallel_loop3A_372 = arith.mulf %parallel_loop3A_370, %parallel_loop3A_371 : vector<16xf32>
        %parallel_loop3A_373 = arith.addf %parallel_loop3A_372, %parallel_loop3A_215 : vector<16xf32>
        %parallel_loop3A_374 = arith.constant 1 : i32
        %parallel_loop3A_375 = arith.index_cast %parallel_loop3A_374 : i32 to index
        %parallel_loop3A_376 = arith.index_cast %parallel_loop3A_208 : i32 to index
        %parallel_loop3A_377 = arith.constant 32 : index
        %parallel_loop3A_378 = tpu.vector_load %arg10[%parallel_loop3A_375, %parallel_loop3A_376, %parallel_loop3A_377] {strides = array<i32>} : memref<2x128x64xf32, #tpu.memory_space<vmem>>, vector<16xf32>,
        tpu.vector_store %arg10[%parallel_loop3A_375, %parallel_loop3A_376, %parallel_loop3A_377], %parallel_loop3A_373 {strides = array<i32>} : memref<2x128x64xf32, #tpu.memory_space<vmem>>, vector<16xf32>,
        %parallel_loop3A_379 = arith.subf %parallel_loop3A_240, %parallel_loop3A_317 : vector<16xf32>
        %parallel_loop3A_380 = arith.mulf %parallel_loop3A_351, %parallel_loop3A_212 : vector<16xf32>
        %parallel_loop3A_381 = arith.mulf %parallel_loop3A_379, %parallel_loop3A_380 : vector<16xf32>
        %parallel_loop3A_382 = arith.addf %parallel_loop3A_381, %parallel_loop3A_216 : vector<16xf32>
        %parallel_loop3A_383 = arith.constant 1 : i32
        %parallel_loop3A_384 = arith.index_cast %parallel_loop3A_383 : i32 to index
        %parallel_loop3A_385 = arith.index_cast %parallel_loop3A_208 : i32 to index
        %parallel_loop3A_386 = arith.constant 48 : index
        %parallel_loop3A_387 = tpu.vector_load %arg10[%parallel_loop3A_384, %parallel_loop3A_385, %parallel_loop3A_386] {strides = array<i32>} : memref<2x128x64xf32, #tpu.memory_space<vmem>>, vector<16xf32>,
        tpu.vector_store %arg10[%parallel_loop3A_384, %parallel_loop3A_385, %parallel_loop3A_386], %parallel_loop3A_382 {strides = array<i32>} : memref<2x128x64xf32, #tpu.memory_space<vmem>>, vector<16xf32>,
        scf.yield %parallel_loop3A_209, %parallel_loop3A_210, %parallel_loop3A_211, %parallel_loop3A_212, %parallel_loop3A_213, %parallel_loop3A_214, %parallel_loop3A_215, %parallel_loop3A_216 : vector<16xf32>, vector<16xf32>, vector<16xf32>, vector<16xf32>, vector<16xf32>, vector<16xf32>, vector<16xf32>, vector<16xf32>
      } {sc.loop_unroll_factor = 4 : i64, sc.parallel_access}
      %parallel_loop3A_194 = arith.constant 0 : i32
      %parallel_loop3A_195 = arith.constant 64 : i32
      %parallel_loop3A_196 = arith.constant 1 : i32
      %parallel_loop3A_197:8 = scf.for %parallel_loop3A_208 = %parallel_loop3A_194 to %parallel_loop3A_195 step %parallel_loop3A_196 iter_args(%parallel_loop3A_209 = %parallel_loop3A_193#0, %parallel_loop3A_210 = %parallel_loop3A_193#1, %parallel_loop3A_211 = %parallel_loop3A_193#2, %parallel_loop3A_212 = %parallel_loop3A_193#3, %parallel_loop3A_213 = %parallel_loop3A_193#4, %parallel_loop3A_214 = %parallel_loop3A_193#5, %parallel_loop3A_215 = %parallel_loop3A_193#6, %parallel_loop3A_216 = %parallel_loop3A_193#7) -> (vector<16xf32>, vector<16xf32>, vector<16xf32>, vector<16xf32>, vector<16xf32>, vector<16xf32>, vector<16xf32>, vector<16xf32>)  : i32 {
        %parallel_loop3A_217 = vector.broadcast %parallel_loop3A_208 : i32 to vector<16xi32>
        %parallel_loop3A_218 = arith.constant 0 : i32
        %parallel_loop3A_219 = vector.broadcast %parallel_loop3A_218 : i32 to vector<16xi32>
        %parallel_loop3A_220 = arith.addi %iota3A, %parallel_loop3A_219 : vector<16xi32>
        %parallel_loop3A_221 = arith.constant 1 : i32
        %parallel_loop3A_222 = arith.constant 0 : i32
        %parallel_loop3A_223 = arith.constant 0 : i32
        %parallel_loop3A_224 = tpu.memref_slice %arg10[%parallel_loop3A_221, %parallel_loop3A_222, %parallel_loop3A_223] : memref<2x128x64xf32, #tpu.memory_space<vmem>> -> memref<1x128x64xf32, #tpu.memory_space<vmem>>
        %parallel_loop3A_225 = tpu.memref_squeeze %parallel_loop3A_224 : memref<1x128x64xf32, #tpu.memory_space<vmem>> -> memref<128x64xf32, #tpu.memory_space<vmem>>
        %parallel_loop3A_226 = tpu.vector_load_idx %parallel_loop3A_225[%parallel_loop3A_220, %parallel_loop3A_217] : memref<128x64xf32, #tpu.memory_space<vmem>>[vector<16xi32>, vector<16xi32>], vector<16xf32>,
        %parallel_loop3A_227 = arith.constant 8 : i32
        %parallel_loop3A_228 = arith.divsi %parallel_loop3A_208, %parallel_loop3A_227 : i32
        %parallel_loop3A_229 = arith.constant 0 : i32
        %parallel_loop3A_230 = arith.cmpi sgt, %parallel_loop3A_208, %parallel_loop3A_229 : i32
        %parallel_loop3A_231 = arith.extui %parallel_loop3A_230 : i1 to i32
        %parallel_loop3A_232 = arith.constant 0 : i32
        %parallel_loop3A_233 = arith.cmpi slt, %parallel_loop3A_208, %parallel_loop3A_232 : i32
        %parallel_loop3A_234 = arith.extui %parallel_loop3A_233 : i1 to i32
        %parallel_loop3A_235 = arith.subi %parallel_loop3A_231, %parallel_loop3A_234 : i32
        %parallel_loop3A_236 = arith.constant 0 : i32
        %parallel_loop3A_237 = arith.cmpi sgt, %parallel_loop3A_227, %parallel_loop3A_236 : i32
        %parallel_loop3A_238 = arith.extui %parallel_loop3A_237 : i1 to i32
        %parallel_loop3A_239 = arith.constant 0 : i32
        %parallel_loop3A_240 = arith.cmpi slt, %parallel_loop3A_227, %parallel_loop3A_239 : i32
        %parallel_loop3A_241 = arith.extui %parallel_loop3A_240 : i1 to i32
        %parallel_loop3A_242 = arith.subi %parallel_loop3A_238, %parallel_loop3A_241 : i32
        %parallel_loop3A_243 = arith.cmpi ne, %parallel_loop3A_235, %parallel_loop3A_242 : i32
        %parallel_loop3A_244 = arith.remsi %parallel_loop3A_208, %parallel_loop3A_227 : i32
        %parallel_loop3A_245 = arith.constant 0 : i32
        %parallel_loop3A_246 = arith.cmpi ne, %parallel_loop3A_244, %parallel_loop3A_245 : i32
        %parallel_loop3A_247 = arith.andi %parallel_loop3A_243, %parallel_loop3A_246 : i1
        %parallel_loop3A_248 = arith.constant 1 : i32
        %parallel_loop3A_249 = arith.subi %parallel_loop3A_228, %parallel_loop3A_248 : i32
        %parallel_loop3A_250 = arith.select %parallel_loop3A_247, %parallel_loop3A_249, %parallel_loop3A_228 : i32
        %parallel_loop3A_251 = arith.constant 8 : i32
        %parallel_loop3A_252 = arith.constant 0 : i32
        %parallel_loop3A_253 = arith.cmpi eq, %parallel_loop3A_251, %parallel_loop3A_252 : i32
        %parallel_loop3A_254 = arith.constant 1 : i32
        %parallel_loop3A_255 = arith.select %parallel_loop3A_253, %parallel_loop3A_254, %parallel_loop3A_251 : i32
        %parallel_loop3A_256 = arith.remsi %parallel_loop3A_208, %parallel_loop3A_255 : i32
        %parallel_loop3A_257 = arith.constant 0 : i32
        %parallel_loop3A_258 = arith.cmpi ne, %parallel_loop3A_256, %parallel_loop3A_257 : i32
        %parallel_loop3A_259 = arith.constant 0 : i32
        %parallel_loop3A_260 = arith.cmpi slt, %parallel_loop3A_256, %parallel_loop3A_259 : i32
        %parallel_loop3A_261 = arith.constant 0 : i32
        %parallel_loop3A_262 = arith.cmpi slt, %parallel_loop3A_255, %parallel_loop3A_261 : i32
        %parallel_loop3A_263 = arith.xori %parallel_loop3A_260, %parallel_loop3A_262 : i1
        %parallel_loop3A_264 = arith.andi %parallel_loop3A_263, %parallel_loop3A_258 : i1
        %parallel_loop3A_265 = arith.addi %parallel_loop3A_256, %parallel_loop3A_255 : i32
        %parallel_loop3A_266 = arith.select %parallel_loop3A_264, %parallel_loop3A_265, %parallel_loop3A_256 : i32
        %parallel_loop3A_267 = arith.constant 0 : i32
        %parallel_loop3A_268 = arith.index_cast %parallel_loop3A_250 : i32 to index
        %parallel_loop3A_269 = arith.index_cast %parallel_loop3A_267 : i32 to index
        %parallel_loop3A_270 = arith.index_cast %parallel_loop3A_266 : i32 to index
        %parallel_loop3A_271 = arith.constant 0 : index
        %parallel_loop3A_272 = tpu.vector_load %arg12[%parallel_loop3A_268, %parallel_loop3A_269, %parallel_loop3A_270, %parallel_loop3A_271] {strides = array<i32>} : memref<8x1x8x128xf32, #tpu.memory_space<vmem>>, vector<16xf32>,
        tpu.vector_store %arg12[%parallel_loop3A_268, %parallel_loop3A_269, %parallel_loop3A_270, %parallel_loop3A_271], %parallel_loop3A_226 {strides = array<i32>} : memref<8x1x8x128xf32, #tpu.memory_space<vmem>>, vector<16xf32>,
        %parallel_loop3A_273 = arith.constant 16 : i32
        %parallel_loop3A_274 = vector.broadcast %parallel_loop3A_273 : i32 to vector<16xi32>
        %parallel_loop3A_275 = arith.addi %iota3A, %parallel_loop3A_274 : vector<16xi32>
        %parallel_loop3A_276 = arith.constant 1 : i32
        %parallel_loop3A_277 = arith.constant 0 : i32
        %parallel_loop3A_278 = arith.constant 0 : i32
        %parallel_loop3A_279 = tpu.memref_slice %arg10[%parallel_loop3A_276, %parallel_loop3A_277, %parallel_loop3A_278] : memref<2x128x64xf32, #tpu.memory_space<vmem>> -> memref<1x128x64xf32, #tpu.memory_space<vmem>>
        %parallel_loop3A_280 = tpu.memref_squeeze %parallel_loop3A_279 : memref<1x128x64xf32, #tpu.memory_space<vmem>> -> memref<128x64xf32, #tpu.memory_space<vmem>>
        %parallel_loop3A_281 = tpu.vector_load_idx %parallel_loop3A_280[%parallel_loop3A_275, %parallel_loop3A_217] : memref<128x64xf32, #tpu.memory_space<vmem>>[vector<16xi32>, vector<16xi32>], vector<16xf32>,
        %parallel_loop3A_282 = arith.constant 8 : i32
        %parallel_loop3A_283 = arith.divsi %parallel_loop3A_208, %parallel_loop3A_282 : i32
        %parallel_loop3A_284 = arith.constant 0 : i32
        %parallel_loop3A_285 = arith.cmpi sgt, %parallel_loop3A_208, %parallel_loop3A_284 : i32
        %parallel_loop3A_286 = arith.extui %parallel_loop3A_285 : i1 to i32
        %parallel_loop3A_287 = arith.constant 0 : i32
        %parallel_loop3A_288 = arith.cmpi slt, %parallel_loop3A_208, %parallel_loop3A_287 : i32
        %parallel_loop3A_289 = arith.extui %parallel_loop3A_288 : i1 to i32
        %parallel_loop3A_290 = arith.subi %parallel_loop3A_286, %parallel_loop3A_289 : i32
        %parallel_loop3A_291 = arith.constant 0 : i32
        %parallel_loop3A_292 = arith.cmpi sgt, %parallel_loop3A_282, %parallel_loop3A_291 : i32
        %parallel_loop3A_293 = arith.extui %parallel_loop3A_292 : i1 to i32
        %parallel_loop3A_294 = arith.constant 0 : i32
        %parallel_loop3A_295 = arith.cmpi slt, %parallel_loop3A_282, %parallel_loop3A_294 : i32
        %parallel_loop3A_296 = arith.extui %parallel_loop3A_295 : i1 to i32
        %parallel_loop3A_297 = arith.subi %parallel_loop3A_293, %parallel_loop3A_296 : i32
        %parallel_loop3A_298 = arith.cmpi ne, %parallel_loop3A_290, %parallel_loop3A_297 : i32
        %parallel_loop3A_299 = arith.remsi %parallel_loop3A_208, %parallel_loop3A_282 : i32
        %parallel_loop3A_300 = arith.constant 0 : i32
        %parallel_loop3A_301 = arith.cmpi ne, %parallel_loop3A_299, %parallel_loop3A_300 : i32
        %parallel_loop3A_302 = arith.andi %parallel_loop3A_298, %parallel_loop3A_301 : i1
        %parallel_loop3A_303 = arith.constant 1 : i32
        %parallel_loop3A_304 = arith.subi %parallel_loop3A_283, %parallel_loop3A_303 : i32
        %parallel_loop3A_305 = arith.select %parallel_loop3A_302, %parallel_loop3A_304, %parallel_loop3A_283 : i32
        %parallel_loop3A_306 = arith.constant 8 : i32
        %parallel_loop3A_307 = arith.constant 0 : i32
        %parallel_loop3A_308 = arith.cmpi eq, %parallel_loop3A_306, %parallel_loop3A_307 : i32
        %parallel_loop3A_309 = arith.constant 1 : i32
        %parallel_loop3A_310 = arith.select %parallel_loop3A_308, %parallel_loop3A_309, %parallel_loop3A_306 : i32
        %parallel_loop3A_311 = arith.remsi %parallel_loop3A_208, %parallel_loop3A_310 : i32
        %parallel_loop3A_312 = arith.constant 0 : i32
        %parallel_loop3A_313 = arith.cmpi ne, %parallel_loop3A_311, %parallel_loop3A_312 : i32
        %parallel_loop3A_314 = arith.constant 0 : i32
        %parallel_loop3A_315 = arith.cmpi slt, %parallel_loop3A_311, %parallel_loop3A_314 : i32
        %parallel_loop3A_316 = arith.constant 0 : i32
        %parallel_loop3A_317 = arith.cmpi slt, %parallel_loop3A_310, %parallel_loop3A_316 : i32
        %parallel_loop3A_318 = arith.xori %parallel_loop3A_315, %parallel_loop3A_317 : i1
        %parallel_loop3A_319 = arith.andi %parallel_loop3A_318, %parallel_loop3A_313 : i1
        %parallel_loop3A_320 = arith.addi %parallel_loop3A_311, %parallel_loop3A_310 : i32
        %parallel_loop3A_321 = arith.select %parallel_loop3A_319, %parallel_loop3A_320, %parallel_loop3A_311 : i32
        %parallel_loop3A_322 = arith.constant 0 : i32
        %parallel_loop3A_323 = arith.index_cast %parallel_loop3A_305 : i32 to index
        %parallel_loop3A_324 = arith.index_cast %parallel_loop3A_322 : i32 to index
        %parallel_loop3A_325 = arith.index_cast %parallel_loop3A_321 : i32 to index
        %parallel_loop3A_326 = arith.constant 16 : index
        %parallel_loop3A_327 = tpu.vector_load %arg12[%parallel_loop3A_323, %parallel_loop3A_324, %parallel_loop3A_325, %parallel_loop3A_326] {strides = array<i32>} : memref<8x1x8x128xf32, #tpu.memory_space<vmem>>, vector<16xf32>,
        tpu.vector_store %arg12[%parallel_loop3A_323, %parallel_loop3A_324, %parallel_loop3A_325, %parallel_loop3A_326], %parallel_loop3A_281 {strides = array<i32>} : memref<8x1x8x128xf32, #tpu.memory_space<vmem>>, vector<16xf32>,
        %parallel_loop3A_328 = arith.constant 32 : i32
        %parallel_loop3A_329 = vector.broadcast %parallel_loop3A_328 : i32 to vector<16xi32>
        %parallel_loop3A_330 = arith.addi %iota3A, %parallel_loop3A_329 : vector<16xi32>
        %parallel_loop3A_331 = arith.constant 1 : i32
        %parallel_loop3A_332 = arith.constant 0 : i32
        %parallel_loop3A_333 = arith.constant 0 : i32
        %parallel_loop3A_334 = tpu.memref_slice %arg10[%parallel_loop3A_331, %parallel_loop3A_332, %parallel_loop3A_333] : memref<2x128x64xf32, #tpu.memory_space<vmem>> -> memref<1x128x64xf32, #tpu.memory_space<vmem>>
        %parallel_loop3A_335 = tpu.memref_squeeze %parallel_loop3A_334 : memref<1x128x64xf32, #tpu.memory_space<vmem>> -> memref<128x64xf32, #tpu.memory_space<vmem>>
        %parallel_loop3A_336 = tpu.vector_load_idx %parallel_loop3A_335[%parallel_loop3A_330, %parallel_loop3A_217] : memref<128x64xf32, #tpu.memory_space<vmem>>[vector<16xi32>, vector<16xi32>], vector<16xf32>,
        %parallel_loop3A_337 = arith.constant 8 : i32
        %parallel_loop3A_338 = arith.divsi %parallel_loop3A_208, %parallel_loop3A_337 : i32
        %parallel_loop3A_339 = arith.constant 0 : i32
        %parallel_loop3A_340 = arith.cmpi sgt, %parallel_loop3A_208, %parallel_loop3A_339 : i32
        %parallel_loop3A_341 = arith.extui %parallel_loop3A_340 : i1 to i32
        %parallel_loop3A_342 = arith.constant 0 : i32
        %parallel_loop3A_343 = arith.cmpi slt, %parallel_loop3A_208, %parallel_loop3A_342 : i32
        %parallel_loop3A_344 = arith.extui %parallel_loop3A_343 : i1 to i32
        %parallel_loop3A_345 = arith.subi %parallel_loop3A_341, %parallel_loop3A_344 : i32
        %parallel_loop3A_346 = arith.constant 0 : i32
        %parallel_loop3A_347 = arith.cmpi sgt, %parallel_loop3A_337, %parallel_loop3A_346 : i32
        %parallel_loop3A_348 = arith.extui %parallel_loop3A_347 : i1 to i32
        %parallel_loop3A_349 = arith.constant 0 : i32
        %parallel_loop3A_350 = arith.cmpi slt, %parallel_loop3A_337, %parallel_loop3A_349 : i32
        %parallel_loop3A_351 = arith.extui %parallel_loop3A_350 : i1 to i32
        %parallel_loop3A_352 = arith.subi %parallel_loop3A_348, %parallel_loop3A_351 : i32
        %parallel_loop3A_353 = arith.cmpi ne, %parallel_loop3A_345, %parallel_loop3A_352 : i32
        %parallel_loop3A_354 = arith.remsi %parallel_loop3A_208, %parallel_loop3A_337 : i32
        %parallel_loop3A_355 = arith.constant 0 : i32
        %parallel_loop3A_356 = arith.cmpi ne, %parallel_loop3A_354, %parallel_loop3A_355 : i32
        %parallel_loop3A_357 = arith.andi %parallel_loop3A_353, %parallel_loop3A_356 : i1
        %parallel_loop3A_358 = arith.constant 1 : i32
        %parallel_loop3A_359 = arith.subi %parallel_loop3A_338, %parallel_loop3A_358 : i32
        %parallel_loop3A_360 = arith.select %parallel_loop3A_357, %parallel_loop3A_359, %parallel_loop3A_338 : i32
        %parallel_loop3A_361 = arith.constant 8 : i32
        %parallel_loop3A_362 = arith.constant 0 : i32
        %parallel_loop3A_363 = arith.cmpi eq, %parallel_loop3A_361, %parallel_loop3A_362 : i32
        %parallel_loop3A_364 = arith.constant 1 : i32
        %parallel_loop3A_365 = arith.select %parallel_loop3A_363, %parallel_loop3A_364, %parallel_loop3A_361 : i32
        %parallel_loop3A_366 = arith.remsi %parallel_loop3A_208, %parallel_loop3A_365 : i32
        %parallel_loop3A_367 = arith.constant 0 : i32
        %parallel_loop3A_368 = arith.cmpi ne, %parallel_loop3A_366, %parallel_loop3A_367 : i32
        %parallel_loop3A_369 = arith.constant 0 : i32
        %parallel_loop3A_370 = arith.cmpi slt, %parallel_loop3A_366, %parallel_loop3A_369 : i32
        %parallel_loop3A_371 = arith.constant 0 : i32
        %parallel_loop3A_372 = arith.cmpi slt, %parallel_loop3A_365, %parallel_loop3A_371 : i32
        %parallel_loop3A_373 = arith.xori %parallel_loop3A_370, %parallel_loop3A_372 : i1
        %parallel_loop3A_374 = arith.andi %parallel_loop3A_373, %parallel_loop3A_368 : i1
        %parallel_loop3A_375 = arith.addi %parallel_loop3A_366, %parallel_loop3A_365 : i32
        %parallel_loop3A_376 = arith.select %parallel_loop3A_374, %parallel_loop3A_375, %parallel_loop3A_366 : i32
        %parallel_loop3A_377 = arith.constant 0 : i32
        %parallel_loop3A_378 = arith.index_cast %parallel_loop3A_360 : i32 to index
        %parallel_loop3A_379 = arith.index_cast %parallel_loop3A_377 : i32 to index
        %parallel_loop3A_380 = arith.index_cast %parallel_loop3A_376 : i32 to index
        %parallel_loop3A_381 = arith.constant 32 : index
        %parallel_loop3A_382 = tpu.vector_load %arg12[%parallel_loop3A_378, %parallel_loop3A_379, %parallel_loop3A_380, %parallel_loop3A_381] {strides = array<i32>} : memref<8x1x8x128xf32, #tpu.memory_space<vmem>>, vector<16xf32>,
        tpu.vector_store %arg12[%parallel_loop3A_378, %parallel_loop3A_379, %parallel_loop3A_380, %parallel_loop3A_381], %parallel_loop3A_336 {strides = array<i32>} : memref<8x1x8x128xf32, #tpu.memory_space<vmem>>, vector<16xf32>,
        %parallel_loop3A_383 = arith.constant 48 : i32
        %parallel_loop3A_384 = vector.broadcast %parallel_loop3A_383 : i32 to vector<16xi32>
        %parallel_loop3A_385 = arith.addi %iota3A, %parallel_loop3A_384 : vector<16xi32>
        %parallel_loop3A_386 = arith.constant 1 : i32
        %parallel_loop3A_387 = arith.constant 0 : i32
        %parallel_loop3A_388 = arith.constant 0 : i32
        %parallel_loop3A_389 = tpu.memref_slice %arg10[%parallel_loop3A_386, %parallel_loop3A_387, %parallel_loop3A_388] : memref<2x128x64xf32, #tpu.memory_space<vmem>> -> memref<1x128x64xf32, #tpu.memory_space<vmem>>
        %parallel_loop3A_390 = tpu.memref_squeeze %parallel_loop3A_389 : memref<1x128x64xf32, #tpu.memory_space<vmem>> -> memref<128x64xf32, #tpu.memory_space<vmem>>
        %parallel_loop3A_391 = tpu.vector_load_idx %parallel_loop3A_390[%parallel_loop3A_385, %parallel_loop3A_217] : memref<128x64xf32, #tpu.memory_space<vmem>>[vector<16xi32>, vector<16xi32>], vector<16xf32>,
        %parallel_loop3A_392 = arith.constant 8 : i32
        %parallel_loop3A_393 = arith.divsi %parallel_loop3A_208, %parallel_loop3A_392 : i32
        %parallel_loop3A_394 = arith.constant 0 : i32
        %parallel_loop3A_395 = arith.cmpi sgt, %parallel_loop3A_208, %parallel_loop3A_394 : i32
        %parallel_loop3A_396 = arith.extui %parallel_loop3A_395 : i1 to i32
        %parallel_loop3A_397 = arith.constant 0 : i32
        %parallel_loop3A_398 = arith.cmpi slt, %parallel_loop3A_208, %parallel_loop3A_397 : i32
        %parallel_loop3A_399 = arith.extui %parallel_loop3A_398 : i1 to i32
        %parallel_loop3A_400 = arith.subi %parallel_loop3A_396, %parallel_loop3A_399 : i32
        %parallel_loop3A_401 = arith.constant 0 : i32
        %parallel_loop3A_402 = arith.cmpi sgt, %parallel_loop3A_392, %parallel_loop3A_401 : i32
        %parallel_loop3A_403 = arith.extui %parallel_loop3A_402 : i1 to i32
        %parallel_loop3A_404 = arith.constant 0 : i32
        %parallel_loop3A_405 = arith.cmpi slt, %parallel_loop3A_392, %parallel_loop3A_404 : i32
        %parallel_loop3A_406 = arith.extui %parallel_loop3A_405 : i1 to i32
        %parallel_loop3A_407 = arith.subi %parallel_loop3A_403, %parallel_loop3A_406 : i32
        %parallel_loop3A_408 = arith.cmpi ne, %parallel_loop3A_400, %parallel_loop3A_407 : i32
        %parallel_loop3A_409 = arith.remsi %parallel_loop3A_208, %parallel_loop3A_392 : i32
        %parallel_loop3A_410 = arith.constant 0 : i32
        %parallel_loop3A_411 = arith.cmpi ne, %parallel_loop3A_409, %parallel_loop3A_410 : i32
        %parallel_loop3A_412 = arith.andi %parallel_loop3A_408, %parallel_loop3A_411 : i1
        %parallel_loop3A_413 = arith.constant 1 : i32
        %parallel_loop3A_414 = arith.subi %parallel_loop3A_393, %parallel_loop3A_413 : i32
        %parallel_loop3A_415 = arith.select %parallel_loop3A_412, %parallel_loop3A_414, %parallel_loop3A_393 : i32
        %parallel_loop3A_416 = arith.constant 8 : i32
        %parallel_loop3A_417 = arith.constant 0 : i32
        %parallel_loop3A_418 = arith.cmpi eq, %parallel_loop3A_416, %parallel_loop3A_417 : i32
        %parallel_loop3A_419 = arith.constant 1 : i32
        %parallel_loop3A_420 = arith.select %parallel_loop3A_418, %parallel_loop3A_419, %parallel_loop3A_416 : i32
        %parallel_loop3A_421 = arith.remsi %parallel_loop3A_208, %parallel_loop3A_420 : i32
        %parallel_loop3A_422 = arith.constant 0 : i32
        %parallel_loop3A_423 = arith.cmpi ne, %parallel_loop3A_421, %parallel_loop3A_422 : i32
        %parallel_loop3A_424 = arith.constant 0 : i32
        %parallel_loop3A_425 = arith.cmpi slt, %parallel_loop3A_421, %parallel_loop3A_424 : i32
        %parallel_loop3A_426 = arith.constant 0 : i32
        %parallel_loop3A_427 = arith.cmpi slt, %parallel_loop3A_420, %parallel_loop3A_426 : i32
        %parallel_loop3A_428 = arith.xori %parallel_loop3A_425, %parallel_loop3A_427 : i1
        %parallel_loop3A_429 = arith.andi %parallel_loop3A_428, %parallel_loop3A_423 : i1
        %parallel_loop3A_430 = arith.addi %parallel_loop3A_421, %parallel_loop3A_420 : i32
        %parallel_loop3A_431 = arith.select %parallel_loop3A_429, %parallel_loop3A_430, %parallel_loop3A_421 : i32
        %parallel_loop3A_432 = arith.constant 0 : i32
        %parallel_loop3A_433 = arith.index_cast %parallel_loop3A_415 : i32 to index
        %parallel_loop3A_434 = arith.index_cast %parallel_loop3A_432 : i32 to index
        %parallel_loop3A_435 = arith.index_cast %parallel_loop3A_431 : i32 to index
        %parallel_loop3A_436 = arith.constant 48 : index
        %parallel_loop3A_437 = tpu.vector_load %arg12[%parallel_loop3A_433, %parallel_loop3A_434, %parallel_loop3A_435, %parallel_loop3A_436] {strides = array<i32>} : memref<8x1x8x128xf32, #tpu.memory_space<vmem>>, vector<16xf32>,
        tpu.vector_store %arg12[%parallel_loop3A_433, %parallel_loop3A_434, %parallel_loop3A_435, %parallel_loop3A_436], %parallel_loop3A_391 {strides = array<i32>} : memref<8x1x8x128xf32, #tpu.memory_space<vmem>>, vector<16xf32>,
        %parallel_loop3A_438 = arith.constant 64 : i32
        %parallel_loop3A_439 = vector.broadcast %parallel_loop3A_438 : i32 to vector<16xi32>
        %parallel_loop3A_440 = arith.addi %iota3A, %parallel_loop3A_439 : vector<16xi32>
        %parallel_loop3A_441 = arith.constant 1 : i32
        %parallel_loop3A_442 = arith.constant 0 : i32
        %parallel_loop3A_443 = arith.constant 0 : i32
        %parallel_loop3A_444 = tpu.memref_slice %arg10[%parallel_loop3A_441, %parallel_loop3A_442, %parallel_loop3A_443] : memref<2x128x64xf32, #tpu.memory_space<vmem>> -> memref<1x128x64xf32, #tpu.memory_space<vmem>>
        %parallel_loop3A_445 = tpu.memref_squeeze %parallel_loop3A_444 : memref<1x128x64xf32, #tpu.memory_space<vmem>> -> memref<128x64xf32, #tpu.memory_space<vmem>>
        %parallel_loop3A_446 = tpu.vector_load_idx %parallel_loop3A_445[%parallel_loop3A_440, %parallel_loop3A_217] : memref<128x64xf32, #tpu.memory_space<vmem>>[vector<16xi32>, vector<16xi32>], vector<16xf32>,
        %parallel_loop3A_447 = arith.constant 8 : i32
        %parallel_loop3A_448 = arith.divsi %parallel_loop3A_208, %parallel_loop3A_447 : i32
        %parallel_loop3A_449 = arith.constant 0 : i32
        %parallel_loop3A_450 = arith.cmpi sgt, %parallel_loop3A_208, %parallel_loop3A_449 : i32
        %parallel_loop3A_451 = arith.extui %parallel_loop3A_450 : i1 to i32
        %parallel_loop3A_452 = arith.constant 0 : i32
        %parallel_loop3A_453 = arith.cmpi slt, %parallel_loop3A_208, %parallel_loop3A_452 : i32
        %parallel_loop3A_454 = arith.extui %parallel_loop3A_453 : i1 to i32
        %parallel_loop3A_455 = arith.subi %parallel_loop3A_451, %parallel_loop3A_454 : i32
        %parallel_loop3A_456 = arith.constant 0 : i32
        %parallel_loop3A_457 = arith.cmpi sgt, %parallel_loop3A_447, %parallel_loop3A_456 : i32
        %parallel_loop3A_458 = arith.extui %parallel_loop3A_457 : i1 to i32
        %parallel_loop3A_459 = arith.constant 0 : i32
        %parallel_loop3A_460 = arith.cmpi slt, %parallel_loop3A_447, %parallel_loop3A_459 : i32
        %parallel_loop3A_461 = arith.extui %parallel_loop3A_460 : i1 to i32
        %parallel_loop3A_462 = arith.subi %parallel_loop3A_458, %parallel_loop3A_461 : i32
        %parallel_loop3A_463 = arith.cmpi ne, %parallel_loop3A_455, %parallel_loop3A_462 : i32
        %parallel_loop3A_464 = arith.remsi %parallel_loop3A_208, %parallel_loop3A_447 : i32
        %parallel_loop3A_465 = arith.constant 0 : i32
        %parallel_loop3A_466 = arith.cmpi ne, %parallel_loop3A_464, %parallel_loop3A_465 : i32
        %parallel_loop3A_467 = arith.andi %parallel_loop3A_463, %parallel_loop3A_466 : i1
        %parallel_loop3A_468 = arith.constant 1 : i32
        %parallel_loop3A_469 = arith.subi %parallel_loop3A_448, %parallel_loop3A_468 : i32
        %parallel_loop3A_470 = arith.select %parallel_loop3A_467, %parallel_loop3A_469, %parallel_loop3A_448 : i32
        %parallel_loop3A_471 = arith.constant 8 : i32
        %parallel_loop3A_472 = arith.constant 0 : i32
        %parallel_loop3A_473 = arith.cmpi eq, %parallel_loop3A_471, %parallel_loop3A_472 : i32
        %parallel_loop3A_474 = arith.constant 1 : i32
        %parallel_loop3A_475 = arith.select %parallel_loop3A_473, %parallel_loop3A_474, %parallel_loop3A_471 : i32
        %parallel_loop3A_476 = arith.remsi %parallel_loop3A_208, %parallel_loop3A_475 : i32
        %parallel_loop3A_477 = arith.constant 0 : i32
        %parallel_loop3A_478 = arith.cmpi ne, %parallel_loop3A_476, %parallel_loop3A_477 : i32
        %parallel_loop3A_479 = arith.constant 0 : i32
        %parallel_loop3A_480 = arith.cmpi slt, %parallel_loop3A_476, %parallel_loop3A_479 : i32
        %parallel_loop3A_481 = arith.constant 0 : i32
        %parallel_loop3A_482 = arith.cmpi slt, %parallel_loop3A_475, %parallel_loop3A_481 : i32
        %parallel_loop3A_483 = arith.xori %parallel_loop3A_480, %parallel_loop3A_482 : i1
        %parallel_loop3A_484 = arith.andi %parallel_loop3A_483, %parallel_loop3A_478 : i1
        %parallel_loop3A_485 = arith.addi %parallel_loop3A_476, %parallel_loop3A_475 : i32
        %parallel_loop3A_486 = arith.select %parallel_loop3A_484, %parallel_loop3A_485, %parallel_loop3A_476 : i32
        %parallel_loop3A_487 = arith.constant 0 : i32
        %parallel_loop3A_488 = arith.index_cast %parallel_loop3A_470 : i32 to index
        %parallel_loop3A_489 = arith.index_cast %parallel_loop3A_487 : i32 to index
        %parallel_loop3A_490 = arith.index_cast %parallel_loop3A_486 : i32 to index
        %parallel_loop3A_491 = arith.constant 64 : index
        %parallel_loop3A_492 = tpu.vector_load %arg12[%parallel_loop3A_488, %parallel_loop3A_489, %parallel_loop3A_490, %parallel_loop3A_491] {strides = array<i32>} : memref<8x1x8x128xf32, #tpu.memory_space<vmem>>, vector<16xf32>,
        tpu.vector_store %arg12[%parallel_loop3A_488, %parallel_loop3A_489, %parallel_loop3A_490, %parallel_loop3A_491], %parallel_loop3A_446 {strides = array<i32>} : memref<8x1x8x128xf32, #tpu.memory_space<vmem>>, vector<16xf32>,
        %parallel_loop3A_493 = arith.constant 80 : i32
        %parallel_loop3A_494 = vector.broadcast %parallel_loop3A_493 : i32 to vector<16xi32>
        %parallel_loop3A_495 = arith.addi %iota3A, %parallel_loop3A_494 : vector<16xi32>
        %parallel_loop3A_496 = arith.constant 1 : i32
        %parallel_loop3A_497 = arith.constant 0 : i32
        %parallel_loop3A_498 = arith.constant 0 : i32
        %parallel_loop3A_499 = tpu.memref_slice %arg10[%parallel_loop3A_496, %parallel_loop3A_497, %parallel_loop3A_498] : memref<2x128x64xf32, #tpu.memory_space<vmem>> -> memref<1x128x64xf32, #tpu.memory_space<vmem>>
        %parallel_loop3A_500 = tpu.memref_squeeze %parallel_loop3A_499 : memref<1x128x64xf32, #tpu.memory_space<vmem>> -> memref<128x64xf32, #tpu.memory_space<vmem>>
        %parallel_loop3A_501 = tpu.vector_load_idx %parallel_loop3A_500[%parallel_loop3A_495, %parallel_loop3A_217] : memref<128x64xf32, #tpu.memory_space<vmem>>[vector<16xi32>, vector<16xi32>], vector<16xf32>,
        %parallel_loop3A_502 = arith.constant 8 : i32
        %parallel_loop3A_503 = arith.divsi %parallel_loop3A_208, %parallel_loop3A_502 : i32
        %parallel_loop3A_504 = arith.constant 0 : i32
        %parallel_loop3A_505 = arith.cmpi sgt, %parallel_loop3A_208, %parallel_loop3A_504 : i32
        %parallel_loop3A_506 = arith.extui %parallel_loop3A_505 : i1 to i32
        %parallel_loop3A_507 = arith.constant 0 : i32
        %parallel_loop3A_508 = arith.cmpi slt, %parallel_loop3A_208, %parallel_loop3A_507 : i32
        %parallel_loop3A_509 = arith.extui %parallel_loop3A_508 : i1 to i32
        %parallel_loop3A_510 = arith.subi %parallel_loop3A_506, %parallel_loop3A_509 : i32
        %parallel_loop3A_511 = arith.constant 0 : i32
        %parallel_loop3A_512 = arith.cmpi sgt, %parallel_loop3A_502, %parallel_loop3A_511 : i32
        %parallel_loop3A_513 = arith.extui %parallel_loop3A_512 : i1 to i32
        %parallel_loop3A_514 = arith.constant 0 : i32
        %parallel_loop3A_515 = arith.cmpi slt, %parallel_loop3A_502, %parallel_loop3A_514 : i32
        %parallel_loop3A_516 = arith.extui %parallel_loop3A_515 : i1 to i32
        %parallel_loop3A_517 = arith.subi %parallel_loop3A_513, %parallel_loop3A_516 : i32
        %parallel_loop3A_518 = arith.cmpi ne, %parallel_loop3A_510, %parallel_loop3A_517 : i32
        %parallel_loop3A_519 = arith.remsi %parallel_loop3A_208, %parallel_loop3A_502 : i32
        %parallel_loop3A_520 = arith.constant 0 : i32
        %parallel_loop3A_521 = arith.cmpi ne, %parallel_loop3A_519, %parallel_loop3A_520 : i32
        %parallel_loop3A_522 = arith.andi %parallel_loop3A_518, %parallel_loop3A_521 : i1
        %parallel_loop3A_523 = arith.constant 1 : i32
        %parallel_loop3A_524 = arith.subi %parallel_loop3A_503, %parallel_loop3A_523 : i32
        %parallel_loop3A_525 = arith.select %parallel_loop3A_522, %parallel_loop3A_524, %parallel_loop3A_503 : i32
        %parallel_loop3A_526 = arith.constant 8 : i32
        %parallel_loop3A_527 = arith.constant 0 : i32
        %parallel_loop3A_528 = arith.cmpi eq, %parallel_loop3A_526, %parallel_loop3A_527 : i32
        %parallel_loop3A_529 = arith.constant 1 : i32
        %parallel_loop3A_530 = arith.select %parallel_loop3A_528, %parallel_loop3A_529, %parallel_loop3A_526 : i32
        %parallel_loop3A_531 = arith.remsi %parallel_loop3A_208, %parallel_loop3A_530 : i32
        %parallel_loop3A_532 = arith.constant 0 : i32
        %parallel_loop3A_533 = arith.cmpi ne, %parallel_loop3A_531, %parallel_loop3A_532 : i32
        %parallel_loop3A_534 = arith.constant 0 : i32
        %parallel_loop3A_535 = arith.cmpi slt, %parallel_loop3A_531, %parallel_loop3A_534 : i32
        %parallel_loop3A_536 = arith.constant 0 : i32
        %parallel_loop3A_537 = arith.cmpi slt, %parallel_loop3A_530, %parallel_loop3A_536 : i32
        %parallel_loop3A_538 = arith.xori %parallel_loop3A_535, %parallel_loop3A_537 : i1
        %parallel_loop3A_539 = arith.andi %parallel_loop3A_538, %parallel_loop3A_533 : i1
        %parallel_loop3A_540 = arith.addi %parallel_loop3A_531, %parallel_loop3A_530 : i32
        %parallel_loop3A_541 = arith.select %parallel_loop3A_539, %parallel_loop3A_540, %parallel_loop3A_531 : i32
        %parallel_loop3A_542 = arith.constant 0 : i32
        %parallel_loop3A_543 = arith.index_cast %parallel_loop3A_525 : i32 to index
        %parallel_loop3A_544 = arith.index_cast %parallel_loop3A_542 : i32 to index
        %parallel_loop3A_545 = arith.index_cast %parallel_loop3A_541 : i32 to index
        %parallel_loop3A_546 = arith.constant 80 : index
        %parallel_loop3A_547 = tpu.vector_load %arg12[%parallel_loop3A_543, %parallel_loop3A_544, %parallel_loop3A_545, %parallel_loop3A_546] {strides = array<i32>} : memref<8x1x8x128xf32, #tpu.memory_space<vmem>>, vector<16xf32>,
        tpu.vector_store %arg12[%parallel_loop3A_543, %parallel_loop3A_544, %parallel_loop3A_545, %parallel_loop3A_546], %parallel_loop3A_501 {strides = array<i32>} : memref<8x1x8x128xf32, #tpu.memory_space<vmem>>, vector<16xf32>,
        %parallel_loop3A_548 = arith.constant 96 : i32
        %parallel_loop3A_549 = vector.broadcast %parallel_loop3A_548 : i32 to vector<16xi32>
        %parallel_loop3A_550 = arith.addi %iota3A, %parallel_loop3A_549 : vector<16xi32>
        %parallel_loop3A_551 = arith.constant 1 : i32
        %parallel_loop3A_552 = arith.constant 0 : i32
        %parallel_loop3A_553 = arith.constant 0 : i32
        %parallel_loop3A_554 = tpu.memref_slice %arg10[%parallel_loop3A_551, %parallel_loop3A_552, %parallel_loop3A_553] : memref<2x128x64xf32, #tpu.memory_space<vmem>> -> memref<1x128x64xf32, #tpu.memory_space<vmem>>
        %parallel_loop3A_555 = tpu.memref_squeeze %parallel_loop3A_554 : memref<1x128x64xf32, #tpu.memory_space<vmem>> -> memref<128x64xf32, #tpu.memory_space<vmem>>
        %parallel_loop3A_556 = tpu.vector_load_idx %parallel_loop3A_555[%parallel_loop3A_550, %parallel_loop3A_217] : memref<128x64xf32, #tpu.memory_space<vmem>>[vector<16xi32>, vector<16xi32>], vector<16xf32>,
        %parallel_loop3A_557 = arith.constant 8 : i32
        %parallel_loop3A_558 = arith.divsi %parallel_loop3A_208, %parallel_loop3A_557 : i32
        %parallel_loop3A_559 = arith.constant 0 : i32
        %parallel_loop3A_560 = arith.cmpi sgt, %parallel_loop3A_208, %parallel_loop3A_559 : i32
        %parallel_loop3A_561 = arith.extui %parallel_loop3A_560 : i1 to i32
        %parallel_loop3A_562 = arith.constant 0 : i32
        %parallel_loop3A_563 = arith.cmpi slt, %parallel_loop3A_208, %parallel_loop3A_562 : i32
        %parallel_loop3A_564 = arith.extui %parallel_loop3A_563 : i1 to i32
        %parallel_loop3A_565 = arith.subi %parallel_loop3A_561, %parallel_loop3A_564 : i32
        %parallel_loop3A_566 = arith.constant 0 : i32
        %parallel_loop3A_567 = arith.cmpi sgt, %parallel_loop3A_557, %parallel_loop3A_566 : i32
        %parallel_loop3A_568 = arith.extui %parallel_loop3A_567 : i1 to i32
        %parallel_loop3A_569 = arith.constant 0 : i32
        %parallel_loop3A_570 = arith.cmpi slt, %parallel_loop3A_557, %parallel_loop3A_569 : i32
        %parallel_loop3A_571 = arith.extui %parallel_loop3A_570 : i1 to i32
        %parallel_loop3A_572 = arith.subi %parallel_loop3A_568, %parallel_loop3A_571 : i32
        %parallel_loop3A_573 = arith.cmpi ne, %parallel_loop3A_565, %parallel_loop3A_572 : i32
        %parallel_loop3A_574 = arith.remsi %parallel_loop3A_208, %parallel_loop3A_557 : i32
        %parallel_loop3A_575 = arith.constant 0 : i32
        %parallel_loop3A_576 = arith.cmpi ne, %parallel_loop3A_574, %parallel_loop3A_575 : i32
        %parallel_loop3A_577 = arith.andi %parallel_loop3A_573, %parallel_loop3A_576 : i1
        %parallel_loop3A_578 = arith.constant 1 : i32
        %parallel_loop3A_579 = arith.subi %parallel_loop3A_558, %parallel_loop3A_578 : i32
        %parallel_loop3A_580 = arith.select %parallel_loop3A_577, %parallel_loop3A_579, %parallel_loop3A_558 : i32
        %parallel_loop3A_581 = arith.constant 8 : i32
        %parallel_loop3A_582 = arith.constant 0 : i32
        %parallel_loop3A_583 = arith.cmpi eq, %parallel_loop3A_581, %parallel_loop3A_582 : i32
        %parallel_loop3A_584 = arith.constant 1 : i32
        %parallel_loop3A_585 = arith.select %parallel_loop3A_583, %parallel_loop3A_584, %parallel_loop3A_581 : i32
        %parallel_loop3A_586 = arith.remsi %parallel_loop3A_208, %parallel_loop3A_585 : i32
        %parallel_loop3A_587 = arith.constant 0 : i32
        %parallel_loop3A_588 = arith.cmpi ne, %parallel_loop3A_586, %parallel_loop3A_587 : i32
        %parallel_loop3A_589 = arith.constant 0 : i32
        %parallel_loop3A_590 = arith.cmpi slt, %parallel_loop3A_586, %parallel_loop3A_589 : i32
        %parallel_loop3A_591 = arith.constant 0 : i32
        %parallel_loop3A_592 = arith.cmpi slt, %parallel_loop3A_585, %parallel_loop3A_591 : i32
        %parallel_loop3A_593 = arith.xori %parallel_loop3A_590, %parallel_loop3A_592 : i1
        %parallel_loop3A_594 = arith.andi %parallel_loop3A_593, %parallel_loop3A_588 : i1
        %parallel_loop3A_595 = arith.addi %parallel_loop3A_586, %parallel_loop3A_585 : i32
        %parallel_loop3A_596 = arith.select %parallel_loop3A_594, %parallel_loop3A_595, %parallel_loop3A_586 : i32
        %parallel_loop3A_597 = arith.constant 0 : i32
        %parallel_loop3A_598 = arith.index_cast %parallel_loop3A_580 : i32 to index
        %parallel_loop3A_599 = arith.index_cast %parallel_loop3A_597 : i32 to index
        %parallel_loop3A_600 = arith.index_cast %parallel_loop3A_596 : i32 to index
        %parallel_loop3A_601 = arith.constant 96 : index
        %parallel_loop3A_602 = tpu.vector_load %arg12[%parallel_loop3A_598, %parallel_loop3A_599, %parallel_loop3A_600, %parallel_loop3A_601] {strides = array<i32>} : memref<8x1x8x128xf32, #tpu.memory_space<vmem>>, vector<16xf32>,
        tpu.vector_store %arg12[%parallel_loop3A_598, %parallel_loop3A_599, %parallel_loop3A_600, %parallel_loop3A_601], %parallel_loop3A_556 {strides = array<i32>} : memref<8x1x8x128xf32, #tpu.memory_space<vmem>>, vector<16xf32>,
        %parallel_loop3A_603 = arith.constant 112 : i32
        %parallel_loop3A_604 = vector.broadcast %parallel_loop3A_603 : i32 to vector<16xi32>
        %parallel_loop3A_605 = arith.addi %iota3A, %parallel_loop3A_604 : vector<16xi32>
        %parallel_loop3A_606 = arith.constant 1 : i32
        %parallel_loop3A_607 = arith.constant 0 : i32
        %parallel_loop3A_608 = arith.constant 0 : i32
        %parallel_loop3A_609 = tpu.memref_slice %arg10[%parallel_loop3A_606, %parallel_loop3A_607, %parallel_loop3A_608] : memref<2x128x64xf32, #tpu.memory_space<vmem>> -> memref<1x128x64xf32, #tpu.memory_space<vmem>>
        %parallel_loop3A_610 = tpu.memref_squeeze %parallel_loop3A_609 : memref<1x128x64xf32, #tpu.memory_space<vmem>> -> memref<128x64xf32, #tpu.memory_space<vmem>>
        %parallel_loop3A_611 = tpu.vector_load_idx %parallel_loop3A_610[%parallel_loop3A_605, %parallel_loop3A_217] : memref<128x64xf32, #tpu.memory_space<vmem>>[vector<16xi32>, vector<16xi32>], vector<16xf32>,
        %parallel_loop3A_612 = arith.constant 8 : i32
        %parallel_loop3A_613 = arith.divsi %parallel_loop3A_208, %parallel_loop3A_612 : i32
        %parallel_loop3A_614 = arith.constant 0 : i32
        %parallel_loop3A_615 = arith.cmpi sgt, %parallel_loop3A_208, %parallel_loop3A_614 : i32
        %parallel_loop3A_616 = arith.extui %parallel_loop3A_615 : i1 to i32
        %parallel_loop3A_617 = arith.constant 0 : i32
        %parallel_loop3A_618 = arith.cmpi slt, %parallel_loop3A_208, %parallel_loop3A_617 : i32
        %parallel_loop3A_619 = arith.extui %parallel_loop3A_618 : i1 to i32
        %parallel_loop3A_620 = arith.subi %parallel_loop3A_616, %parallel_loop3A_619 : i32
        %parallel_loop3A_621 = arith.constant 0 : i32
        %parallel_loop3A_622 = arith.cmpi sgt, %parallel_loop3A_612, %parallel_loop3A_621 : i32
        %parallel_loop3A_623 = arith.extui %parallel_loop3A_622 : i1 to i32
        %parallel_loop3A_624 = arith.constant 0 : i32
        %parallel_loop3A_625 = arith.cmpi slt, %parallel_loop3A_612, %parallel_loop3A_624 : i32
        %parallel_loop3A_626 = arith.extui %parallel_loop3A_625 : i1 to i32
        %parallel_loop3A_627 = arith.subi %parallel_loop3A_623, %parallel_loop3A_626 : i32
        %parallel_loop3A_628 = arith.cmpi ne, %parallel_loop3A_620, %parallel_loop3A_627 : i32
        %parallel_loop3A_629 = arith.remsi %parallel_loop3A_208, %parallel_loop3A_612 : i32
        %parallel_loop3A_630 = arith.constant 0 : i32
        %parallel_loop3A_631 = arith.cmpi ne, %parallel_loop3A_629, %parallel_loop3A_630 : i32
        %parallel_loop3A_632 = arith.andi %parallel_loop3A_628, %parallel_loop3A_631 : i1
        %parallel_loop3A_633 = arith.constant 1 : i32
        %parallel_loop3A_634 = arith.subi %parallel_loop3A_613, %parallel_loop3A_633 : i32
        %parallel_loop3A_635 = arith.select %parallel_loop3A_632, %parallel_loop3A_634, %parallel_loop3A_613 : i32
        %parallel_loop3A_636 = arith.constant 8 : i32
        %parallel_loop3A_637 = arith.constant 0 : i32
        %parallel_loop3A_638 = arith.cmpi eq, %parallel_loop3A_636, %parallel_loop3A_637 : i32
        %parallel_loop3A_639 = arith.constant 1 : i32
        %parallel_loop3A_640 = arith.select %parallel_loop3A_638, %parallel_loop3A_639, %parallel_loop3A_636 : i32
        %parallel_loop3A_641 = arith.remsi %parallel_loop3A_208, %parallel_loop3A_640 : i32
        %parallel_loop3A_642 = arith.constant 0 : i32
        %parallel_loop3A_643 = arith.cmpi ne, %parallel_loop3A_641, %parallel_loop3A_642 : i32
        %parallel_loop3A_644 = arith.constant 0 : i32
        %parallel_loop3A_645 = arith.cmpi slt, %parallel_loop3A_641, %parallel_loop3A_644 : i32
        %parallel_loop3A_646 = arith.constant 0 : i32
        %parallel_loop3A_647 = arith.cmpi slt, %parallel_loop3A_640, %parallel_loop3A_646 : i32
        %parallel_loop3A_648 = arith.xori %parallel_loop3A_645, %parallel_loop3A_647 : i1
        %parallel_loop3A_649 = arith.andi %parallel_loop3A_648, %parallel_loop3A_643 : i1
        %parallel_loop3A_650 = arith.addi %parallel_loop3A_641, %parallel_loop3A_640 : i32
        %parallel_loop3A_651 = arith.select %parallel_loop3A_649, %parallel_loop3A_650, %parallel_loop3A_641 : i32
        %parallel_loop3A_652 = arith.constant 0 : i32
        %parallel_loop3A_653 = arith.index_cast %parallel_loop3A_635 : i32 to index
        %parallel_loop3A_654 = arith.index_cast %parallel_loop3A_652 : i32 to index
        %parallel_loop3A_655 = arith.index_cast %parallel_loop3A_651 : i32 to index
        %parallel_loop3A_656 = arith.constant 112 : index
        %parallel_loop3A_657 = tpu.vector_load %arg12[%parallel_loop3A_653, %parallel_loop3A_654, %parallel_loop3A_655, %parallel_loop3A_656] {strides = array<i32>} : memref<8x1x8x128xf32, #tpu.memory_space<vmem>>, vector<16xf32>,
        tpu.vector_store %arg12[%parallel_loop3A_653, %parallel_loop3A_654, %parallel_loop3A_655, %parallel_loop3A_656], %parallel_loop3A_611 {strides = array<i32>} : memref<8x1x8x128xf32, #tpu.memory_space<vmem>>, vector<16xf32>,
        scf.yield %parallel_loop3A_209, %parallel_loop3A_210, %parallel_loop3A_211, %parallel_loop3A_212, %parallel_loop3A_213, %parallel_loop3A_214, %parallel_loop3A_215, %parallel_loop3A_216 : vector<16xf32>, vector<16xf32>, vector<16xf32>, vector<16xf32>, vector<16xf32>, vector<16xf32>, vector<16xf32>, vector<16xf32>
      } {sc.loop_unroll_factor = 2 : i64, sc.parallel_access}
      %dma_start3A_198 = arith.constant 0 : i32
      %dma_start3A_199 = arith.constant 0 : i32
      %dma_start3A_200 = arith.constant 0 : i32
      %dma_start3A_201 = tpu.memref_slice %arg8[%add3A_146, %dma_start3A_198, %add3A, %dma_start3A_199, %dma_start3A_200] : memref<200x8x32x8x128xf32, #tpu.memory_space<hbm>> -> memref<1x8x1x8x128xf32, #tpu.memory_space<hbm>>
      %dma_start3A_202 = tpu.memref_squeeze %dma_start3A_201 : memref<1x8x1x8x128xf32, #tpu.memory_space<hbm>> -> memref<8x1x8x128xf32, #tpu.memory_space<hbm>>
      %dma_start3A_203 = arith.constant 0 : i32
      %dma_start3A_204 = arith.constant 0 : i32
      %dma_start3A_205 = arith.constant 0 : i32
      %dma_start3A_206 = tpu.memref_slice %arg8[%add3A_146, %dma_start3A_203, %add3A, %dma_start3A_204, %dma_start3A_205] : memref<200x8x32x8x128xf32, #tpu.memory_space<hbm>> -> memref<1x8x1x8x128xf32, #tpu.memory_space<hbm>>
      %dma_start3A_207 = tpu.memref_squeeze %dma_start3A_206 : memref<1x8x1x8x128xf32, #tpu.memory_space<hbm>> -> memref<8x1x8x128xf32, #tpu.memory_space<hbm>>
      tpu.enqueue_dma source(%arg12 : memref<8x1x8x128xf32, #tpu.memory_space<vmem>>) target(%dma_start3A_207 : memref<8x1x8x128xf32, #tpu.memory_space<hbm>>) target_semaphore(%arg23 : memref<!tpu.dma_semaphore, #tpu.memory_space<semaphore_mem>>)
      scf.yield %parallel_loop3A_197#0, %parallel_loop3A_197#1, %parallel_loop3A_197#2, %parallel_loop3A_197#3, %parallel_loop3A_197#4, %parallel_loop3A_197#5, %parallel_loop3A_197#6, %parallel_loop3A_197#7 : vector<16xf32>, vector<16xf32>, vector<16xf32>, vector<16xf32>, vector<16xf32>, vector<16xf32>, vector<16xf32>, vector<16xf32>
    }
    %scan3A_52 = arith.constant 100 : i32
    %dma_wait3A = arith.constant 0 : i32
    %dma_wait3A_53 = arith.constant 0 : i32
    %dma_wait3A_54 = arith.constant 0 : i32
    %dma_wait3A_55 = arith.constant 0 : i32
    %dma_wait3A_56 = tpu.memref_slice %arg8[%dma_wait3A, %dma_wait3A_53, %add3A, %dma_wait3A_54, %dma_wait3A_55] : memref<200x8x32x8x128xf32, #tpu.memory_space<hbm>> -> memref<1x8x1x8x128xf32, #tpu.memory_space<hbm>>
    %dma_wait3A_57 = tpu.memref_squeeze %dma_wait3A_56 : memref<1x8x1x8x128xf32, #tpu.memory_space<hbm>> -> memref<8x1x8x128xf32, #tpu.memory_space<hbm>>
    %dma_wait3A_58 = arith.constant 0 : i32
    %dma_wait3A_59 = arith.constant 0 : i32
    %dma_wait3A_60 = arith.constant 0 : i32
    %dma_wait3A_61 = tpu.memref_slice %arg8[%dma_wait3A, %dma_wait3A_58, %add3A, %dma_wait3A_59, %dma_wait3A_60] : memref<200x8x32x8x128xf32, #tpu.memory_space<hbm>> -> memref<1x8x1x8x128xf32, #tpu.memory_space<hbm>>
    %dma_wait3A_62 = tpu.memref_squeeze %dma_wait3A_61 : memref<1x8x1x8x128xf32, #tpu.memory_space<hbm>> -> memref<8x1x8x128xf32, #tpu.memory_space<hbm>>
    tpu.wait_dma2 semaphore(%arg22 : memref<!tpu.dma_semaphore, #tpu.memory_space<semaphore_mem>>) src(%arg11 : memref<8x1x8x128xf32, #tpu.memory_space<vmem>>) dst(%dma_wait3A_62 : memref<8x1x8x128xf32, #tpu.memory_space<hbm>>)
    %dma_wait3A_63 = arith.constant 1 : i32
    %dma_wait3A_64 = arith.constant 0 : i32
    %dma_wait3A_65 = arith.constant 0 : i32
    %dma_wait3A_66 = arith.constant 0 : i32
    %dma_wait3A_67 = tpu.memref_slice %arg8[%dma_wait3A_63, %dma_wait3A_64, %add3A, %dma_wait3A_65, %dma_wait3A_66] : memref<200x8x32x8x128xf32, #tpu.memory_space<hbm>> -> memref<1x8x1x8x128xf32, #tpu.memory_space<hbm>>
    %dma_wait3A_68 = tpu.memref_squeeze %dma_wait3A_67 : memref<1x8x1x8x128xf32, #tpu.memory_space<hbm>> -> memref<8x1x8x128xf32, #tpu.memory_space<hbm>>
    %dma_wait3A_69 = arith.constant 0 : i32
    %dma_wait3A_70 = arith.constant 0 : i32
    %dma_wait3A_71 = arith.constant 0 : i32
    %dma_wait3A_72 = tpu.memref_slice %arg8[%dma_wait3A_63, %dma_wait3A_69, %add3A, %dma_wait3A_70, %dma_wait3A_71] : memref<200x8x32x8x128xf32, #tpu.memory_space<hbm>> -> memref<1x8x1x8x128xf32, #tpu.memory_space<hbm>>
    %dma_wait3A_73 = tpu.memref_squeeze %dma_wait3A_72 : memref<1x8x1x8x128xf32, #tpu.memory_space<hbm>> -> memref<8x1x8x128xf32, #tpu.memory_space<hbm>>
    tpu.wait_dma2 semaphore(%arg23 : memref<!tpu.dma_semaphore, #tpu.memory_space<semaphore_mem>>) src(%arg12 : memref<8x1x8x128xf32, #tpu.memory_space<vmem>>) dst(%dma_wait3A_73 : memref<8x1x8x128xf32, #tpu.memory_space<hbm>>)
    return
  }
}

</mosaic_0001>

<sc_bundles>
// kernel: kernel.3.cloned.1.call-start
scs
__scs_entry_jumppad:
0x0: {  	(pc) =	sbr.rel $0x88, $3  }
0x1: {  	(tag) =	ssettag $0x0;
	lr =	simm.s32 $0x1  }
0x2: {  	[smem:$0x3F9C] =	sst lr;
	_ =	strace $0xD0000000  }
0x3: {  	_ = 	snop  }
0x4: {  	_ = 	snop  }
0x5: {  	_ = 	snop  }
0x6: {  	_ = 	snop  }
0x7: {  	_ = 	snop  }
__scs_overlays_trampoline_lowered:
0x8: {  	[smem:$0x3FAB] =	sst s0  }
0x9: {  	[smem:$0x3FAC] =	sst s1  }
0xa: {  	[smem:$0x3FAD] =	sst s2  }
0xb: {  	[smem:$0x3FAE] =	sst s3  }
0xc: {  	[smem:$0x3FAF] =	sst s4  }
0xd: {  	[smem:$0x3FB0] =	sst s5  }
0xe: {  	[smem:$0x3FB1] =	sst s6  }
0xf: {  	[smem:$0x3FB2] =	sst s7  }
0x10: {  	[smem:$0x3FB3] =	sst s8  }
0x11: {  	[smem:$0x3FB4] =	sst s9;
	s0 =	simm.s32 @!p0 $0x0  }
0x12: {  	s1 =	sld [smem:$0x3F9A];
	s0 =	simm.s32 @p0 $0x1  }
0x13: {  	[smem:$0x3FB5] =	sst s0;
	s0 =	simm.s32 @!p1 $0x0  }
0x14: {  	s2 =	sld [smem:$0x3F99];
	s0 =	simm.s32 @p1 $0x1  }
0x15: {  	[smem:$0x3FB6] =	sst s0;
	s0 =	simm.s32 @!p2 $0x0  }
0x16: {  	s3 =	sld [smem:$0x3FDB];
	s0 =	simm.s32 @p2 $0x1  }
0x17: {  	s4 =	simm.s32 $0x1BF5;
	[smem:$0x3FB8] =	sst s0  }
0x18: {  	s0 =	sld [smem:$0x3F9B];
	_ =	swait.ge [sflag:s4], $0x0  }
0x19: {  	s7 =	sld [smem:$0x3F9C]  }
0x1a: {  	s8 =	sadd.s32 $0xFFFFE003, lr  }
0x1b: {  	s9 =	sadd.s32 $0xFFFFFEF7, lr;
	s5 =	simm.s32 $0xFFFFFFFF;
	p2 =	slt.u32 s8, $0xFFFFF086  }
0x1c: {  	p1 =	slt.u32 s9, $0xF7A;
	s5 =	simm.s32 @!p2 $0x0  }
0x1d: {  	s5 =	simm.s32 @p1 $0x1;
	p0 =	seq.s32 s7, s2  }
0x1e: {  	s7 =	smul.u32 @!p0 $0xF7A, s2;
	p2 =	seq.s32 @!p0 s5, $0x0  }
0x1f: {  	s9 =	smul.u32 $0xF7A, s1;
	s8 =	simm.s32 @!p0 $0x1BF5;
	p2 =	por !p2, p0  }
0x20: {  	[sflag:s8] =	ssyncset.s32 @!p0 $0xFFFFF086;
	s6 =	sadd.s32 @!p0 s3, s7;
	s7 =	simm.s32 @!p0 $0x108  }
0x21: {  	s3 =	sadd.s32 s3, s9;
	s6 =	sadd.s32 @!p0 $0x88, s6;
	s7 =	simm.s32 @p2 $0x1082  }
0x22: {  	[simem:s7], [sflag:s8] =	dma.local @!p0 [hbm:s6], $0xF7A  }
0x23: {  	s9 =	sor.u32 $0xD0000000, s2;
	s6 =	simm.s32 $0x108;
	_ =	swait.ge @!p0 [sflag:s8], $0x0  }
0x24: {  	s3 =	sadd.s32 $0x88, s3;
	s6 =	simm.s32 @!p1 $0x1082;
	[sflag:s4] =	ssyncset.s32 $0xFFFFF086  }
0x25: {  	[simem:s6], [sflag:s4] =	dma.local [hbm:s3], $0xF7A  }
0x26: {  	[smem:$0x3F9C] =	sst s1;
	(tag) =	ssettag s2;
	_ =	strace s9  }
0x27: {  	s1 =	sld [smem:$0x3FAC]  }
0x28: {  	s2 =	sld [smem:$0x3FAD]  }
0x29: {  	s4 =	sld [smem:$0x3FAF]  }
0x2a: {  	p0 =	seq.s32 s5, $0x0;
	s5 =	sld [smem:$0x3FB0]  }
0x2b: {  	s6 =	sld [smem:$0x3FB1]  }
0x2c: {  	s7 =	sld [smem:$0x3FB2]  }
0x2d: {  	s3 =	simm.s32 $0x108;
	s8 =	sld [smem:$0x3FB3]  }
0x2e: {  	s3 =	simm.s32 @!p0 $0x1082;
	s9 =	sld [smem:$0x3FB4]  }
0x2f: {  	lr =	sadd.s32 s0, s3;
	s0 =	sld [smem:$0x3FAB]  }
0x30: {  	s3 =	sld [smem:$0x3FAE]  }
0x31: {  	[smem:$0x3FB7] =	sst s10  }
0x32: {  	s10 =	sld [smem:$0x3FB5];
	_ =	sdelay $0x3  }
0x33: {  	p0 =	seq.s32 s10, $0x1;
	s10 =	sld [smem:$0x3FB7];
	_ =	sdelay $0x3  }
0x34: {  	[smem:$0x3FB7] =	sst s10  }
0x35: {  	s10 =	sld [smem:$0x3FB6];
	_ =	sdelay $0x3  }
0x36: {  	p1 =	seq.s32 s10, $0x1;
	s10 =	sld [smem:$0x3FB7];
	_ =	sdelay $0x3  }
0x37: {  	[smem:$0x3FB7] =	sst s10  }
0x38: {  	s10 =	sld [smem:$0x3FB8]  }
0x39: {  	_ = 	snop;
	(pc) =	sbr.ind lr, $3  }
0x3a: {  	_ = 	snop  }
0x3b: {  	_ = 	snop  }
0x3c: {  	p2 =	seq.s32 s10, $0x1;
	s10 =	sld [smem:$0x3FB7]  }
0x3d: {  	_ =	shalt  }
0x3e: {  	_ =	shalt  }
0x3f: {  	_ =	shalt  }
0x40: {  	_ =	shalt  }
0x41: {  	_ =	shalt  }
0x42: {  	_ =	shalt  }
0x43: {  	_ =	shalt  }
0x44: {  	_ =	shalt  }
0x45: {  	_ =	shalt  }
0x46: {  	_ =	shalt  }
0x47: {  	_ =	shalt  }
0x48: {  	_ =	shalt  }
0x49: {  	_ =	shalt  }
0x4a: {  	_ =	shalt  }
0x4b: {  	_ =	shalt  }
0x4c: {  	_ =	shalt  }
0x4d: {  	_ =	shalt  }
0x4e: {  	_ =	shalt  }
0x4f: {  	_ =	shalt  }
0x50: {  	_ =	shalt  }
0x51: {  	_ =	shalt  }
0x52: {  	_ =	shalt  }
0x53: {  	_ =	shalt  }
0x54: {  	_ =	shalt  }
0x55: {  	_ =	shalt  }
0x56: {  	_ =	shalt  }
0x57: {  	_ =	shalt  }
0x58: {  	_ =	shalt  }
0x59: {  	_ =	shalt  }
0x5a: {  	_ =	shalt  }
0x5b: {  	_ =	shalt  }
0x5c: {  	_ =	shalt  }
0x5d: {  	_ =	shalt  }
0x5e: {  	_ =	shalt  }
0x5f: {  	_ =	shalt  }
0x60: {  	_ =	shalt  }
0x61: {  	_ =	shalt  }
0x62: {  	_ =	shalt  }
0x63: {  	_ =	shalt  }
0x64: {  	_ =	shalt  }
0x65: {  	_ =	shalt  }
0x66: {  	_ =	shalt  }
0x67: {  	_ =	shalt  }
0x68: {  	_ =	shalt  }
0x69: {  	_ =	shalt  }
0x6a: {  	_ =	shalt  }
0x6b: {  	_ =	shalt  }
0x6c: {  	_ =	shalt  }
0x6d: {  	_ =	shalt  }
0x6e: {  	_ =	shalt  }
0x6f: {  	_ =	shalt  }
0x70: {  	_ =	shalt  }
0x71: {  	_ =	shalt  }
0x72: {  	_ =	shalt  }
0x73: {  	_ =	shalt  }
0x74: {  	_ =	shalt  }
0x75: {  	_ =	shalt  }
0x76: {  	_ =	shalt  }
0x77: {  	_ =	shalt  }
0x78: {  	_ =	shalt  }
0x79: {  	_ =	shalt  }
0x7a: {  	_ =	shalt  }
0x7b: {  	_ =	shalt  }
0x7c: {  	_ =	shalt  }
0x7d: {  	_ =	shalt  }
0x7e: {  	_ =	shalt  }
0x7f: {  	_ =	shalt  }
0x80: {  	_ =	shalt  }
0x81: {  	_ =	shalt  }
0x82: {  	_ =	shalt  }
0x83: {  	_ =	shalt  }
0x84: {  	_ =	shalt  }
0x85: {  	_ =	shalt  }
0x86: {  	_ =	shalt  }
0x87: {  	_ =	shalt  }
.Lfunc_end0:
.L_simem_size_0:
called_computation_lowered:
.L_overlay_start_0:
0x88: {  	s2 =	sld [smem:$0x3FD9]  }
0x89: {  	s3 =	sld [smem:$0x3FFE];
	_ =	sdelay $0x1  }
0x8a: {  	s1 =	srdreg.scid  }
0x8b: {  	s0 =	sand.u32 $0x1, s1  }
0x8c: {  	s17 =	sshll.u32 s0, $0xA;
	s2 =	sadd.s32 s3, s2  }
0x8d: {  	s2 =	sadd.s32 s2, s17  }
0x8e: {  	[smem:$0x3FC3] =	sst s2  }
0x8f: {  	_ = 	snop  }
0x90: {  	s2 =	sld [smem:$0x3FC6]  }
0x91: {  	s18 =	sld [smem:$0x3FC5]  }
0x92: {  	s4 =	sld [smem:$0x3FD0];
	(tm) =	ssettm $0x1  }
0x93: {  	s5 =	sld [smem:$0x3FFB];
	_ =	sdelay $0x3  }
0x94: {  	_ =	strace s5  }
0x95: {  	s5 =	sld [smem:$0x3FFC];
	_ =	sdelay $0x3  }
0x96: {  	_ =	strace s5  }
0x97: {  	s5 =	sld [smem:$0x3FFD];
	_ =	sdelay $0x3  }
0x98: {  	_ =	strace s5  }
0x99: {  	_ =	strace $0x8FFFFFFF  }
0x9a: {  	s19 =	sld [smem:$0x3FDB];
	_ =	sdelay $0x1  }
0x9b: {  	s6 =	simm.s32 $_scs_section_size  }
0x9c: {  	s7 =	simm.s32 $_size__tile_overlayer_lowered;
	s8 =	simm.s32 $_tile_overlayer_lowered  }
0x9d: {  	s22 =	simm.s32 $0x1BFF;
	s21 =	sshll.u32 s8, $0x1;
	s5 =	sadd.s32 s6, s19  }
0x9e: {  	s9 =	simm.s32 $0x0;
	s20 =	sshll.u32 s7, $0x1;
	s7 =	sadd.s32 s21, s5  }
0x9f: {  	[timem:s9], [sflag:s22] =	dma.local [hbm:s7], s20  }
0xa0: {  	_ =	swait.ge [sflag:s22], s20  }
0xa1: {  	s6 =	ssub.s32 $0x0, s20;
	[sflag:s22] =	ssyncset.done $0x0  }
0xa2: {  	[sflag:s22] =	ssyncadd.s32 s6;
	_ =	sdelay $0x1  }
0xa3: {  	s23 =	simm.s32 $0x1B8B  }
0xa4: {  	_ =	swait.ge [sflag:s23], $0x1  }
0xa5: {  	[sflag:s23] =	ssyncset.done $0x0  }
0xa6: {  	s25 =	simm.s32 $0x1B8E;
	s24 =	sld [smem:$0x3FFE];
	[sflag:s23] =	ssyncadd.s32 $0xFFFFFFFF  }
0xa7: {  	s26 =	simm.s32 $execute0_lowered;
	[smem:$0x3FD2] =	sst s25  }
0xa8: {  	s7 =	sshll.u32 s26, $0x1;
	_ =	strace $0x80000046;
	[dreg:$0x1] =	wrdreg $0xFFFFFFFF  }
0xa9: {  	s28 =	simm.s32 $_size_execute0_lowered;
	s5 =	sadd.s32 s5, s7;
	[dreg:$0x0] =	wrdreg $0x0  }
0xaa: {  	s7 =	sshll.u32 s28, $0x1;
	[dreg:$0x2] =	wrdreg s5  }
0xab: {  	[dreg:$0x3] =	wrdreg s7  }
0xac: {  	[dreg:$0x4] =	wrdreg $0xC0  }
0xad: {  	_ =	task [dreg:s9], $0x5FFFF  }
0xae: {  	[dreg:$0x1] =	wrdreg $0xFFFFFFFF  }
0xaf: {  	[dreg:$0x0] =	wrdreg $0x60  }
0xb0: {  	[dreg:$0x2] =	wrdreg s24  }
0xb1: {  	[dreg:$0x3] =	wrdreg s2  }
0xb2: {  	[dreg:$0x4] =	wrdreg s18  }
0xb3: {  	[dreg:$0x5] =	wrdreg s4  }
0xb4: {  	[dreg:$0x6] =	wrdreg $0x9  }
0xb5: {  	_ =	task.clear_ibuf [dreg:s9], $0x7FFFF;
	_ =	strace $0x90000046  }
0xb6: {  	s29 =	simm.s32 $0x9;
	_ =	strace $0x80000048  }
0xb7: {  	_ =	swait.ge [sflag:s29], $0x1  }
0xb8: {  	[sflag:s29] =	ssyncadd.s32 $0xFFFFFFFF  }
0xb9: {  	_ =	strace $0x90000048  }
0xba: {  	_ =	sfence  }
0xbb: {  	s30 =	sld [smem:$0x0];
	_ =	sdelay $0x2  }
0xbc: {  	s31 =	sshll.u32 s1, $0xD;
	s1 =	sshrl.u32 s1, $0x2  }
0xbd: {  	s3 =	sand.u32 $0x4000, s31;
	s1 =	sadd.s32 s1, s30  }
0xbe: {  	s0 =	sor.u32 s3, s0;
	s1 =	sshll.u32 s1, $0x11  }
0xbf: {  	s0 =	sor.u32 s1, s0  }
0xc0: {  	s0 =	sadd.s32 $0x8F2B, s0  }
0xc1: {  	[sflag:s0] =	ssyncadd.remote.s32 $0x1  }
0xc2: {  	_ =	sfence.sel $0xFFFF  }
0xc3: {  	[dreg:$0x0] =	wrdreg $0xFFFFFFFF;
	(pc) =	sbr.abs _section_cstart, $3  }
0xc4: {  	[dreg:$0x1] =	wrdreg $0xFFFFFFFF  }
0xc5: {  	_ =	task.clear_ibuf [dreg:s9], $0x2FFFF;
	_ =	strace $0x9FFFFFFF  }
0xc6: {  	(tm) =	ssettm $0x7FFFFFFF  }
0xc7: {  	_ =	shalt  }
tec
execute0_lowered:
.L_overlay_start_1:
0x0: {  	(tag) =	ssettag $0x1  }
0x1: {  	s2 =	rddreg [dreg:$0x0]  }
0x2: {  	s4 =	rddreg [dreg:$0x3];
	v0 =	vimm.s32 $0xEFCDAB89;
	v1 =	vimm.s32 $0x67452301  }
0x3: {  	s0 =	simm.s32 $0x0;
	s26 =	srdreg.scid;
	s1 =	stileid.u32;
	v2 =	vimm.s32 $0xDCFE98BA;
	v3 =	vimm.s32 $0x54761032;
	v4 =	vimm.s32 $0xBA98FEDC  }
0x4: {  	v5 =	vimm.s32 $0x32107654;
	v6 =	vimm.s32 $0xFEDCBA98;
	v7 =	vimm.s32 $0x76543210;
	s10 =	simm.s32 $0x7;
	s21 =	simm.s32 $0x80;
	s22 =	simm.s32 $0x100  }
0x5: {  	s23 =	simm.s32 $0x1;
	s24 =	simm.s32 $0x4;
	s25 =	simm.s32 $0x2100;
	v0 =	vunpack.c.l.s4.s8 v0;
	v1 =	vunpack.c.l.s4.s8 v1;
	v2 =	vunpack.c.l.s4.s8 v2  }
0x6: {  	s28 =	simm.s32 $0x8000;
	s30 =	simm.s32 $0x2;
	s31 =	simm.s32 $0x6100;
	v3 =	vunpack.c.l.s4.s8 v3;
	v4 =	vunpack.c.l.s4.s8 v4;
	v5 =	vunpack.c.l.s4.s8 v5  }
0x7: {  	[smem:$0x7FF] =	sst s0;
	s0 =	sand.u32 $0x1, s26;
	s1 =	sshll.u32 s1, $0x1;
	v6 =	vunpack.c.l.s4.s8 v6;
	v7 =	vunpack.c.l.s4.s8 v7;
	v0 =	vunpack.c.0.s8.s32 v0  }
0x8: {  	s7 =	sadd.s32 $0xA00, s2;
	s8 =	sadd.s32 $0x19A00, s2;
	s2 =	sadd.s32 $0x200, s2;
	v1 =	vunpack.c.0.s8.s32 v1;
	v2 =	vunpack.c.0.s8.s32 v2;
	v3 =	vunpack.c.0.s8.s32 v3  }
0x9: {  	s26 =	simm.s32 $0x400;
	_ =	strace $0x80000047;
	s1 =	sor.u32 s0, s1;
	v4 =	vunpack.c.0.s8.s32 v4;
	v5 =	vunpack.c.0.s8.s32 v5;
	v6 =	vunpack.c.0.s8.s32 v6  }
0xa: {  	[dreg:$0x5] =	wrdreg s2;
	s0 =	ssub.s32 $0x2, s0;
	s29 =	sshll.u32 s1, $0x4;
	v0 =	vcombine.low v1, v0;
	v1 =	vunpack.c.0.s8.s32 v7  }
0xb: {  	s3 =	sshrl.u32 s0, $0x1;
	s5 =	sshll.u32 s1, $0x7;
	s14 =	sshll.u32 s1, $0xA;
	v2 =	vcombine.low v3, v2;
	v3 =	vcombine.low v5, v4;
	v4 =	vand.u32 $0xF, v6  }
0xc: {  	s2 =	sadd.s32 s7, s29;
	s0 =	ssub.s32 s0, s3;
	s12 =	sor.u32 $0x2000, s5;
	v1 =	vcombine.low v4, v1;
	v4 =	vlaneseq.u32  }
0xd: {  	s13 =	sor.u32 $0x3000, s5;
	[dreg:$0x6] =	wrdreg s2;
	s2 =	sadd.s32 $0x200, s2;
	v4 =	vmul.u32 $0x40, v4  }
0xe: {  	s5 =	simm.s32 $0x6;
	s0 =	smax.u32 s0, $0x1;
	[dreg:$0x7] =	wrdreg s2  }
0xf: {  	[dreg:$0x8] =	wrdreg s0;
	s0 =	simm.s32 $0x5;
	s2 =	simm.s32 $0x0;
	v0 =	vand.u32 $0xF, v0;
	v2 =	vand.u32 $0xF, v2;
	v3 =	vand.u32 $0xF, v3;
	[tilespmem:$0x1FFF0] =	vst v4  }
.LBB2_1:
0x10: {  	[dreg:$0x9] =	wrdreg s2  }
0x11: {  	s15 =	simm.s32 $0x0;
	s1 =	rddreg [dreg:$0x5];
	s3 =	simm.s32 $0xB300  }
0x12: {  	[tilespmem:s3], [sflag:$0x7] =	stream.linear.gather [hbm4b:s1+s15], $0x3200, $0x38;
	[tilespmem:$0xE600] =	vst v63  }
0x13: {  	_ =	swait.ge [sflag:s10], $0x3200  }
0x14: {  	[sflag:s10] =	ssyncset.done $0x0  }
0x15: {  	[sflag:s10] =	ssyncadd.s32 $0xFFFFCE00  }
0x16: {  	s17 =	simm.s32 $0xE500;
	s16 =	rddreg [dreg:$0x0]  }
0x17: {  	[tilespmem:s17], [sflag:$0x7] =	stream.linear.gather [hbm4b:s16+s15], $0x80, $0x38;
	[tilespmem:$0xE600] =	vst v63  }
0x18: {  	_ =	swait.ge [sflag:s10], $0x80  }
0x19: {  	[sflag:s10] =	ssyncset.done $0x0  }
0x1a: {  	[sflag:s10] =	ssyncadd.s32 $0xFFFFFF80  }
0x1b: {  	s19 =	simm.s32 $0xE580;
	s18 =	rddreg [dreg:$0x1]  }
0x1c: {  	[tilespmem:s19], [sflag:$0x7] =	stream.linear.gather [hbm4b:s18+s15], $0x40, $0x38;
	[tilespmem:$0xE600] =	vst v63  }
0x1d: {  	_ =	swait.ge [sflag:s10], $0x40  }
0x1e: {  	[sflag:s10] =	ssyncset.done $0x0  }
0x1f: {  	[sflag:s10] =	ssyncadd.s32 $0xFFFFFFC0  }
0x20: {  	s29 =	simm.s32 $0xE5C0;
	s20 =	rddreg [dreg:$0x2]  }
0x21: {  	[tilespmem:s29], [sflag:$0x7] =	stream.linear.gather [hbm4b:s20+s15], $0x40, $0x38;
	[tilespmem:$0xE600] =	vst v63  }
0x22: {  	_ =	swait.ge [sflag:s10], $0x40  }
0x23: {  	p0 =	por $0x0, $0x0;
	[sflag:s10] =	ssyncset.done $0x0  }
0x24: {  	s6 =	simm.s32 $0x40;
	s1 =	simm.s32 $0xB320;
	[sflag:s10] =	ssyncadd.s32 $0xFFFFFFC0  }
0x25: {  	s6 =	simm.s32 @!p0 $0x0;
	v5 =	vld [tilespmem:s1+$0xFFFFFFE0]  }
0x26: {  	v6 =	vld [tilespmem:s6+$0xE500];
	_ =	sdelay $0x4  }
0x27: {  	v5 =	vadd.f32 v6, v5  }
0x28: {  	s2 =	simm.s32 $0x8120  }
0x29: {  	[tilespmem:s2+$0xFFFFFFE0] =	vst v5  }
0x2a: {  	v5 =	vld [tilespmem:s1+$0xFFFFFFF0]  }
0x2b: {  	v6 =	vld [tilespmem:s6+$0xE510];
	_ =	sdelay $0x4  }
0x2c: {  	v5 =	vadd.f32 v6, v5;
	_ =	sdelay $0x1  }
0x2d: {  	[tilespmem:s2+$0xFFFFFFF0] =	vst v5  }
0x2e: {  	v5 =	vld [tilespmem:s1+$0x0]  }
0x2f: {  	v6 =	vld [tilespmem:s6+$0xE520];
	_ =	sdelay $0x4  }
0x30: {  	v5 =	vadd.f32 v6, v5;
	_ =	sdelay $0x1  }
0x31: {  	[tilespmem:s2+$0x0] =	vst v5  }
0x32: {  	v5 =	vld [tilespmem:s1+$0x10]  }
0x33: {  	s3 =	simm.s32 $0x1;
	v6 =	vld [tilespmem:s6+$0xE530];
	s6 =	simm.s32 $0x8120  }
.LBB2_2:
0x34: {  	_ =	sdelay $0x2  }
0x35: {  	p0 =	sne.s32 s3, $0xC7;
	s2 =	sadd.s32 $0x40, s2;
	s1 =	sadd.s32 $0x40, s1  }
0x36: {  	s9 =	smov.u32 s3;
	s3 =	sadd.s32 $0x1, s3;
	v5 =	vadd.f32 v6, v5;
	_ =	sdelay $0x1  }
0x37: {  	p1 =	sgt.u32 s9, $0x64;
	s9 =	simm.s32 $0x40;
	[tilespmem:s6+$0x10] =	vst v5;
	s6 =	smov.u32 s2  }
0x38: {  	s9 =	simm.s32 @!p1 $0x0;
	v5 =	vld [tilespmem:s1+$0xFFFFFFE0]  }
0x39: {  	v6 =	vld [tilespmem:s9+$0xE500];
	_ =	sdelay $0x4  }
0x3a: {  	v5 =	vadd.f32 v6, v5;
	_ =	sdelay $0x1  }
0x3b: {  	[tilespmem:s2+$0xFFFFFFE0] =	vst v5  }
0x3c: {  	v5 =	vld [tilespmem:s1+$0xFFFFFFF0]  }
0x3d: {  	v6 =	vld [tilespmem:s9+$0xE510];
	_ =	sdelay $0x4  }
0x3e: {  	v5 =	vadd.f32 v6, v5;
	_ =	sdelay $0x1  }
0x3f: {  	[tilespmem:s2+$0xFFFFFFF0] =	vst v5  }
0x40: {  	v5 =	vld [tilespmem:s1+$0x0]  }
0x41: {  	v6 =	vld [tilespmem:s9+$0xE520];
	_ =	sdelay $0x4  }
.Ltmp0:
0x42: {  	v5 =	vadd.f32 v6, v5;
	(pc) =	sbr.rel @p0 .LBB2_2-.Ltmp0, $4  }
0x43: {  	_ = 	snop  }
0x44: {  	[tilespmem:s2+$0x0] =	vst v5  }
0x45: {  	v5 =	vld [tilespmem:s1+$0x10]  }
0x46: {  	v6 =	vld [tilespmem:s9+$0xE530]  }
0x47: {  	_ =	sdelay $0x3  }
0x48: {  	v5 =	vadd.f32 v6, v5;
	_ =	sdelay $0x1  }
0x49: {  	s3 =	simm.s32 $0x0;
	s1 =	rddreg [dreg:$0x6];
	[tilespmem:s6+$0x10] =	vst v5  }
0x4a: {  	[tilespmem:s3], [sflag:$0x7] =	stream.linear.gather [hbm4b:s1+s3], $0x80, $0x38;
	[tilespmem:$0xE600] =	vst v63  }
0x4b: {  	_ =	swait.ge [sflag:s10], $0x80  }
0x4c: {  	[sflag:s10] =	ssyncset.done $0x0  }
0x4d: {  	[sflag:s10] =	ssyncadd.s32 $0xFFFFFF80  }
0x4e: {  	[tilespmem:s22], [sflag:$0x1] =	stream.indirect.gather [hbm4b:s8+s21], $0x40, s3, s21, $0xb8;
	[tilespmem:$0xE600] =	vst v63  }
0x4f: {  	s29 =	rddreg [dreg:$0x7]  }
0x50: {  	[tilespmem:s21], [sflag:$0x4] =	stream.linear.gather [hbm4b:s29+s3], $0x80, $0x38;
	[tilespmem:$0xE600] =	vst v63  }
0x51: {  	v5 =	vld [tilespmem:$0xE580]  }
0x52: {  	v7 =	vld [tilespmem:$0xE5A0]  }
0x53: {  	v8 =	vld [tilespmem:$0xE5B0]  }
0x54: {  	v9 =	vld [tilespmem:$0xE5C0]  }
0x55: {  	v10 =	vld [tilespmem:$0xE5D0]  }
0x56: {  	v11 =	vld [tilespmem:$0xE5E0]  }
0x57: {  	v6 =	vld [tilespmem:$0xE590]  }
0x58: {  	v12 =	vld [tilespmem:$0xE5F0]  }
.LBB2_4:
0x59: {  	_ =	swait.ge [sflag:s23], $0x2000  }
0x5a: {  	p0 =	seq.s32 s3, $0x63;
	[sflag:s23] =	ssyncset.done $0x0  }
0x5b: {  	p1 =	seq.s32 @!p0 s3, $0x0;
	[sflag:s23] =	ssyncadd.s32 $0xFFFFE000  }
0x5c: {  	s18 =	sshll.u32 @!p0 s3, $0xD;
	p1 =	por p0, !p1;
	_ =	swait.ge [sflag:s24], $0x80  }
.Ltmp1:
0x5d: {  	s1 =	sadd.s32 @!p0 s12, s18;
	[sflag:s24] =	ssyncset.done $0x0;
	(pc) =	sbr.rel @!p1 .LBB2_5-.Ltmp1, $4  }
0x5e: {  	s1 =	sshrl.u32 @!p0 s1, $0x3;
	[sflag:s24] =	ssyncadd.s32 $0xFFFFFF80  }
0x5f: {  	[tilespmem:s25], [sflag:$0x2] =	stream.indirect.gather [hbm4b:s8+s21], $0x40, s21, s21, $0xb8;
	[tilespmem:$0xE600] =	vst v63  }
0x60: {  	s2 =	simm.s32 @!p0 $0x0;
	s1 =	sadd.s32 @!p0 s7, s1  }
0x61: {  	[tilespmem:s2], [sflag:$0x3] =	stream.linear.gather @!p0 [hbm4b:s1+s2], $0x80, $0x38;
	[tilespmem:$0xE600] =	vst v63  }
.Ltmp2:
0x62: {  	(pc) =	sbr.rel .LBB2_7-.Ltmp2, $4  }
0x63: {  	_ = 	snop  }
0x64: {  	_ =	swait.ge [sflag:s0], $0x2000  }
0x65: {  	[sflag:s0] =	ssyncset.done $0x0  }
0x66: {  	p1 =	por $0x0, $0x0;
	[sflag:s0] =	ssyncadd.s32 $0xFFFFE000  }
.LBB2_5:
0x67: {  	p1 =	por @!p0 $0x1, $0x1  }
.LBB2_7:
0x68: {  	s19 =	simm.s32 $0x180  }
0x69: {  	v17 =	vld [tilespmem:s19+$0x40]  }
0x6a: {  	v19 =	vld [tilespmem:s19+$0x50]  }
0x6b: {  	v20 =	vld [tilespmem:s19+$0x60]  }
0x6c: {  	s1 =	sshll.u32 s3, $0x7;
	v21 =	vld [tilespmem:s19+$0x70]  }
0x6d: {  	s1 =	sand.u32 $0x3FFFFF80, s1;
	v22 =	vld [tilespmem:s19+$0xFFFFFF90]  }
0x6e: {  	v13 =	vld [tilespmem:s1+$0x8100]  }
0x6f: {  	v14 =	vld [tilespmem:s1+$0x8110]  }
0x70: {  	v15 =	vld [tilespmem:s1+$0x8120]  }
0x71: {  	v16 =	vld [tilespmem:s1+$0x8130]  }
0x72: {  	v23 =	vld [tilespmem:s19+$0xFFFFFFA0]  }
0x73: {  	v24 =	vld [tilespmem:s19+$0xFFFFFFB0]  }
0x74: {  	v25 =	vld [tilespmem:s19+$0xFFFFFFC0]  }
0x75: {  	v26 =	vld [tilespmem:s19+$0xFFFFFFD0];
	v18 =	vadd.f32 v17, v13;
	v19 =	vadd.f32 v19, v14  }
0x76: {  	v32 =	vld [tilespmem:s19+$0xFFFFFFF0];
	v20 =	vadd.f32 v20, v15;
	v31 =	vadd.f32 v21, v16  }
0x77: {  	v39 =	vld [tilespmem:s19+$0x20];
	v17 =	vadd.f32 v22, v14;
	v29 =	vadd.f32 v23, v15  }
0x78: {  	v40 =	vld [tilespmem:s19+$0xFFFFFF80];
	v30 =	vadd.f32 v24, v16;
	v22 =	vadd.f32 v19, v18  }
0x79: {  	v21 =	vld [tilespmem:s19+$0xFFFFFFE0];
	v27 =	vadd.f32 v31, v20;
	v28 =	vmul.f32 v18, v18;
	v33 =	vmul.f32 v19, v19  }
0x7a: {  	v23 =	vld [tilespmem:s19+$0x0];
	v34 =	vmul.f32 v20, v20;
	v35 =	vmul.f32 v31, v31;
	v42 =	vadd.f32 v30, v29  }
0x7b: {  	v24 =	vld [tilespmem:s19+$0x10];
	v37 =	vadd.f32 v27, v22;
	v22 =	vadd.f32 v33, v28  }
0x7c: {  	v36 =	vmul.f32 v17, v17;
	v58 =	vadd.f32 v35, v34;
	v28 =	vadd.f32 v25, v13  }
0x7d: {  	v38 =	vmul.f32 v29, v29;
	v27 =	vadd.f32 v26, v14;
	v25 =	vadd.f32 v32, v16  }
0x7e: {  	v34 =	vmul.f32 v30, v30;
	v32 =	vadd.f32 v40, v13;
	v26 =	vadd.f32 v21, v15  }
0x7f: {  	v59 =	vld [tilespmem:s19+$0x30];
	v23 =	vadd.f32 v23, v13;
	v33 =	vadd.f32 v58, v22;
	v21 =	vperm.xlane v37, v0  }
0x80: {  	v41 =	vmul.f32 v28, v28;
	v22 =	vadd.f32 v24, v14;
	v24 =	vadd.f32 v39, v15  }
0x81: {  	v43 =	vmul.f32 v27, v27;
	v62 =	vadd.f32 v27, v28;
	v45 =	vadd.f32 v17, v32  }
0x82: {  	v46 =	vmul.f32 v32, v32;
	v47 =	vmul.f32 v25, v25;
	v34 =	vadd.f32 v34, v38  }
0x83: {  	v63 =	vmul.f32 v26, v26;
	v44 =	vadd.f32 v25, v26;
	v37 =	vadd.f32 v37, v21  }
0x84: {  	v50 =	vmul.f32 v23, v23;
	v21 =	vadd.f32 v59, v16;
	v48 =	vadd.f32 v22, v23  }
0x85: {  	v60 =	vperm.xlane v33, v0;
	v42 =	vadd.f32 v42, v45;
	v36 =	vadd.f32 v36, v46  }
0x86: {  	v51 =	vmul.f32 v22, v22;
	v41 =	vadd.f32 v43, v41;
	v39 =	vadd.f32 v44, v62  }
0x87: {  	v52 =	vmul.f32 v24, v24;
	v40 =	vadd.f32 v47, v63;
	v33 =	vadd.f32 v33, v60  }
0x88: {  	v61 =	vperm.xlane v37, v2;
	v49 =	vadd.f32 v21, v24;
	v59 =	vmul.f32 v21, v21  }
0x89: {  	v51 =	vadd.f32 v51, v50;
	v34 =	vadd.f32 v34, v36;
	v63 =	vperm.xlane v39, v0  }
0x8a: {  	v35 =	vadd.f32 v37, v61;
	v56 =	vperm.xlane v33, v2;
	v49 =	vadd.f32 v49, v48  }
0x8b: {  	v61 =	vperm.xlane v42, v0;
	v45 =	vadd.f32 v59, v52;
	v52 =	vadd.f32 v40, v41  }
0x8c: {  	v39 =	vadd.f32 v39, v63;
	v33 =	vadd.f32 v33, v56;
	v57 =	vperm.xlane v35, v3  }
0x8d: {  	v53 =	vperm.xlane v49, v0;
	v54 =	vadd.f32 v45, v51;
	v38 =	vadd.f32 v42, v61  }
0x8e: {  	v56 =	vperm.xlane v34, v0;
	v35 =	vadd.f32 v57, v35;
	v58 =	vperm.xlane v33, v3  }
0x8f: {  	v57 =	vperm.xlane v52, v0;
	v37 =	vadd.f32 v49, v53;
	v59 =	vperm.xlane v54, v0  }
0x90: {  	v34 =	vadd.f32 v34, v56;
	v33 =	vadd.f32 v58, v33;
	v60 =	vperm.xlane v35, v1  }
0x91: {  	v58 =	vperm.xlane v38, v2;
	v36 =	vadd.f32 v52, v57;
	v40 =	vadd.f32 v54, v59  }
0x92: {  	v61 =	vperm.xlane v37, v2;
	v35 =	vadd.f32 v60, v35;
	v62 =	vperm.xlane v33, v1  }
0x93: {  	v60 =	vperm.xlane v39, v2;
	v38 =	vadd.f32 v38, v58;
	v48 =	vperm.xlane v36, v2  }
0x94: {  	v37 =	vadd.f32 v37, v61;
	v49 =	vperm.xlane v40, v2;
	v33 =	vadd.f32 v62, v33  }
0x95: {  	v35 =	vmul.f32 $1.562500000e-02, v35;
	v62 =	vperm.xlane v34, v2;
	v39 =	vadd.f32 v39, v60  }
0x96: {  	v51 =	vperm.xlane v38, v3;
	v36 =	vadd.f32 v36, v48;
	v40 =	vadd.f32 v40, v49  }
0x97: {  	v33 =	vmul.f32 $1.562500000e-02, v33;
	v55 =	vmul.f32 v35, v35;
	v34 =	vadd.f32 v34, v62  }
0x98: {  	v52 =	vperm.xlane v39, v3;
	v38 =	vadd.f32 v51, v38;
	v56 =	vperm.xlane v36, v3  }
0x99: {  	v33 =	vsub.f32 v33, v55;
	v54 =	vperm.xlane v34, v3;
	v55 =	vperm.xlane v37, v3  }
0x9a: {  	v39 =	vadd.f32 v52, v39;
	v57 =	vperm.xlane v38, v1;
	v36 =	vadd.f32 v56, v36  }
0x9b: {  	v58 =	vperm.xlane v40, v3;
	v33 =	vadd.f32 $9.999999740e-06, v33;
	v34 =	vadd.f32 v54, v34  }
0x9c: {  	v37 =	vadd.f32 v55, v37;
	v59 =	vperm.xlane v39, v1;
	v38 =	vadd.f32 v57, v38  }
0x9d: {  	v62 =	vperm.xlane v36, v1;
	v63 =	vshra.s32 v33, $0x1;
	v33 =	vmul.f32 $5.000000000e-01, v33  }
0x9e: {  	v40 =	vadd.f32 v58, v40;
	v60 =	vperm.xlane v34, v1;
	v61 =	vperm.xlane v37, v1  }
0x9f: {  	v39 =	vadd.f32 v59, v39;
	v38 =	vmul.f32 $1.562500000e-02, v38;
	v44 =	vsub.s32 $0x5F3759DF, v63  }
0xa0: {  	v63 =	vperm.xlane v40, v1;
	v50 =	vmul.f32 v44, v33  }
0xa1: {  	v34 =	vadd.f32 v60, v34;
	v37 =	vadd.f32 v61, v37;
	v39 =	vmul.f32 $1.562500000e-02, v39  }
0xa2: {  	v36 =	vadd.f32 v62, v36;
	v45 =	vmul.f32 v38, v38;
	v53 =	vmul.f32 v44, v50  }
0xa3: {  	v40 =	vadd.f32 v63, v40;
	v34 =	vmul.f32 $1.562500000e-02, v34;
	v37 =	vmul.f32 $1.562500000e-02, v37  }
0xa4: {  	v36 =	vmul.f32 $1.562500000e-02, v36;
	v46 =	vmul.f32 v39, v39;
	v41 =	vsub.f32 $1.500000000e+00, v53  }
0xa5: {  	v40 =	vmul.f32 $1.562500000e-02, v40;
	v34 =	vsub.f32 v34, v45;
	v47 =	vmul.f32 v37, v37  }
0xa6: {  	v36 =	vsub.f32 v36, v46;
	v41 =	vmul.f32 v44, v41  }
0xa7: {  	v34 =	vadd.f32 $9.999999740e-06, v34;
	v40 =	vsub.f32 v40, v47  }
0xa8: {  	v36 =	vadd.f32 $9.999999740e-06, v36;
	v33 =	vmul.f32 v41, v33  }
0xa9: {  	v48 =	vshra.s32 v34, $0x1;
	v34 =	vmul.f32 $5.000000000e-01, v34;
	v40 =	vadd.f32 $9.999999740e-06, v40  }
0xaa: {  	v50 =	vshra.s32 v36, $0x1;
	v36 =	vmul.f32 $5.000000000e-01, v36;
	v42 =	vsub.s32 $0x5F3759DF, v48  }
0xab: {  	v31 =	vsub.f32 v31, v35;
	v33 =	vmul.f32 v33, v41;
	v49 =	vmul.f32 v42, v34  }
0xac: {  	v44 =	vsub.s32 $0x5F3759DF, v50;
	v51 =	vshra.s32 v40, $0x1;
	v40 =	vmul.f32 $5.000000000e-01, v40  }
0xad: {  	v45 =	vsub.s32 $0x5F3759DF, v51;
	v33 =	vsub.f32 $1.500000000e+00, v33;
	v43 =	vmul.f32 v42, v49  }
0xae: {  	v32 =	vsub.f32 v32, v38;
	v52 =	vmul.f32 v44, v36;
	v53 =	vmul.f32 v45, v40  }
0xaf: {  	v29 =	vsub.f32 v29, v38;
	v33 =	vmul.f32 v33, v41;
	v43 =	vsub.f32 $1.500000000e+00, v43  }
0xb0: {  	v30 =	vsub.f32 v30, v38;
	v41 =	vmul.f32 v44, v52;
	v46 =	vmul.f32 v45, v53  }
0xb1: {  	v47 =	vsub.f32 v17, v38;
	v54 =	vmul.f32 v33, v8;
	v42 =	vmul.f32 v42, v43  }
0xb2: {  	s20 =	simm.s32 $0x280;
	v55 =	vmul.f32 v33, v5;
	v41 =	vsub.f32 $1.500000000e+00, v41;
	v56 =	vmul.f32 v33, v6  }
0xb3: {  	v38 =	vld [tilespmem:s20+$0x60];
	v46 =	vsub.f32 $1.500000000e+00, v46;
	v31 =	vmul.f32 v54, v31;
	v34 =	vmul.f32 v42, v34  }
0xb4: {  	v20 =	vsub.f32 v20, v35;
	v33 =	vmul.f32 v33, v7;
	v41 =	vmul.f32 v44, v41  }
0xb5: {  	v4 =	vadd.f32 v31, v12;
	v31 =	vmul.f32 v45, v46;
	v34 =	vmul.f32 v34, v42  }
0xb6: {  	v18 =	vsub.f32 v18, v35;
	v36 =	vmul.f32 v41, v36  }
0xb7: {  	v44 =	vmul.f32 v33, v20;
	v57 =	vmul.f32 v31, v40;
	v34 =	vsub.f32 $1.500000000e+00, v34  }
0xb8: {  	v54 =	vsub.f32 v24, v37;
	v24 =	vadd.f32 v38, v15;
	v36 =	vmul.f32 v36, v41  }
0xb9: {  	v19 =	vsub.f32 v19, v35;
	v58 =	vmul.f32 v57, v31;
	v34 =	vmul.f32 v34, v42  }
0xba: {  	v38 =	vmul.f32 v24, v24;
	v40 =	vmul.f32 v55, v18;
	v18 =	vsub.f32 $1.500000000e+00, v36  }
0xbb: {  	v42 =	vmul.f32 v56, v19;
	v19 =	vsub.f32 $1.500000000e+00, v58;
	v20 =	vmul.f32 v34, v5  }
0xbc: {  	v35 =	vld [tilespmem:s20+$0x40];
	v28 =	vsub.f32 v28, v39;
	v18 =	vmul.f32 v18, v41;
	v59 =	vmul.f32 v34, v6  }
0xbd: {  	v61 =	vld [tilespmem:s20+$0x70];
	v36 =	vsub.f32 v27, v39;
	v41 =	vmul.f32 v19, v31;
	v19 =	vmul.f32 v34, v7  }
0xbe: {  	v27 =	vld [tilespmem:s20+$0x50];
	v31 =	vsub.f32 v26, v39;
	v26 =	vmul.f32 v34, v8;
	v60 =	vmul.f32 v18, v7  }
0xbf: {  	v23 =	vsub.f32 v23, v37;
	v34 =	vmul.f32 v18, v5;
	v43 =	vmul.f32 v18, v6  }
0xc0: {  	v50 =	vsub.f32 v22, v37;
	v22 =	vld [tilespmem:s20+$0xFFFFFF90];
	v62 =	vmul.f32 v18, v8;
	v17 =	vmul.f32 v60, v31  }
0xc1: {  	v39 =	vsub.f32 v25, v39;
	v53 =	vmul.f32 v20, v32;
	v57 =	vmul.f32 v26, v30;
	v30 =	vld [tilespmem:s20+$0xFFFFFFA0]  }
0xc2: {  	v55 =	vmul.f32 v59, v47;
	v25 =	vadd.f32 v35, v13;
	v20 =	vmul.f32 v34, v28;
	v28 =	vld [tilespmem:s20+$0xFFFFFFB0];
	[tilespmem:$0x1FFE0] =	vst v17  }
0xc3: {  	v63 =	vmul.f32 v41, v5;
	v26 =	vadd.f32 v27, v14;
	v27 =	vadd.f32 v61, v16;
	v31 =	vld [tilespmem:s20+$0xFFFFFFC0]  }
0xc4: {  	v58 =	vsub.f32 v21, v37;
	v56 =	vmul.f32 v19, v29;
	v52 =	vmul.f32 v25, v25;
	v35 =	vld [tilespmem:s20+$0xFFFFFFD0]  }
0xc5: {  	v21 =	vmul.f32 v62, v39;
	v46 =	vadd.f32 v26, v25;
	v47 =	vadd.f32 v27, v24;
	v37 =	vld [tilespmem:s20+$0xFFFFFFE0]  }
0xc6: {  	v60 =	vmul.f32 v26, v26;
	v61 =	vmul.f32 v27, v27;
	v39 =	vld [tilespmem:s20+$0xFFFFFFF0]  }
0xc7: {  	v29 =	vadd.f32 v22, v14;
	v22 =	vmul.f32 v63, v23;
	v63 =	vld [tilespmem:s20+$0x0];
	v62 =	vadd.f32 v47, v46  }
0xc8: {  	v51 =	vmul.f32 v41, v6;
	v34 =	vadd.f32 v60, v52;
	v52 =	vadd.f32 v61, v38;
	v38 =	vld [tilespmem:s20+$0x10]  }
0xc9: {  	v19 =	vmul.f32 v43, v36;
	v47 =	vld [tilespmem:s20+$0x20];
	v32 =	vadd.f32 v30, v15;
	v33 =	vadd.f32 v28, v16  }
0xca: {  	v20 =	vadd.f32 v20, v9;
	v61 =	vld [tilespmem:s20+$0x30];
	v30 =	vperm.xlane v62, v0;
	v59 =	vadd.f32 v52, v34  }
0xcb: {  	v23 =	vmul.f32 v51, v50;
	v60 =	vld [tilespmem:s20+$0xFFFFFF80];
	v52 =	vadd.f32 v33, v32;
	v34 =	vadd.f32 v31, v13  }
0xcc: {  	v28 =	vmul.f32 v29, v29;
	v45 =	vadd.f32 v62, v30;
	v35 =	vadd.f32 v35, v14  }
0xcd: {  	v49 =	vmul.f32 v32, v32;
	v36 =	vadd.f32 v37, v15;
	v43 =	vadd.f32 v39, v16  }
0xce: {  	v62 =	vperm.xlane v59, v0;
	v30 =	vadd.f32 v63, v13;
	v31 =	vadd.f32 v38, v14  }
0xcf: {  	v46 =	vmul.f32 v33, v33;
	v39 =	vadd.f32 v47, v15;
	v38 =	vadd.f32 v61, v16  }
0xd0: {  	v63 =	vperm.xlane v45, v2;
	v37 =	vadd.f32 v59, v62;
	v59 =	vadd.f32 v60, v13  }
0xd1: {  	v48 =	vmul.f32 v34, v34;
	v50 =	vadd.f32 v35, v34;
	v62 =	vadd.f32 v43, v36  }
0xd2: {  	v45 =	vadd.f32 v45, v63;
	v47 =	vperm.xlane v37, v2;
	v60 =	vadd.f32 v29, v59  }
0xd3: {  	v61 =	vmul.f32 v59, v59;
	v63 =	vadd.f32 v46, v49;
	v46 =	vmul.f32 v43, v43  }
0xd4: {  	v62 =	vadd.f32 v62, v50;
	v49 =	vadd.f32 v40, v9;
	v51 =	vperm.xlane v45, v3  }
0xd5: {  	v37 =	vadd.f32 v37, v47;
	v47 =	vmul.f32 v35, v35;
	v60 =	vadd.f32 v52, v60  }
0xd6: {  	v28 =	vadd.f32 v28, v61;
	v52 =	vmul.f32 v36, v36;
	v61 =	vadd.f32 v31, v30  }
0xd7: {  	v45 =	vadd.f32 v51, v45;
	v51 =	vperm.xlane v37, v3;
	v18 =	vadd.f32 v47, v48  }
0xd8: {  	v47 =	vmul.f32 v30, v30;
	v46 =	vadd.f32 v46, v52;
	v52 =	vmul.f32 v31, v31  }
0xd9: {  	v28 =	vadd.f32 v63, v28;
	v51 =	vadd.f32 v51, v37  }
0xda: {  	v37 =	vadd.f32 v38, v39;
	v50 =	vperm.xlane v45, v1;
	v48 =	vadd.f32 v52, v47  }
0xdb: {  	v17 =	vmul.f32 v41, v7;
	v52 =	vadd.f32 v42, v10;
	v47 =	vadd.f32 v53, v9  }
0xdc: {  	v53 =	vadd.f32 v56, v11;
	v63 =	vperm.xlane v28, v0;
	v40 =	vadd.f32 v50, v45  }
0xdd: {  	v45 =	vmul.f32 v39, v39;
	v61 =	vadd.f32 v37, v61;
	v37 =	vmul.f32 v38, v38  }
0xde: {  	v56 =	vperm.xlane v60, v0;
	v18 =	vadd.f32 v46, v18;
	v50 =	vadd.f32 v44, v11  }
0xdf: {  	v44 =	vperm.xlane v51, v1;
	v28 =	vadd.f32 v28, v63;
	v42 =	vadd.f32 v37, v45  }
0xe0: {  	v37 =	vmul.f32 v17, v54;
	v54 =	vadd.f32 v55, v10;
	v17 =	vmul.f32 v41, v8  }
0xe1: {  	v45 =	vadd.f32 v57, v12;
	v55 =	vadd.f32 v44, v51;
	v51 =	vmul.f32 $1.562500000e-02, v40  }
0xe2: {  	v57 =	vperm.xlane v62, v0;
	v46 =	vperm.xlane v61, v0;
	v42 =	vadd.f32 v42, v48  }
0xe3: {  	v41 =	vmul.f32 $1.562500000e-02, v55;
	v48 =	vmul.f32 v51, v51;
	v55 =	vadd.f32 v60, v56  }
0xe4: {  	v40 =	vadd.f32 v62, v57;
	v60 =	vperm.xlane v18, v0;
	v46 =	vadd.f32 v61, v46  }
0xe5: {  	v44 =	vmul.f32 v17, v58;
	v61 =	vperm.xlane v28, v2;
	v27 =	vsub.f32 v27, v51  }
0xe6: {  	v41 =	vsub.f32 v41, v48;
	v62 =	vperm.xlane v55, v2;
	v63 =	vperm.xlane v42, v0  }
0xe7: {  	v17 =	vadd.f32 v18, v60;
	v60 =	vperm.xlane v40, v2;
	v28 =	vadd.f32 v28, v61  }
0xe8: {  	v18 =	vadd.f32 $9.999999740e-06, v41;
	v48 =	vadd.f32 v55, v62  }
0xe9: {  	v42 =	vadd.f32 v42, v63;
	v55 =	vperm.xlane v46, v2;
	v40 =	vadd.f32 v40, v60  }
0xea: {  	v63 =	vperm.xlane v17, v2;
	v62 =	vshra.s32 v18, $0x1;
	v18 =	vmul.f32 $5.000000000e-01, v18  }
0xeb: {  	v60 =	vperm.xlane v48, v3;
	v46 =	vadd.f32 v46, v55;
	v57 =	vsub.s32 $0x5F3759DF, v62  }
0xec: {  	v61 =	vperm.xlane v42, v2;
	v17 =	vadd.f32 v17, v63;
	v62 =	vmul.f32 v57, v18  }
0xed: {  	v63 =	vperm.xlane v28, v3;
	v41 =	vadd.f32 v60, v48;
	v60 =	vperm.xlane v40, v3  }
0xee: {  	v42 =	vadd.f32 v42, v61;
	v61 =	vmul.f32 v57, v62;
	v62 =	vperm.xlane v46, v3  }
0xef: {  	v28 =	vadd.f32 v63, v28;
	v63 =	vperm.xlane v41, v1;
	v40 =	vadd.f32 v60, v40  }
0xf0: {  	v60 =	vperm.xlane v17, v3;
	v55 =	vsub.f32 $1.500000000e+00, v61;
	v46 =	vadd.f32 v62, v46  }
0xf1: {  	v41 =	vadd.f32 v63, v41;
	v61 =	vperm.xlane v28, v1;
	v62 =	vperm.xlane v42, v3  }
0xf2: {  	v17 =	vadd.f32 v60, v17;
	v63 =	vperm.xlane v40, v1;
	v55 =	vmul.f32 v57, v55  }
0xf3: {  	v28 =	vadd.f32 v61, v28;
	v48 =	vmul.f32 $1.562500000e-02, v41;
	v60 =	vperm.xlane v46, v1  }
0xf4: {  	v41 =	vadd.f32 v62, v42;
	v61 =	vperm.xlane v17, v1;
	v40 =	vadd.f32 v63, v40  }
0xf5: {  	v28 =	vmul.f32 $1.562500000e-02, v28;
	v62 =	vmul.f32 v48, v48;
	v42 =	vadd.f32 v60, v46  }
0xf6: {  	v63 =	vperm.xlane v41, v1;
	v17 =	vadd.f32 v61, v17;
	v57 =	vmul.f32 $1.562500000e-02, v40  }
0xf7: {  	v18 =	vmul.f32 v55, v18;
	v28 =	vsub.f32 v28, v62;
	v46 =	vmul.f32 $1.562500000e-02, v42  }
0xf8: {  	v56 =	vadd.f32 v63, v41;
	v17 =	vmul.f32 $1.562500000e-02, v17;
	v58 =	vmul.f32 v57, v57  }
0xf9: {  	v25 =	vsub.f32 v25, v51;
	v18 =	vmul.f32 v18, v55;
	v28 =	vadd.f32 $9.999999740e-06, v28  }
0xfa: {  	v40 =	vmul.f32 $1.562500000e-02, v56;
	v42 =	vmul.f32 v46, v46;
	v17 =	vsub.f32 v17, v58  }
0xfb: {  	v26 =	vsub.f32 v26, v51;
	v18 =	vsub.f32 $1.500000000e+00, v18;
	v60 =	vshra.s32 v28, $0x1  }
0xfc: {  	v56 =	vmul.f32 $5.000000000e-01, v28;
	v40 =	vsub.f32 v40, v42;
	v17 =	vadd.f32 $9.999999740e-06, v17  }
0xfd: {  	v28 =	vsub.f32 v59, v48;
	v18 =	vmul.f32 v18, v55;
	v55 =	vsub.s32 $0x5F3759DF, v60  }
0xfe: {  	v41 =	vmul.f32 v55, v56;
	v40 =	vadd.f32 $9.999999740e-06, v40;
	v62 =	vshra.s32 v17, $0x1  }
0xff: {  	[tilespmem:s19+$0x70] =	vst v4;
	v61 =	vmul.f32 v18, v8;
	v17 =	vmul.f32 $5.000000000e-01, v17;
	v58 =	vsub.s32 $0x5F3759DF, v62  }
0x100: {  	[tilespmem:s19+$0xFFFFFFC0] =	vst v20;
	v41 =	vmul.f32 v55, v41;
	v42 =	vshra.s32 v40, $0x1;
	v59 =	vmul.f32 $5.000000000e-01, v40  }
0x101: {  	[tilespmem:s19+$0x40] =	vst v49;
	v27 =	vmul.f32 v61, v27;
	v60 =	vmul.f32 v58, v17;
	v61 =	vsub.s32 $0x5F3759DF, v42  }
0x102: {  	[tilespmem:s19+$0x50] =	vst v52;
	v29 =	vsub.f32 v29, v48;
	v40 =	vsub.f32 $1.500000000e+00, v41;
	v63 =	vmul.f32 v61, v59  }
0x103: {  	[tilespmem:s19+$0xFFFFFF80] =	vst v47;
	v42 =	vsub.f32 v33, v48;
	v41 =	vsub.f32 v32, v48;
	v60 =	vmul.f32 v58, v60  }
0x104: {  	[tilespmem:s19+$0xFFFFFFA0] =	vst v53;
	v27 =	vadd.f32 v27, v12;
	v48 =	vmul.f32 v55, v40;
	v32 =	vmul.f32 v61, v63  }
0x105: {  	[tilespmem:s19+$0x60] =	vst v50;
	v55 =	vmul.f32 v18, v5;
	v40 =	vsub.f32 v34, v57;
	v33 =	vsub.f32 $1.500000000e+00, v60  }
0x106: {  	[tilespmem:s19+$0xFFFFFF90] =	vst v54;
	v34 =	vsub.f32 v43, v57;
	v43 =	vmul.f32 v18, v6;
	v32 =	vsub.f32 $1.500000000e+00, v32  }
0x107: {  	v24 =	vsub.f32 v24, v51;
	[tilespmem:s19+$0xFFFFFFB0] =	vst v45;
	v62 =	vmul.f32 v48, v56;
	v63 =	vmul.f32 v58, v33  }
0x108: {  	v35 =	vsub.f32 v35, v57;
	v18 =	vmul.f32 v18, v7;
	[tilespmem:s20+$0x70] =	vst v27;
	v58 =	vmul.f32 v61, v32  }
0x109: {  	v36 =	vsub.f32 v36, v57;
	v4 =	vld [tilespmem:$0x1FFE0];
	v60 =	vmul.f32 v62, v48;
	v17 =	vmul.f32 v63, v17  }
0x10a: {  	v33 =	vsub.f32 v30, v46;
	v30 =	vsub.f32 v39, v46;
	v25 =	vmul.f32 v55, v25  }
0x10b: {  	v61 =	vmul.f32 v58, v59;
	v39 =	vsub.f32 $1.500000000e+00, v60;
	v17 =	vmul.f32 v17, v63  }
0x10c: {  	v26 =	vmul.f32 v43, v26;
	v32 =	vsub.f32 v31, v46;
	v31 =	vsub.f32 v38, v46  }
0x10d: {  	v38 =	vmul.f32 v61, v58;
	v62 =	vmul.f32 v39, v48;
	v17 =	vsub.f32 $1.500000000e+00, v17  }
0x10e: {  	v24 =	vmul.f32 v18, v24;
	v18 =	vadd.f32 v19, v10;
	v19 =	vadd.f32 v4, v11  }
0x10f: {  	v27 =	vsub.f32 $1.500000000e+00, v38;
	v39 =	vmul.f32 v62, v5;
	v17 =	vmul.f32 v17, v63  }
0x110: {  	[tilespmem:s19+$0xFFFFFFD0] =	vst v18;
	v18 =	vadd.f32 v21, v12;
	v46 =	vmul.f32 v62, v6;
	v45 =	vmul.f32 v62, v7  }
0x111: {  	[tilespmem:s19+$0xFFFFFFE0] =	vst v19;
	v19 =	vadd.f32 v22, v9;
	v38 =	vmul.f32 v62, v8;
	v43 =	vmul.f32 v27, v58  }
0x112: {  	[tilespmem:s19+$0xFFFFFFF0] =	vst v18;
	v63 =	vadd.f32 v23, v10;
	v27 =	vmul.f32 v17, v5;
	v21 =	vmul.f32 v17, v6  }
0x113: {  	s16 =	sshllo.u32 s3, $0x1;
	[tilespmem:s19+$0x0] =	vst v19;
	v23 =	vadd.f32 v37, v11;
	v22 =	vmul.f32 v17, v7;
	v20 =	vmul.f32 v17, v8  }
0x114: {  	s9 =	simm.s32 $0x4;
	s11 =	simm.s32 $0x380;
	s1 =	simm.s32 $0x4140;
	[tilespmem:s19+$0x10] =	vst v63;
	v17 =	vadd.f32 v44, v12;
	v19 =	vmul.f32 v43, v5;
	v18 =	vmul.f32 v43, v6  }
.LBB2_8:
0x115: {  	v37 =	vld [tilespmem:s11+$0x40];
	v44 =	vmul.f32 v43, v7;
	v43 =	vmul.f32 v43, v8;
	v25 =	vadd.f32 v25, v9;
	[tilespmem:s19+$0x20] =	vst v23  }
0x116: {  	v23 =	vmul.f32 v39, v28;
	v28 =	vmul.f32 v46, v29;
	v26 =	vadd.f32 v26, v10;
	v47 =	vld [tilespmem:s11+$0x50];
	[tilespmem:s19+$0x30] =	vst v17;
	s19 =	smov.u32 s20;
	s20 =	smov.u32 s11  }
0x117: {  	v38 =	vmul.f32 v38, v42;
	v17 =	vmul.f32 v45, v41;
	v29 =	vld [tilespmem:s11+$0x60];
	[tilespmem:s19+$0x40] =	vst v25;
	v25 =	vadd.f32 v24, v11  }
0x118: {  	v21 =	vmul.f32 v21, v35;
	v41 =	vadd.f32 v23, v9;
	v24 =	vmul.f32 v27, v40;
	v39 =	vld [tilespmem:s11+$0x70];
	[tilespmem:s19+$0x50] =	vst v26  }
0x119: {  	s9 =	sadd.s32 $0x4, s9;
	v20 =	vmul.f32 v20, v34;
	v23 =	vmul.f32 v22, v36;
	v26 =	vadd.f32 v28, v10;
	v35 =	vld [tilespmem:s11+$0xFFFFFF90];
	[tilespmem:s19+$0x60] =	vst v25  }
0x11a: {  	p2 =	slt.u32 s9, $0x7C;
	v18 =	vmul.f32 v18, v32;
	v22 =	vmul.f32 v19, v33;
	v27 =	vadd.f32 v17, v11;
	v28 =	vld [tilespmem:s11+$0xFFFFFFA0];
	[tilespmem:s19+$0xFFFFFF80] =	vst v41  }
0x11b: {  	v33 =	vadd.f32 v38, v12;
	v19 =	vmul.f32 v44, v30;
	v17 =	vmul.f32 v43, v31;
	v32 =	vld [tilespmem:s11+$0xFFFFFFB0];
	[tilespmem:s19+$0xFFFFFF90] =	vst v26  }
0x11c: {  	v25 =	vadd.f32 v37, v13;
	v26 =	vadd.f32 v47, v14;
	v34 =	vld [tilespmem:s11+$0xFFFFFFC0];
	[tilespmem:s19+$0xFFFFFFA0] =	vst v27  }
0x11d: {  	v27 =	vadd.f32 v29, v15;
	v36 =	vld [tilespmem:s11+$0xFFFFFFD0];
	v40 =	vadd.f32 v39, v16;
	[tilespmem:s19+$0xFFFFFFB0] =	vst v33  }
0x11e: {  	v29 =	vadd.f32 v35, v14;
	v33 =	vld [tilespmem:s11+$0xFFFFFFE0];
	v35 =	vadd.f32 v26, v25  }
0x11f: {  	v39 =	vmul.f32 v25, v25;
	v41 =	vmul.f32 v26, v26;
	v37 =	vld [tilespmem:s11+$0xFFFFFFF0];
	v38 =	vadd.f32 v40, v27  }
0x120: {  	v42 =	vmul.f32 v27, v27;
	v30 =	vadd.f32 v28, v15;
	v43 =	vmul.f32 v40, v40;
	v28 =	vld [tilespmem:s11+$0x0]  }
0x121: {  	v31 =	vadd.f32 v32, v16;
	v44 =	vmul.f32 v29, v29;
	v32 =	vld [tilespmem:s11+$0x10];
	v45 =	vadd.f32 v38, v35  }
0x122: {  	v46 =	vmul.f32 v30, v30;
	v38 =	vadd.f32 v41, v39;
	v39 =	vadd.f32 v43, v42;
	v47 =	vld [tilespmem:s11+$0x20]  }
0x123: {  	v35 =	vadd.f32 v34, v13;
	v41 =	vmul.f32 v31, v31;
	v36 =	vadd.f32 v36, v14;
	v42 =	vld [tilespmem:s11+$0x30]  }
0x124: {  	v34 =	vadd.f32 v33, v15;
	v48 =	vadd.f32 v39, v38;
	v39 =	vperm.xlane v45, v0;
	v43 =	vld [tilespmem:s11+$0xFFFFFF80]  }
0x125: {  	v49 =	vmul.f32 v35, v35;
	v38 =	vadd.f32 v37, v16;
	v33 =	vadd.f32 v28, v13  }
0x126: {  	v45 =	vadd.f32 v45, v39;
	v28 =	vperm.xlane v48, v0;
	v32 =	vadd.f32 v32, v14  }
0x127: {  	v50 =	vadd.f32 v31, v30;
	v51 =	vmul.f32 v36, v36;
	v39 =	vadd.f32 v47, v15  }
0x128: {  	v47 =	vperm.xlane v45, v2;
	v37 =	vadd.f32 v42, v16;
	v42 =	vadd.f32 v48, v28  }
0x129: {  	v48 =	vmul.f32 v34, v34;
	v28 =	vadd.f32 v43, v13;
	v43 =	vadd.f32 v36, v35  }
0x12a: {  	v52 =	vadd.f32 v38, v34;
	v45 =	vadd.f32 v45, v47;
	v47 =	vperm.xlane v42, v2  }
0x12b: {  	v55 =	vmul.f32 v38, v38;
	v53 =	vadd.f32 v29, v28;
	v54 =	vmul.f32 v28, v28  }
0x12c: {  	v56 =	vadd.f32 v32, v33;
	v42 =	vadd.f32 v42, v47;
	v47 =	vperm.xlane v45, v3  }
0x12d: {  	v58 =	vmul.f32 v33, v33;
	v59 =	vmul.f32 v32, v32;
	v57 =	vadd.f32 v37, v39  }
0x12e: {  	v60 =	vmul.f32 v39, v39;
	v45 =	vadd.f32 v47, v45;
	v47 =	vperm.xlane v42, v3  }
0x12f: {  	v50 =	vadd.f32 v50, v53;
	v44 =	vadd.f32 v44, v54;
	v53 =	vmul.f32 v37, v37  }
0x130: {  	v41 =	vadd.f32 v41, v46;
	v42 =	vadd.f32 v47, v42;
	v46 =	vperm.xlane v45, v1  }
0x131: {  	v49 =	vadd.f32 v51, v49;
	v52 =	vadd.f32 v52, v43;
	v47 =	vperm.xlane v50, v0  }
0x132: {  	v48 =	vadd.f32 v55, v48;
	v43 =	vadd.f32 v46, v45;
	v45 =	vperm.xlane v42, v1  }
0x133: {  	v51 =	vadd.f32 v57, v56;
	v54 =	vadd.f32 v59, v58;
	v46 =	vperm.xlane v52, v0  }
0x134: {  	v53 =	vadd.f32 v53, v60;
	v42 =	vadd.f32 v45, v42;
	v43 =	vmul.f32 $1.562500000e-02, v43  }
0x135: {  	v41 =	vadd.f32 v41, v44;
	v44 =	vadd.f32 v48, v49;
	v45 =	vperm.xlane v51, v0  }
0x136: {  	v48 =	vadd.f32 v53, v54;
	v42 =	vmul.f32 $1.562500000e-02, v42;
	v49 =	vmul.f32 v43, v43  }
0x137: {  	v47 =	vadd.f32 v50, v47;
	v50 =	vperm.xlane v41, v0;
	v46 =	vadd.f32 v52, v46  }
0x138: {  	v52 =	vperm.xlane v44, v0;
	v45 =	vadd.f32 v51, v45;
	v42 =	vsub.f32 v42, v49  }
0x139: {  	v41 =	vadd.f32 v41, v50;
	v50 =	vperm.xlane v48, v0;
	v49 =	vperm.xlane v47, v2  }
0x13a: {  	v44 =	vadd.f32 v44, v52;
	v51 =	vperm.xlane v46, v2;
	v42 =	vadd.f32 $9.999999740e-06, v42  }
0x13b: {  	v48 =	vadd.f32 v48, v50;
	v47 =	vadd.f32 v47, v49;
	v49 =	vperm.xlane v45, v2  }
0x13c: {  	v50 =	vperm.xlane v41, v2;
	v52 =	vshra.s32 v42, $0x1;
	v42 =	vmul.f32 $5.000000000e-01, v42  }
0x13d: {  	v46 =	vadd.f32 v46, v51;
	v51 =	vperm.xlane v44, v2;
	v52 =	vsub.s32 $0x5F3759DF, v52  }
0x13e: {  	v45 =	vadd.f32 v45, v49;
	v49 =	vperm.xlane v48, v2;
	v53 =	vmul.f32 v52, v42  }
0x13f: {  	v41 =	vadd.f32 v41, v50;
	v44 =	vadd.f32 v44, v51;
	v50 =	vperm.xlane v47, v3  }
0x140: {  	v51 =	vperm.xlane v46, v3;
	v48 =	vadd.f32 v48, v49;
	v49 =	vmul.f32 v52, v53  }
0x141: {  	v47 =	vadd.f32 v50, v47;
	v50 =	vperm.xlane v41, v3;
	v53 =	vperm.xlane v45, v3  }
0x142: {  	v46 =	vadd.f32 v51, v46;
	v51 =	vperm.xlane v44, v3;
	v49 =	vsub.f32 $1.500000000e+00, v49  }
0x143: {  	v41 =	vadd.f32 v50, v41;
	v50 =	vperm.xlane v48, v3;
	v45 =	vadd.f32 v53, v45  }
0x144: {  	v44 =	vadd.f32 v51, v44;
	v53 =	vperm.xlane v47, v1;
	v49 =	vmul.f32 v52, v49  }
0x145: {  	v51 =	vperm.xlane v46, v1;
	v48 =	vadd.f32 v50, v48;
	v50 =	vperm.xlane v45, v1  }
0x146: {  	v47 =	vadd.f32 v53, v47;
	v52 =	vperm.xlane v41, v1;
	v42 =	vmul.f32 v49, v42  }
0x147: {  	v46 =	vadd.f32 v51, v46;
	v51 =	vperm.xlane v44, v1;
	v45 =	vadd.f32 v50, v45  }
0x148: {  	v41 =	vadd.f32 v52, v41;
	v50 =	vperm.xlane v48, v1;
	v42 =	vmul.f32 v42, v49  }
0x149: {  	v44 =	vadd.f32 v51, v44;
	v46 =	vmul.f32 $1.562500000e-02, v46;
	v47 =	vmul.f32 $1.562500000e-02, v47  }
0x14a: {  	v48 =	vadd.f32 v50, v48;
	v45 =	vmul.f32 $1.562500000e-02, v45;
	v42 =	vsub.f32 $1.500000000e+00, v42  }
0x14b: {  	v41 =	vmul.f32 $1.562500000e-02, v41;
	v50 =	vmul.f32 v47, v47;
	v28 =	vsub.f32 v28, v47  }
0x14c: {  	v44 =	vmul.f32 $1.562500000e-02, v44;
	v29 =	vsub.f32 v29, v47;
	v42 =	vmul.f32 v42, v49  }
0x14d: {  	v41 =	vsub.f32 v41, v50;
	v48 =	vmul.f32 $1.562500000e-02, v48;
	v49 =	vmul.f32 v46, v46  }
0x14e: {  	v40 =	vsub.f32 v40, v43;
	v50 =	vmul.f32 v45, v45;
	v51 =	vmul.f32 v42, v8  }
0x14f: {  	v41 =	vadd.f32 $9.999999740e-06, v41;
	v44 =	vsub.f32 v44, v49;
	v49 =	vmul.f32 v42, v5  }
0x150: {  	v48 =	vsub.f32 v48, v50;
	v50 =	vmul.f32 v42, v6;
	v40 =	vmul.f32 v51, v40  }
0x151: {  	v52 =	vmul.f32 $5.000000000e-01, v41;
	v51 =	vshra.s32 v41, $0x1;
	v41 =	vadd.f32 $9.999999740e-06, v44  }
0x152: {  	v48 =	vadd.f32 $9.999999740e-06, v48;
	v44 =	vsub.s32 $0x5F3759DF, v51;
	v40 =	vadd.f32 v40, v12  }
0x153: {  	v51 =	vmul.f32 v44, v52;
	v53 =	vshra.s32 v41, $0x1;
	v54 =	vmul.f32 $5.000000000e-01, v41  }
0x154: {  	s10 =	simm.s32 $0x0;
	s6 =	simm.s32 $0x80;
	v41 =	vshra.s32 v48, $0x1;
	v48 =	vmul.f32 $5.000000000e-01, v48;
	v53 =	vsub.s32 $0x5F3759DF, v53;
	[tilespmem:s11+$0x70] =	vst v40  }
0x155: {  	v55 =	vsub.s32 $0x5F3759DF, v41;
	v40 =	vmul.f32 v44, v51;
	v51 =	vmul.f32 v53, v54  }
0x156: {  	v56 =	vmul.f32 v42, v7;
	v41 =	vsub.f32 v30, v47;
	v30 =	vmul.f32 v55, v48  }
0x157: {  	v42 =	vsub.f32 v31, v47;
	v57 =	vsub.f32 $1.500000000e+00, v40;
	v31 =	vmul.f32 v53, v51  }
0x158: {  	v40 =	vsub.f32 v35, v46;
	v35 =	vsub.f32 v36, v46;
	v30 =	vmul.f32 v55, v30  }
0x159: {  	v36 =	vsub.f32 v34, v46;
	v44 =	vmul.f32 v44, v57;
	v31 =	vsub.f32 $1.500000000e+00, v31  }
0x15a: {  	v34 =	vsub.f32 v38, v46;
	v30 =	vsub.f32 $1.500000000e+00, v30  }
0x15b: {  	v33 =	vsub.f32 v33, v45;
	v38 =	vmul.f32 v44, v52;
	v46 =	vmul.f32 v53, v31  }
0x15c: {  	v32 =	vsub.f32 v32, v45;
	v47 =	vmul.f32 v55, v30;
	v30 =	vsub.f32 v39, v45  }
0x15d: {  	v31 =	vsub.f32 v37, v45;
	v38 =	vmul.f32 v38, v44;
	v39 =	vmul.f32 v46, v54  }
0x15e: {  	v25 =	vsub.f32 v25, v43;
	v26 =	vsub.f32 v26, v43;
	v37 =	vmul.f32 v47, v48  }
0x15f: {  	v27 =	vsub.f32 v27, v43;
	v38 =	vsub.f32 $1.500000000e+00, v38;
	v39 =	vmul.f32 v39, v46  }
0x160: {  	v43 =	vadd.f32 v24, v9;
	v25 =	vmul.f32 v49, v25;
	v37 =	vmul.f32 v37, v47  }
0x161: {  	v26 =	vmul.f32 v50, v26;
	v38 =	vmul.f32 v38, v44;
	v44 =	vsub.f32 $1.500000000e+00, v39  }
0x162: {  	v21 =	vadd.f32 v21, v10;
	v24 =	vmul.f32 v56, v27;
	v37 =	vsub.f32 $1.500000000e+00, v37;
	[tilespmem:s19+$0xFFFFFFC0] =	vst v43  }
0x163: {  	v23 =	vadd.f32 v23, v11;
	v39 =	vmul.f32 v38, v5;
	v44 =	vmul.f32 v44, v46  }
.Ltmp3:
0x164: {  	v20 =	vadd.f32 v20, v12;
	v46 =	vmul.f32 v38, v6;
	v43 =	vmul.f32 v37, v47;
	[tilespmem:s19+$0xFFFFFFD0] =	vst v21;
	(pc) =	sbr.rel @p2 .LBB2_8-.Ltmp3, $4  }
0x165: {  	v45 =	vmul.f32 v38, v7;
	v38 =	vmul.f32 v38, v8;
	[tilespmem:s19+$0xFFFFFFE0] =	vst v23;
	v23 =	vadd.f32 v22, v9  }
0x166: {  	v37 =	vadd.f32 v18, v10;
	v27 =	vmul.f32 v44, v5;
	v21 =	vmul.f32 v44, v6;
	[tilespmem:s19+$0xFFFFFFF0] =	vst v20  }
0x167: {  	v22 =	vmul.f32 v44, v7;
	v20 =	vmul.f32 v44, v8;
	[tilespmem:s19+$0x0] =	vst v23;
	v23 =	vadd.f32 v19, v11  }
0x168: {  	v17 =	vadd.f32 v17, v12;
	s11 =	sadd.s32 $0x100, s11;
	v18 =	vmul.f32 v43, v6;
	v19 =	vmul.f32 v43, v5;
	[tilespmem:s19+$0x10] =	vst v37  }
0x169: {  	v13 =	vadd.f32 v25, v9;
	[tilespmem:s19+$0x20] =	vst v23  }
0x16a: {  	v14 =	vmul.f32 v39, v28;
	v15 =	vadd.f32 v26, v10;
	[tilespmem:s19+$0x30] =	vst v17  }
0x16b: {  	v16 =	vmul.f32 v46, v29;
	[tilespmem:s20+$0x40] =	vst v13;
	v13 =	vadd.f32 v24, v11  }
0x16c: {  	v17 =	vmul.f32 v45, v41;
	v14 =	vadd.f32 v14, v9;
	[tilespmem:s20+$0x50] =	vst v15  }
0x16d: {  	v23 =	vmul.f32 v38, v42;
	v16 =	vadd.f32 v16, v10;
	[tilespmem:s20+$0x60] =	vst v13  }
0x16e: {  	v24 =	vmul.f32 v27, v40;
	[tilespmem:s20+$0xFFFFFF80] =	vst v14;
	v14 =	vadd.f32 v17, v11  }
0x16f: {  	v17 =	vmul.f32 v21, v35;
	[tilespmem:s20+$0xFFFFFF90] =	vst v16;
	v16 =	vadd.f32 v23, v12  }
0x170: {  	v21 =	vmul.f32 v22, v36;
	[tilespmem:s20+$0xFFFFFFA0] =	vst v14;
	v14 =	vadd.f32 v24, v9  }
0x171: {  	v20 =	vmul.f32 v20, v34;
	[tilespmem:s20+$0xFFFFFFB0] =	vst v16;
	v16 =	vadd.f32 v17, v10  }
0x172: {  	[tilespmem:s20+$0xFFFFFFC0] =	vst v14;
	v14 =	vadd.f32 v21, v11  }
0x173: {  	[tilespmem:s20+$0xFFFFFFD0] =	vst v16;
	v16 =	vadd.f32 v20, v12  }
0x174: {  	[tilespmem:s20+$0xFFFFFFE0] =	vst v14  }
0x175: {  	[tilespmem:s20+$0xFFFFFFF0] =	vst v16  }
0x176: {  	s2 =	simm.s32 $0x1;
	v13 =	vmul.f32 v43, v8;
	v4 =	vld [tilespmem:$0x1FFF0]  }
0x177: {  	v19 =	vmul.f32 v19, v33;
	v17 =	vmov s2  }
0x178: {  	v13 =	vmul.f32 v13, v31;
	v17 =	vand.u32 $0x3F, v17;
	v21 =	vmov s10  }
0x179: {  	v15 =	vmul.f32 v43, v7;
	v26 =	vbroadcast v17, $0x0;
	v20 =	vand.u32 $0x3E, v21  }
0x17a: {  	v18 =	vmul.f32 v18, v32;
	v13 =	vadd.f32 v13, v12;
	v27 =	vbroadcast v20, $0x0  }
0x17b: {  	v15 =	vmul.f32 v15, v30;
	v14 =	vadd.f32 v19, v9;
	v17 =	vor.u32 v4, v26  }
0x17c: {  	v16 =	vadd.f32 v18, v10;
	[tilespmem:s20+$0x30] =	vst v13;
	v18 =	vor.u32 v4, v27  }
0x17d: {  	[tilespmem:s20+$0x0] =	vst v14;
	v14 =	vadd.f32 v15, v11  }
0x17e: {  	[tilespmem:s20+$0x10] =	vst v16  }
0x17f: {  	[tilespmem:s20+$0x20] =	vst v14  }
0x180: {  	v15 =	vor.u32 $0x400, v4;
	v13 =	vld.idx.msk [tilespmem:v17+s22+$0x0], $0xffff  }
0x181: {  	v16 =	vor.u32 v15, v26;
	v14 =	vld.idx.msk [tilespmem:v18+s22+$0x0], $0xffff  }
0x182: {  	s17 =	simm.s32 $0x0;
	v17 =	vor.u32 v15, v27  }
0x183: {  	s6 =	sand.u32 $0x380, s6;
	s2 =	sand.u32 $0x1C00, s17  }
0x184: {  	s19 =	simm.s32 $0x3;
	s10 =	sor.u32 s6, s2  }
0x185: {  	s20 =	simm.s32 $0x2;
	[tilespmem:s10+$0x4100] =	vst v13;
	v13 =	vmov s19  }
0x186: {  	[tilespmem:s1+$0xFFFFFFC0] =	vst v14;
	v14 =	vmov s20;
	v18 =	vld.idx.msk [tilespmem:v16+s22+$0x0], $0xffff;
	v13 =	vand.u32 $0x3F, v13;
	v16 =	vor.u32 $0x800, v4  }
0x187: {  	v14 =	vand.u32 $0x3E, v14;
	v17 =	vld.idx.msk [tilespmem:v17+s22+$0x0], $0xffff;
	v22 =	vbroadcast v13, $0x0;
	v13 =	vor.u32 v16, v26  }
0x188: {  	v23 =	vbroadcast v14, $0x0;
	v19 =	vor.u32 v16, v27  }
0x189: {  	v20 =	vor.u32 v4, v22  }
0x18a: {  	v21 =	vor.u32 v4, v23  }
0x18b: {  	[tilespmem:s10+$0x4110] =	vst v18  }
0x18c: {  	v14 =	vor.u32 $0xC00, v4;
	[tilespmem:s1+$0xFFFFFFD0] =	vst v17;
	v13 =	vld.idx.msk [tilespmem:v13+s22+$0x0], $0xffff  }
0x18d: {  	v18 =	vor.u32 v14, v26;
	v17 =	vld.idx.msk [tilespmem:v19+s22+$0x0], $0xffff  }
0x18e: {  	v19 =	vld.idx.msk [tilespmem:v20+s22+$0x0], $0xffff;
	v20 =	vor.u32 v14, v27  }
0x18f: {  	v24 =	vor.u32 v15, v22;
	v21 =	vld.idx.msk [tilespmem:v21+s22+$0x0], $0xffff  }
0x190: {  	s9 =	simm.s32 $0x180;
	s11 =	simm.s32 $0x100;
	v25 =	vor.u32 v15, v23  }
0x191: {  	s6 =	sand.u32 $0x1C00, s11;
	s2 =	sand.u32 $0x380, s9;
	[tilespmem:s10+$0x4120] =	vst v13  }
0x192: {  	s15 =	simm.s32 $0x5;
	s9 =	sor.u32 s2, s6;
	[tilespmem:s1+$0xFFFFFFE0] =	vst v17;
	v13 =	vor.u32 $0x1000, v4;
	v17 =	vld.idx.msk [tilespmem:v18+s22+$0x0], $0xffff  }
0x193: {  	s17 =	simm.s32 $0x4;
	s11 =	simm.s32 $0x4240;
	v28 =	vor.u32 v13, v26;
	[tilespmem:s9+$0x4100] =	vst v19;
	v18 =	vld.idx.msk [tilespmem:v20+s22+$0x0], $0xffff;
	v19 =	vmov s15  }
0x194: {  	v29 =	vor.u32 v13, v27;
	[tilespmem:s11+$0xFFFFFFC0] =	vst v21;
	v20 =	vmov s17;
	v24 =	vld.idx.msk [tilespmem:v24+s22+$0x0], $0xffff;
	v19 =	vand.u32 $0x3F, v19  }
0x195: {  	v20 =	vand.u32 $0x3E, v20;
	v25 =	vld.idx.msk [tilespmem:v25+s22+$0x0], $0xffff;
	v21 =	vbroadcast v19, $0x0;
	v19 =	vor.u32 v16, v22  }
0x196: {  	v30 =	vor.u32 v16, v23;
	v20 =	vbroadcast v20, $0x0  }
0x197: {  	v31 =	vor.u32 v4, v21;
	[tilespmem:s10+$0x4130] =	vst v17  }
0x198: {  	v47 =	vor.u32 v4, v20;
	v17 =	vor.u32 $0x1400, v4;
	[tilespmem:s1+$0xFFFFFFF0] =	vst v18;
	v18 =	vld.idx.msk [tilespmem:v28+s22+$0x0], $0xffff  }
0x199: {  	[tilespmem:s9+$0x4110] =	vst v24;
	v28 =	vld.idx.msk [tilespmem:v29+s22+$0x0], $0xffff;
	v29 =	vor.u32 v17, v26  }
0x19a: {  	s19 =	simm.s32 $0x6;
	[tilespmem:s11+$0xFFFFFFD0] =	vst v25;
	v25 =	vor.u32 v17, v27;
	v19 =	vld.idx.msk [tilespmem:v19+s22+$0x0], $0xffff  }
0x19b: {  	v48 =	vor.u32 v14, v22;
	v24 =	vmov s19;
	v30 =	vld.idx.msk [tilespmem:v30+s22+$0x0], $0xffff  }
0x19c: {  	v49 =	vor.u32 v14, v23;
	v24 =	vand.u32 $0x3E, v24;
	v31 =	vld.idx.msk [tilespmem:v31+s22+$0x0], $0xffff  }
0x19d: {  	v50 =	vor.u32 v15, v21;
	v24 =	vbroadcast v24, $0x0;
	v32 =	vld.idx.msk [tilespmem:v47+s22+$0x0], $0xffff;
	[tilespmem:s10+$0x4140] =	vst v18  }
0x19e: {  	s20 =	simm.s32 $0x280;
	s15 =	simm.s32 $0x200;
	v51 =	vor.u32 v15, v20;
	[tilespmem:s1+$0x0] =	vst v28;
	v28 =	vld.idx.msk [tilespmem:v29+s22+$0x0], $0xffff  }
0x19f: {  	s2 =	sand.u32 $0x380, s20;
	s6 =	sand.u32 $0x1C00, s15;
	v18 =	vor.u32 $0x1800, v4;
	v29 =	vor.u32 v4, v24;
	[tilespmem:s9+$0x4120] =	vst v19;
	v19 =	vld.idx.msk [tilespmem:v25+s22+$0x0], $0xffff  }
0x1a0: {  	s20 =	sor.u32 s2, s6;
	v52 =	vor.u32 v18, v26;
	[tilespmem:s11+$0xFFFFFFE0] =	vst v30;
	v30 =	vld.idx.msk [tilespmem:v48+s22+$0x0], $0xffff  }
0x1a1: {  	s17 =	simm.s32 $0x7;
	s19 =	simm.s32 $0x4340;
	v37 =	vor.u32 v18, v27;
	[tilespmem:s20+$0x4100] =	vst v31;
	v31 =	vld.idx.msk [tilespmem:v49+s22+$0x0], $0xffff  }
0x1a2: {  	v54 =	vor.u32 v13, v22;
	v25 =	vmov s17;
	[tilespmem:s19+$0xFFFFFFC0] =	vst v32;
	v53 =	vld.idx.msk [tilespmem:v50+s22+$0x0], $0xffff  }
0x1a3: {  	v55 =	vor.u32 v13, v23;
	v25 =	vand.u32 $0x3F, v25;
	v36 =	vld.idx.msk [tilespmem:v51+s22+$0x0], $0xffff  }
0x1a4: {  	v56 =	vor.u32 v16, v21;
	v25 =	vbroadcast v25, $0x0;
	v29 =	vld.idx.msk [tilespmem:v29+s22+$0x0], $0xffff;
	[tilespmem:s10+$0x4150] =	vst v28  }
0x1a5: {  	v28 =	vor.u32 v16, v20;
	[tilespmem:s1+$0x10] =	vst v19;
	v33 =	vld.idx.msk [tilespmem:v52+s22+$0x0], $0xffff  }
0x1a6: {  	v57 =	vor.u32 v4, v25;
	v19 =	vor.u32 $0x1C00, v4;
	[tilespmem:s9+$0x4130] =	vst v30;
	v30 =	vld.idx.msk [tilespmem:v37+s22+$0x0], $0xffff  }
0x1a7: {  	v26 =	vor.u32 v19, v26;
	[tilespmem:s11+$0xFFFFFFF0] =	vst v31;
	v34 =	vld.idx.msk [tilespmem:v54+s22+$0x0], $0xffff  }
0x1a8: {  	v27 =	vor.u32 v19, v27;
	[tilespmem:s20+$0x4110] =	vst v53;
	v35 =	vld.idx.msk [tilespmem:v55+s22+$0x0], $0xffff  }
0x1a9: {  	s15 =	simm.s32 $0x4440;
	v59 =	vor.u32 v17, v22;
	[tilespmem:s19+$0xFFFFFFD0] =	vst v36;
	v58 =	vld.idx.msk [tilespmem:v56+s22+$0x0], $0xffff  }
0x1aa: {  	s6 =	simm.s32 $0x8;
	v60 =	vor.u32 v17, v23;
	[tilespmem:s15+$0xFFFFFFC0] =	vst v29;
	v61 =	vld.idx.msk [tilespmem:v28+s22+$0x0], $0xffff  }
0x1ab: {  	v62 =	vor.u32 v14, v21;
	v39 =	vld.idx.msk [tilespmem:v57+s22+$0x0], $0xffff;
	v28 =	vmov s6;
	[tilespmem:s10+$0x4160] =	vst v33  }
0x1ac: {  	v63 =	vor.u32 v14, v20;
	[tilespmem:s1+$0x20] =	vst v30;
	v31 =	vld.idx.msk [tilespmem:v26+s22+$0x0], $0xffff;
	v26 =	vand.u32 $0x3E, v28  }
0x1ad: {  	v36 =	vor.u32 v15, v25;
	[tilespmem:s9+$0x4140] =	vst v34;
	v32 =	vld.idx.msk [tilespmem:v27+s22+$0x0], $0xffff;
	v26 =	vbroadcast v26, $0x0  }
0x1ae: {  	s2 =	simm.s32 $0x380;
	s17 =	simm.s32 $0x300;
	v28 =	vor.u32 v15, v24;
	[tilespmem:s11+$0x0] =	vst v35;
	v29 =	vld.idx.msk [tilespmem:v59+s22+$0x0], $0xffff  }
0x1af: {  	s6 =	sand.u32 $0x1C00, s17;
	s17 =	sand.u32 $0x380, s2;
	[tilespmem:s20+$0x4120] =	vst v58;
	v33 =	vld.idx.msk [tilespmem:v60+s22+$0x0], $0xffff;
	v37 =	vor.u32 v4, v26  }
0x1b0: {  	s6 =	sor.u32 s17, s6;
	v34 =	vor.u32 v18, v22;
	[tilespmem:s19+$0xFFFFFFE0] =	vst v61;
	v30 =	vld.idx.msk [tilespmem:v62+s22+$0x0], $0xffff  }
0x1b1: {  	s29 =	simm.s32 $0x9;
	s17 =	simm.s32 $0xA;
	v27 =	vor.u32 v18, v23;
	[tilespmem:s6+$0x4100] =	vst v39;
	v35 =	vld.idx.msk [tilespmem:v63+s22+$0x0], $0xffff  }
.LBB2_10:
0x1b2: {  	p2 =	slt.u32 s17, $0x3E;
	v38 =	vmov s29;
	v36 =	vld.idx.msk [tilespmem:v36+s22+$0x0], $0xffff;
	v39 =	vor.u32 v13, v20;
	v40 =	vor.u32 v13, v21;
	[tilespmem:s10+$0x4170] =	vst v31;
	s10 =	smov.u32 s9;
	s9 =	smov.u32 s20  }
0x1b3: {  	v31 =	vand.u32 $0x3F, v38;
	v28 =	vld.idx.msk [tilespmem:v28+s22+$0x0], $0xffff;
	[tilespmem:s1+$0x30] =	vst v32;
	s1 =	smov.u32 s11;
	s11 =	smov.u32 s19;
	s19 =	smov.u32 s15  }
0x1b4: {  	s20 =	smov.u32 s6;
	v38 =	vor.u32 v16, v25;
	v32 =	vld.idx.msk [tilespmem:v37+s22+$0x0], $0xffff;
	v31 =	vbroadcast v31, $0x0;
	v37 =	vor.u32 v16, v24;
	[tilespmem:s10+$0x4150] =	vst v29  }
0x1b5: {  	[tilespmem:s1+$0x10] =	vst v33;
	v29 =	vld.idx.msk [tilespmem:v34+s22+$0x0], $0xffff  }
0x1b6: {  	v33 =	vor.u32 v4, v31;
	[tilespmem:s9+$0x4130] =	vst v30;
	v27 =	vld.idx.msk [tilespmem:v27+s22+$0x0], $0xffff  }
0x1b7: {  	v34 =	vor.u32 v19, v23;
	[tilespmem:s11+$0xFFFFFFF0] =	vst v35;
	v30 =	vld.idx.msk [tilespmem:v40+s22+$0x0], $0xffff;
	v35 =	vor.u32 v19, v22;
	v22 =	vmov v21  }
0x1b8: {  	v23 =	vmovc v20;
	v20 =	vmov v24;
	v21 =	vmov v25;
	v25 =	vmov v31;
	[tilespmem:s20+$0x4110] =	vst v36;
	v39 =	vld.idx.msk [tilespmem:v39+s22+$0x0], $0xffff  }
0x1b9: {  	s15 =	sadd.s32 $0x100, s15;
	v24 =	vmov v26;
	v40 =	vor.u32 v17, v23;
	v41 =	vor.u32 v17, v22;
	[tilespmem:s19+$0xFFFFFFD0] =	vst v28;
	v38 =	vld.idx.msk [tilespmem:v38+s22+$0x0], $0xffff  }
0x1ba: {  	[tilespmem:s15+$0xFFFFFFC0] =	vst v32;
	v42 =	vld.idx.msk [tilespmem:v37+s22+$0x0], $0xffff  }
0x1bb: {  	v26 =	vmov s17;
	v44 =	vor.u32 v14, v20;
	v45 =	vor.u32 v14, v21;
	v43 =	vld.idx.msk [tilespmem:v33+s22+$0x0], $0xffff;
	[tilespmem:s10+$0x4160] =	vst v29  }
0x1bc: {  	v26 =	vand.u32 $0x3E, v26;
	[tilespmem:s1+$0x20] =	vst v27;
	v31 =	vld.idx.msk [tilespmem:v35+s22+$0x0], $0xffff  }
.Ltmp4:
0x1bd: {  	s2 =	sadd.s32 $0x100, s2;
	v26 =	vbroadcast v26, $0x0;
	v36 =	vor.u32 v15, v25;
	v28 =	vor.u32 v15, v24;
	[tilespmem:s9+$0x4140] =	vst v30;
	v32 =	vld.idx.msk [tilespmem:v34+s22+$0x0], $0xffff;
	(pc) =	sbr.rel @p2 .LBB2_10-.Ltmp4, $4  }
0x1be: {  	s6 =	sadd.s32 $0xFFFFFF80, s2;
	[tilespmem:s11+$0x0] =	vst v39;
	v29 =	vld.idx.msk [tilespmem:v41+s22+$0x0], $0xffff  }
0x1bf: {  	s29 =	sand.u32 $0x380, s2;
	s6 =	sand.u32 $0x1C00, s6;
	v37 =	vor.u32 v4, v26;
	[tilespmem:s20+$0x4120] =	vst v38;
	v33 =	vld.idx.msk [tilespmem:v40+s22+$0x0], $0xffff  }
0x1c0: {  	s6 =	sor.u32 s29, s6;
	v27 =	vor.u32 v18, v23;
	v34 =	vor.u32 v18, v22;
	[tilespmem:s19+$0xFFFFFFE0] =	vst v42;
	v30 =	vld.idx.msk [tilespmem:v45+s22+$0x0], $0xffff  }
0x1c1: {  	s29 =	sadd.s32 $0x1, s17;
	s17 =	sadd.s32 $0x2, s17;
	[tilespmem:s6+$0x4100] =	vst v43;
	v35 =	vld.idx.msk [tilespmem:v44+s22+$0x0], $0xffff  }
0x1c2: {  	v38 =	vmov s29  }
0x1c3: {  	v38 =	vand.u32 $0x3F, v38  }
0x1c4: {  	v38 =	vbroadcast v38, $0x0;
	_ =	sdelay $0x1  }
0x1c5: {  	v39 =	vor.u32 v4, v38;
	_ =	sdelay $0x2  }
0x1c6: {  	[tilespmem:s10+$0x4170] =	vst v31;
	v31 =	vld.idx.msk [tilespmem:v37+s22+$0x0], $0xffff  }
0x1c7: {  	[tilespmem:s1+$0x30] =	vst v32;
	v56 =	vor.u32 v15, v26  }
0x1c8: {  	v39 =	vld.idx.msk [tilespmem:v39+s22+$0x0], $0xffff;
	[tilespmem:$0x1FFB0] =	vst v15  }
0x1c9: {  	s2 =	sadd.s32 $0x100, s2;
	v55 =	vor.u32 v15, v38;
	[tilespmem:s9+$0x4150] =	vst v29  }
0x1ca: {  	s10 =	sadd.s32 $0x100, s15;
	s29 =	sadd.s32 $0xFFFFFF80, s2;
	v29 =	vld.idx.msk [tilespmem:v36+s22+$0x0], $0xffff;
	[tilespmem:s11+$0x10] =	vst v33  }
0x1cb: {  	s2 =	sand.u32 $0x380, s2;
	s1 =	sand.u32 $0x1C00, s29;
	v28 =	vld.idx.msk [tilespmem:v28+s22+$0x0], $0xffff;
	[tilespmem:s10+$0xFFFFFFC0] =	vst v31  }
0x1cc: {  	v57 =	vor.u32 v16, v25;
	s1 =	sor.u32 s2, s1;
	[tilespmem:s20+$0x4130] =	vst v30;
	v30 =	vld.idx.msk [tilespmem:v56+s22+$0x0], $0xffff  }
0x1cd: {  	v58 =	vor.u32 v16, v24;
	v34 =	vld.idx.msk [tilespmem:v34+s22+$0x0], $0xffff;
	[tilespmem:s1+$0x4100] =	vst v39  }
0x1ce: {  	v60 =	vor.u32 v16, v26;
	[tilespmem:s19+$0xFFFFFFF0] =	vst v35;
	v31 =	vld.idx.msk [tilespmem:v55+s22+$0x0], $0xffff  }
0x1cf: {  	v59 =	vor.u32 v16, v38;
	v27 =	vld.idx.msk [tilespmem:v27+s22+$0x0], $0xffff;
	[tilespmem:s6+$0x4110] =	vst v29  }
0x1d0: {  	v61 =	vor.u32 v13, v21;
	[tilespmem:s15+$0xFFFFFFD0] =	vst v28  }
0x1d1: {  	v29 =	vor.u32 v13, v20;
	v28 =	vld.idx.msk [tilespmem:v57+s22+$0x0], $0xffff;
	[tilespmem:s10+$0xFFFFFFD0] =	vst v30  }
0x1d2: {  	v62 =	vld.idx.msk [tilespmem:v58+s22+$0x0], $0xffff;
	[tilespmem:s9+$0x4160] =	vst v34  }
0x1d3: {  	v63 =	vor.u32 v14, v25;
	v40 =	vld.idx.msk [tilespmem:v60+s22+$0x0], $0xffff;
	[tilespmem:s1+$0x4110] =	vst v31  }
0x1d4: {  	[tilespmem:s11+$0x20] =	vst v27;
	v31 =	vor.u32 v14, v24;
	v30 =	vld.idx.msk [tilespmem:v59+s22+$0x0], $0xffff  }
0x1d5: {  	v41 =	vor.u32 v14, v38;
	v42 =	vld.idx.msk [tilespmem:v61+s22+$0x0], $0xffff;
	[tilespmem:$0x1FFC0] =	vst v14  }
0x1d6: {  	v27 =	vor.u32 v14, v26;
	v29 =	vld.idx.msk [tilespmem:v29+s22+$0x0], $0xffff;
	[tilespmem:s6+$0x4120] =	vst v28  }
0x1d7: {  	v22 =	vor.u32 v19, v22;
	[tilespmem:s15+$0xFFFFFFE0] =	vst v62  }
0x1d8: {  	v23 =	vor.u32 v19, v23;
	[tilespmem:s10+$0xFFFFFFE0] =	vst v40;
	v28 =	vld.idx.msk [tilespmem:v63+s22+$0x0], $0xffff  }
0x1d9: {  	v43 =	vor.u32 v13, v25;
	v31 =	vld.idx.msk [tilespmem:v31+s22+$0x0], $0xffff;
	[tilespmem:s1+$0x4120] =	vst v30  }
0x1da: {  	[tilespmem:s20+$0x4140] =	vst v42;
	v30 =	vor.u32 v13, v24;
	v44 =	vld.idx.msk [tilespmem:v41+s22+$0x0], $0xffff  }
0x1db: {  	v45 =	vor.u32 v13, v38;
	v27 =	vld.idx.msk [tilespmem:v27+s22+$0x0], $0xffff;
	[tilespmem:s19+$0x0] =	vst v29  }
0x1dc: {  	v22 =	vld.idx.msk [tilespmem:v22+s22+$0x0], $0xffff;
	v29 =	vor.u32 v13, v26;
	[tilespmem:$0x1FFD0] =	vst v13  }
0x1dd: {  	v46 =	vor.u32 v17, v21;
	v23 =	vld.idx.msk [tilespmem:v23+s22+$0x0], $0xffff;
	[tilespmem:s6+$0x4130] =	vst v28  }
0x1de: {  	v28 =	vor.u32 v17, v20;
	[tilespmem:s15+$0xFFFFFFF0] =	vst v31;
	v31 =	vld.idx.msk [tilespmem:v43+s22+$0x0], $0xffff  }
0x1df: {  	v47 =	vor.u32 v17, v25;
	v30 =	vld.idx.msk [tilespmem:v30+s22+$0x0], $0xffff;
	[tilespmem:s1+$0x4130] =	vst v44  }
0x1e0: {  	v48 =	vor.u32 v17, v24;
	[tilespmem:s10+$0xFFFFFFF0] =	vst v27;
	v27 =	vld.idx.msk [tilespmem:v45+s22+$0x0], $0xffff  }
0x1e1: {  	[tilespmem:s9+$0x4170] =	vst v22;
	v22 =	vld.idx.msk [tilespmem:v29+s22+$0x0], $0xffff;
	v29 =	vor.u32 v17, v38  }
0x1e2: {  	v49 =	vld.idx.msk [tilespmem:v46+s22+$0x0], $0xffff;
	[tilespmem:s11+$0x30] =	vst v23;
	v23 =	vor.u32 v17, v26  }
0x1e3: {  	v50 =	vor.u32 v18, v21;
	v28 =	vld.idx.msk [tilespmem:v28+s22+$0x0], $0xffff;
	[tilespmem:s6+$0x4140] =	vst v31  }
0x1e4: {  	v31 =	vor.u32 v18, v20;
	[tilespmem:s15+$0x0] =	vst v30;
	v30 =	vld.idx.msk [tilespmem:v47+s22+$0x0], $0xffff  }
0x1e5: {  	v51 =	vor.u32 v18, v25;
	v32 =	vld.idx.msk [tilespmem:v48+s22+$0x0], $0xffff;
	[tilespmem:s1+$0x4140] =	vst v27  }
0x1e6: {  	[tilespmem:s10+$0x0] =	vst v22;
	v27 =	vor.u32 v18, v24;
	v22 =	vld.idx.msk [tilespmem:v29+s22+$0x0], $0xffff  }
0x1e7: {  	[tilespmem:s20+$0x4150] =	vst v49;
	v23 =	vld.idx.msk [tilespmem:v23+s22+$0x0], $0xffff;
	v29 =	vor.u32 v18, v38  }
0x1e8: {  	v52 =	vor.u32 v18, v26;
	[tilespmem:s19+$0x10] =	vst v28;
	v28 =	vld.idx.msk [tilespmem:v50+s22+$0x0], $0xffff  }
0x1e9: {  	v21 =	vor.u32 v19, v21;
	v31 =	vld.idx.msk [tilespmem:v31+s22+$0x0], $0xffff;
	[tilespmem:s6+$0x4150] =	vst v30  }
0x1ea: {  	v20 =	vor.u32 v19, v20;
	[tilespmem:s15+$0x10] =	vst v32;
	v30 =	vld.idx.msk [tilespmem:v51+s22+$0x0], $0xffff  }
0x1eb: {  	v25 =	vor.u32 v19, v25;
	v27 =	vld.idx.msk [tilespmem:v27+s22+$0x0], $0xffff;
	[tilespmem:s1+$0x4150] =	vst v22  }
0x1ec: {  	v22 =	vor.u32 v19, v24;
	[tilespmem:s10+$0x10] =	vst v23;
	v23 =	vld.idx.msk [tilespmem:v29+s22+$0x0], $0xffff  }
0x1ed: {  	[tilespmem:s20+$0x4160] =	vst v28;
	v28 =	vor.u32 v19, v38;
	v24 =	vld.idx.msk [tilespmem:v52+s22+$0x0], $0xffff  }
0x1ee: {  	v26 =	vor.u32 v19, v26;
	[tilespmem:s19+$0x20] =	vst v31;
	v21 =	vld.idx.msk [tilespmem:v21+s22+$0x0], $0xffff  }
0x1ef: {  	v20 =	vld.idx.msk [tilespmem:v20+s22+$0x0], $0xffff;
	[tilespmem:s6+$0x4160] =	vst v30  }
0x1f0: {  	[tilespmem:s15+$0x20] =	vst v27;
	v25 =	vld.idx.msk [tilespmem:v25+s22+$0x0], $0xffff  }
0x1f1: {  	v22 =	vld.idx.msk [tilespmem:v22+s22+$0x0], $0xffff;
	[tilespmem:s1+$0x4160] =	vst v23  }
0x1f2: {  	[tilespmem:s10+$0x20] =	vst v24;
	v23 =	vld.idx.msk [tilespmem:v28+s22+$0x0], $0xffff  }
0x1f3: {  	[tilespmem:s20+$0x4170] =	vst v21;
	v21 =	vld.idx.msk [tilespmem:v26+s22+$0x0], $0xffff  }
0x1f4: {  	[tilespmem:s19+$0x30] =	vst v20  }
0x1f5: {  	s17 =	sshll.u32 s3, $0x13;
	[tilespmem:s6+$0x4170] =	vst v25  }
0x1f6: {  	s6 =	sor.u32 s14, s17;
	[tilespmem:s15+$0x30] =	vst v22  }
0x1f7: {  	s19 =	sshrl.u32 s6, $0x3;
	[tilespmem:s1+$0x4170] =	vst v23  }
0x1f8: {  	s20 =	simm.s32 $0x4100;
	[tilespmem:s10+$0x30] =	vst v21;
	s1 =	sadd.s32 s4, s19  }
0x1f9: {  	[hbm4b:s1+s26] =	stream.strided.scatter [tilespmem:s20], [sflag:$0x5], $0x2000, s28, s26, $0x38;
	[tilespmem:$0xE600] =	vst v63  }
0x1fa: {  	_ =	swait.ge [sflag:s30], $0x2000  }
0x1fb: {  	[sflag:s30] =	ssyncset.done $0x0  }
0x1fc: {  	s1 =	simm.s32 @!p0 $0x3;
	[sflag:s30] =	ssyncadd.s32 $0xFFFFE000  }
0x1fd: {  	_ =	swait.ge @!p0 [sflag:s1], $0x80  }
0x1fe: {  	s2 =	simm.s32 @!p0 $0x0;
	[sflag:s1] =	ssyncset.done @!p0 $0x0  }
0x1ff: {  	s6 =	simm.s32 @!p0 $0x100;
	[sflag:s1] =	ssyncadd.s32 @!p0 $0xFFFFFF80;
	s1 =	simm.s32 @!p0 $0x80  }
0x200: {  	[tilespmem:s6], [sflag:$0x1] =	stream.indirect.gather @!p0 [hbm4b:s8+s1], $0x40, s2, s1, $0xb8;
	[tilespmem:$0xE600] =	vst v63  }
0x201: {  	s6 =	sadd.s32 @!p0 s13, s18  }
0x202: {  	s6 =	sshrl.u32 @!p0 s6, $0x3  }
0x203: {  	s6 =	sadd.s32 @!p0 s7, s6  }
0x204: {  	[tilespmem:s1], [sflag:$0x4] =	stream.linear.gather @!p0 [hbm4b:s6+s2], $0x80, $0x38;
	[tilespmem:$0xE600] =	vst v63  }
0x205: {  	p0 =	por p0, !p1  }
0x206: {  	_ =	swait.ge @p0 [sflag:s5], $0x2000  }
0x207: {  	s29 =	sshll.u32 s16, $0x6;
	[sflag:s5] =	ssyncset.done @p0 $0x0  }
0x208: {  	s1 =	sand.u32 $0x3FFFFFC0, s29;
	[sflag:s5] =	ssyncadd.s32 @p0 $0xFFFFE000  }
0x209: {  	v20 =	vld [tilespmem:s1+$0x8100]  }
0x20a: {  	v21 =	vld [tilespmem:s1+$0x8110]  }
0x20b: {  	v22 =	vld [tilespmem:s1+$0x8120]  }
0x20c: {  	s18 =	simm.s32 $0x21F0;
	v23 =	vld [tilespmem:s1+$0x8130]  }
0x20d: {  	v24 =	vld [tilespmem:s18+$0xFFFFFFD0]  }
0x20e: {  	v26 =	vld [tilespmem:s18+$0xFFFFFFE0]  }
0x20f: {  	v27 =	vld [tilespmem:s18+$0xFFFFFFF0]  }
0x210: {  	v28 =	vld [tilespmem:s18+$0x0]  }
0x211: {  	v29 =	vld [tilespmem:s18+$0xFFFFFF20]  }
0x212: {  	v30 =	vld [tilespmem:s18+$0xFFFFFF30]  }
0x213: {  	v31 =	vld [tilespmem:s18+$0xFFFFFF40]  }
0x214: {  	v53 =	vld [tilespmem:s18+$0xFFFFFF50]  }
0x215: {  	v54 =	vld [tilespmem:s18+$0xFFFFFF60]  }
0x216: {  	v55 =	vld [tilespmem:s18+$0xFFFFFF80]  }
0x217: {  	v47 =	vld [tilespmem:s18+$0xFFFFFF10];
	v25 =	vadd.f32 v24, v20;
	v26 =	vadd.f32 v26, v21  }
0x218: {  	v27 =	vadd.f32 v27, v22;
	v38 =	vadd.f32 v28, v23  }
0x219: {  	v24 =	vadd.f32 v29, v21;
	v36 =	vadd.f32 v30, v22  }
0x21a: {  	v37 =	vadd.f32 v31, v23;
	v35 =	vadd.f32 v53, v20  }
0x21b: {  	v34 =	vadd.f32 v54, v21;
	v32 =	vadd.f32 v55, v23  }
0x21c: {  	v39 =	vadd.f32 v47, v20;
	v57 =	vmul.f32 v25, v25;
	v40 =	vmul.f32 v26, v26  }
0x21d: {  	v28 =	vld [tilespmem:s18+$0xFFFFFF70];
	v29 =	vadd.f32 v26, v25;
	v41 =	vmul.f32 v27, v27;
	v42 =	vmul.f32 v38, v38  }
0x21e: {  	v30 =	vld [tilespmem:s18+$0xFFFFFF90];
	v56 =	vadd.f32 v38, v27;
	v43 =	vmul.f32 v24, v24;
	v48 =	vmul.f32 v35, v35  }
0x21f: {  	v31 =	vld [tilespmem:s18+$0xFFFFFFA0];
	v49 =	vadd.f32 v37, v36;
	v50 =	vmul.f32 v34, v34;
	v52 =	vadd.f32 v24, v39  }
0x220: {  	v46 =	vld [tilespmem:s18+$0xFFFFFFB0];
	v53 =	vmul.f32 v39, v39;
	v44 =	vadd.f32 v56, v29;
	v29 =	vadd.f32 v40, v57  }
0x221: {  	v58 =	vadd.f32 v42, v41;
	v49 =	vadd.f32 v49, v52  }
0x222: {  	v45 =	vmul.f32 v36, v36;
	v43 =	vadd.f32 v43, v53;
	v48 =	vadd.f32 v50, v48  }
0x223: {  	v41 =	vmul.f32 v37, v37;
	v33 =	vadd.f32 v28, v22;
	v30 =	vadd.f32 v30, v20  }
0x224: {  	v59 =	vld [tilespmem:s18+$0xFFFFFFC0];
	v40 =	vadd.f32 v58, v29;
	v28 =	vperm.xlane v44, v0;
	v29 =	vadd.f32 v31, v21  }
0x225: {  	v54 =	vmul.f32 v32, v32;
	v31 =	vadd.f32 v46, v22;
	v46 =	vadd.f32 v34, v35  }
0x226: {  	v41 =	vadd.f32 v41, v45;
	v44 =	vadd.f32 v44, v28;
	v60 =	vperm.xlane v40, v0  }
0x227: {  	v45 =	vperm.xlane v49, v0;
	v47 =	vmul.f32 v33, v33;
	v51 =	vadd.f32 v32, v33  }
0x228: {  	v57 =	vmul.f32 v30, v30;
	v40 =	vadd.f32 v40, v60;
	v61 =	vperm.xlane v44, v2  }
0x229: {  	v28 =	vadd.f32 v59, v23;
	v55 =	vadd.f32 v29, v30;
	v58 =	vmul.f32 v29, v29  }
0x22a: {  	v41 =	vadd.f32 v41, v43;
	v42 =	vadd.f32 v44, v61;
	v62 =	vperm.xlane v40, v2  }
0x22b: {  	v59 =	vmul.f32 v31, v31;
	v45 =	vadd.f32 v49, v45;
	v46 =	vadd.f32 v51, v46  }
0x22c: {  	v47 =	vadd.f32 v54, v47;
	v40 =	vadd.f32 v40, v62;
	v63 =	vperm.xlane v42, v3  }
0x22d: {  	v56 =	vadd.f32 v28, v31;
	v58 =	vadd.f32 v58, v57;
	v61 =	vmul.f32 v28, v28  }
0x22e: {  	v53 =	vperm.xlane v45, v2;
	v42 =	vadd.f32 v63, v42;
	v60 =	vperm.xlane v40, v3  }
0x22f: {  	v50 =	vperm.xlane v46, v0;
	v52 =	vadd.f32 v61, v59;
	v59 =	vadd.f32 v47, v48  }
0x230: {  	v56 =	vadd.f32 v56, v55;
	v40 =	vadd.f32 v60, v40;
	v62 =	vperm.xlane v42, v1  }
0x231: {  	v46 =	vadd.f32 v46, v50;
	v61 =	vadd.f32 v52, v58;
	v52 =	vperm.xlane v59, v0  }
0x232: {  	v45 =	vadd.f32 v45, v53;
	v42 =	vadd.f32 v62, v42;
	v63 =	vperm.xlane v40, v1  }
0x233: {  	v55 =	vperm.xlane v46, v2;
	v60 =	vperm.xlane v56, v0;
	v43 =	vadd.f32 v59, v52  }
0x234: {  	v54 =	vperm.xlane v61, v0;
	v40 =	vadd.f32 v63, v40;
	v42 =	vmul.f32 $1.562500000e-02, v42  }
0x235: {  	v44 =	vadd.f32 v56, v60;
	v59 =	vperm.xlane v43, v2;
	v63 =	vperm.xlane v41, v0  }
0x236: {  	v47 =	vadd.f32 v61, v54;
	v40 =	vmul.f32 $1.562500000e-02, v40;
	v62 =	vmul.f32 v42, v42  }
0x237: {  	v46 =	vadd.f32 v46, v55;
	v56 =	vperm.xlane v44, v2;
	v41 =	vadd.f32 v41, v63  }
0x238: {  	v60 =	vperm.xlane v47, v2;
	v43 =	vadd.f32 v43, v59;
	v40 =	vsub.f32 v40, v62  }
0x239: {  	v44 =	vadd.f32 v44, v56;
	v63 =	vperm.xlane v46, v3;
	v57 =	vperm.xlane v41, v2  }
0x23a: {  	v47 =	vadd.f32 v47, v60;
	v62 =	vperm.xlane v45, v3;
	v40 =	vadd.f32 $9.999999740e-06, v40  }
0x23b: {  	v59 =	vperm.xlane v43, v3;
	v46 =	vadd.f32 v63, v46;
	v41 =	vadd.f32 v41, v57  }
0x23c: {  	v45 =	vadd.f32 v62, v45;
	v58 =	vshra.s32 v40, $0x1;
	v40 =	vmul.f32 $5.000000000e-01, v40  }
0x23d: {  	v62 =	vperm.xlane v46, v1;
	v57 =	vperm.xlane v41, v3;
	v51 =	vsub.s32 $0x5F3759DF, v58  }
0x23e: {  	v43 =	vadd.f32 v59, v43;
	v60 =	vperm.xlane v45, v1;
	v61 =	vmul.f32 v51, v40  }
0x23f: {  	v46 =	vadd.f32 v62, v46;
	v58 =	vperm.xlane v44, v3;
	v41 =	vadd.f32 v57, v41  }
0x240: {  	v45 =	vadd.f32 v60, v45;
	v57 =	vperm.xlane v43, v1;
	v56 =	vmul.f32 v51, v61  }
0x241: {  	v44 =	vadd.f32 v58, v44;
	v61 =	vperm.xlane v47, v3;
	v63 =	vperm.xlane v41, v1  }
0x242: {  	v46 =	vmul.f32 $1.562500000e-02, v46;
	v45 =	vmul.f32 $1.562500000e-02, v45;
	v48 =	vsub.f32 $1.500000000e+00, v56  }
0x243: {  	v47 =	vadd.f32 v61, v47;
	v56 =	vperm.xlane v44, v1;
	v41 =	vadd.f32 v63, v41  }
0x244: {  	v43 =	vadd.f32 v57, v43;
	v60 =	vmul.f32 v46, v46;
	v59 =	vmul.f32 v45, v45  }
0x245: {  	v44 =	vadd.f32 v56, v44;
	v58 =	vperm.xlane v47, v1;
	v41 =	vmul.f32 $1.562500000e-02, v41  }
0x246: {  	v38 =	vsub.f32 v38, v42;
	v43 =	vmul.f32 $1.562500000e-02, v43;
	v48 =	vmul.f32 v51, v48  }
0x247: {  	v47 =	vadd.f32 v58, v47;
	v44 =	vmul.f32 $1.562500000e-02, v44;
	v41 =	vsub.f32 v41, v59  }
0x248: {  	v25 =	vsub.f32 v25, v42;
	v43 =	vsub.f32 v43, v60;
	v40 =	vmul.f32 v48, v40  }
0x249: {  	v47 =	vmul.f32 $1.562500000e-02, v47;
	v61 =	vmul.f32 v44, v44;
	v41 =	vadd.f32 $9.999999740e-06, v41  }
0x24a: {  	v26 =	vsub.f32 v26, v42;
	v43 =	vadd.f32 $9.999999740e-06, v43;
	v40 =	vmul.f32 v40, v48  }
0x24b: {  	v47 =	vsub.f32 v47, v61;
	v62 =	vshra.s32 v41, $0x1;
	v41 =	vmul.f32 $5.000000000e-01, v41  }
0x24c: {  	v56 =	vshra.s32 v43, $0x1;
	v43 =	vmul.f32 $5.000000000e-01, v43;
	v49 =	vsub.s32 $0x5F3759DF, v62  }
0x24d: {  	v51 =	vsub.s32 $0x5F3759DF, v56;
	v47 =	vadd.f32 $9.999999740e-06, v47;
	v63 =	vmul.f32 v49, v41  }
0x24e: {  	v27 =	vsub.f32 v27, v42;
	v40 =	vsub.f32 $1.500000000e+00, v40;
	v58 =	vmul.f32 v51, v43  }
0x24f: {  	v57 =	vshra.s32 v47, $0x1;
	v47 =	vmul.f32 $5.000000000e-01, v47;
	v50 =	vmul.f32 v49, v63  }
0x250: {  	v40 =	vmul.f32 v40, v48;
	v48 =	vmul.f32 v51, v58;
	v52 =	vsub.s32 $0x5F3759DF, v57  }
0x251: {  	v35 =	vsub.f32 v35, v46;
	v59 =	vmul.f32 v52, v47;
	v50 =	vsub.f32 $1.500000000e+00, v50  }
0x252: {  	v39 =	vsub.f32 v39, v45;
	v48 =	vsub.f32 $1.500000000e+00, v48  }
0x253: {  	v54 =	vsub.f32 v24, v45;
	v53 =	vmul.f32 v52, v59;
	v49 =	vmul.f32 v49, v50  }
0x254: {  	v36 =	vsub.f32 v36, v45;
	v60 =	vmul.f32 v40, v8;
	v48 =	vmul.f32 v51, v48  }
0x255: {  	v61 =	vmul.f32 v40, v5;
	v53 =	vsub.f32 $1.500000000e+00, v53;
	v41 =	vmul.f32 v49, v41  }
0x256: {  	v37 =	vsub.f32 v37, v45;
	v38 =	vmul.f32 v60, v38;
	v43 =	vmul.f32 v48, v43  }
0x257: {  	v30 =	vsub.f32 v30, v44;
	v63 =	vmul.f32 v52, v53;
	v41 =	vmul.f32 v41, v49  }
0x258: {  	v62 =	vmul.f32 v40, v6;
	v4 =	vadd.f32 v38, v12;
	v43 =	vmul.f32 v43, v48  }
0x259: {  	v40 =	vmul.f32 v40, v7;
	v51 =	vmul.f32 v63, v47;
	v41 =	vsub.f32 $1.500000000e+00, v41  }
0x25a: {  	[tilespmem:$0x1FF70] =	vst v4;
	v4 =	vmul.f32 v62, v26;
	v47 =	vmul.f32 v61, v25;
	v25 =	vsub.f32 $1.500000000e+00, v43  }
0x25b: {  	v57 =	vsub.f32 v29, v44;
	v52 =	vmul.f32 v51, v63;
	v41 =	vmul.f32 v41, v49  }
0x25c: {  	s19 =	simm.s32 $0x22F0;
	v38 =	vsub.f32 v33, v46;
	[tilespmem:$0x1FF60] =	vst v4;
	v49 =	vmul.f32 v40, v27;
	v25 =	vmul.f32 v25, v48  }
0x25d: {  	v45 =	vld [tilespmem:s19+$0xFFFFFFF0];
	v43 =	vsub.f32 v34, v46;
	v27 =	vmul.f32 v41, v5;
	v40 =	vmul.f32 v41, v6  }
0x25e: {  	v42 =	vld [tilespmem:s19+$0xFFFFFFD0];
	v26 =	vsub.f32 $1.500000000e+00, v52;
	v33 =	vmul.f32 v41, v8;
	v50 =	vmul.f32 v25, v6  }
0x25f: {  	v34 =	vld [tilespmem:s19+$0xFFFFFFE0];
	v46 =	vsub.f32 v32, v46;
	v52 =	vmul.f32 v25, v7;
	v55 =	vmul.f32 v25, v8  }
0x260: {  	v53 =	vld [tilespmem:s19+$0x0];
	v61 =	vsub.f32 v31, v44;
	v48 =	vmul.f32 v26, v63;
	v26 =	vmul.f32 v41, v7  }
0x261: {  	v32 =	vsub.f32 v28, v44;
	v41 =	vmul.f32 v25, v5;
	v60 =	vmul.f32 v27, v39  }
0x262: {  	v29 =	vld [tilespmem:s19+$0xFFFFFF20];
	v4 =	vadd.f32 v45, v22;
	v62 =	vmul.f32 v40, v54;
	v31 =	vmul.f32 v33, v37  }
0x263: {  	v44 =	vld [tilespmem:s19+$0xFFFFFF70];
	v51 =	vadd.f32 v42, v20;
	v14 =	vmul.f32 v50, v43;
	v13 =	vmul.f32 v52, v38  }
0x264: {  	v42 =	vld [tilespmem:s19+$0xFFFFFF60];
	v33 =	vadd.f32 v34, v21;
	v45 =	vmul.f32 v4, v4;
	v24 =	vmul.f32 v55, v46  }
0x265: {  	v37 =	vld [tilespmem:s19+$0xFFFFFF30];
	v34 =	vadd.f32 v53, v23;
	v56 =	vmul.f32 v48, v5;
	v58 =	vmul.f32 v48, v6  }
0x266: {  	v38 =	vld [tilespmem:s19+$0xFFFFFF50];
	v63 =	vmul.f32 v26, v36;
	v15 =	vmul.f32 v41, v35;
	v53 =	vadd.f32 v33, v51  }
0x267: {  	v35 =	vld [tilespmem:s19+$0xFFFFFF40];
	v54 =	vadd.f32 v34, v4;
	v41 =	vmul.f32 v51, v51;
	[tilespmem:$0x1FF80] =	vst v24;
	v24 =	vmul.f32 v56, v30  }
0x268: {  	v43 =	vmul.f32 v33, v33;
	v59 =	vmul.f32 v34, v34  }
0x269: {  	v36 =	vadd.f32 v29, v21;
	v46 =	vld [tilespmem:s19+$0xFFFFFF80];
	v39 =	vadd.f32 v54, v53;
	[tilespmem:$0x1FF90] =	vst v24;
	v24 =	vmul.f32 v58, v57  }
0x26a: {  	v41 =	vadd.f32 v43, v41;
	v56 =	vadd.f32 v59, v45  }
0x26b: {  	v62 =	vadd.f32 v62, v10;
	v31 =	vadd.f32 v31, v12;
	v52 =	vld [tilespmem:s19+$0xFFFFFF90];
	[tilespmem:$0x1FFA0] =	vst v24  }
0x26c: {  	v42 =	vadd.f32 v42, v21;
	v50 =	vperm.xlane v39, v0;
	v54 =	vadd.f32 v56, v41;
	v45 =	vld [tilespmem:s19+$0xFFFFFFA0]  }
0x26d: {  	v43 =	vadd.f32 v44, v22;
	v37 =	vadd.f32 v37, v22;
	v53 =	vld [tilespmem:s19+$0xFFFFFFB0]  }
0x26e: {  	v41 =	vadd.f32 v38, v20;
	v57 =	vadd.f32 v39, v50;
	v59 =	vperm.xlane v54, v0;
	v56 =	vld [tilespmem:s19+$0xFFFFFF10]  }
0x26f: {  	v40 =	vadd.f32 v35, v23;
	v50 =	vadd.f32 v46, v23;
	v58 =	vld [tilespmem:s19+$0xFFFFFFC0]  }
0x270: {  	v35 =	vmul.f32 v36, v36;
	v46 =	vperm.xlane v57, v2;
	v44 =	vadd.f32 v54, v59  }
0x271: {  	v55 =	vmul.f32 v37, v37;
	v59 =	vadd.f32 v40, v37;
	v27 =	vadd.f32 v50, v43  }
0x272: {  	v54 =	vmul.f32 v41, v41;
	v38 =	vadd.f32 v52, v20;
	v57 =	vadd.f32 v57, v46  }
0x273: {  	v52 =	vmul.f32 v40, v40;
	v39 =	vadd.f32 v45, v21;
	v46 =	vadd.f32 v53, v22  }
0x274: {  	v53 =	vadd.f32 v56, v20;
	v56 =	vperm.xlane v44, v2;
	v45 =	vadd.f32 v58, v23  }
0x275: {  	v58 =	vadd.f32 v42, v41;
	v24 =	vperm.xlane v57, v3;
	v52 =	vadd.f32 v52, v55  }
0x276: {  	v55 =	vmul.f32 v50, v50;
	v25 =	vadd.f32 v36, v53;
	v44 =	vadd.f32 v44, v56  }
0x277: {  	v26 =	vmul.f32 v53, v53;
	v56 =	vmul.f32 v42, v42;
	v24 =	vadd.f32 v24, v57  }
0x278: {  	v27 =	vadd.f32 v27, v58;
	v57 =	vperm.xlane v44, v3;
	v28 =	vadd.f32 v59, v25  }
0x279: {  	v30 =	vadd.f32 v35, v26;
	v35 =	vmul.f32 v43, v43;
	v59 =	vadd.f32 v39, v38  }
0x27a: {  	v58 =	vperm.xlane v24, v1;
	v29 =	vadd.f32 v56, v54;
	v54 =	vmul.f32 v38, v38  }
0x27b: {  	v56 =	vadd.f32 v47, v9;
	v47 =	vmul.f32 v46, v46;
	v44 =	vadd.f32 v57, v44  }
0x27c: {  	v25 =	vmul.f32 v48, v7;
	v57 =	vadd.f32 v45, v46;
	v35 =	vadd.f32 v55, v35  }
0x27d: {  	v55 =	vmul.f32 v39, v39;
	v26 =	vadd.f32 v58, v24;
	v24 =	vmul.f32 v45, v45  }
0x27e: {  	v61 =	vmul.f32 v25, v61;
	v25 =	vmul.f32 v48, v8;
	v58 =	vadd.f32 v57, v59  }
0x27f: {  	v48 =	vperm.xlane v28, v0;
	v55 =	vadd.f32 v55, v54;
	v57 =	vadd.f32 v49, v11  }
0x280: {  	v54 =	vadd.f32 v60, v9;
	v24 =	vadd.f32 v24, v47;
	v49 =	vperm.xlane v44, v1  }
0x281: {  	v60 =	vadd.f32 v63, v11;
	v29 =	vadd.f32 v35, v29  }
0x282: {  	v28 =	vadd.f32 v28, v48;
	v47 =	vadd.f32 v49, v44;
	v44 =	vmul.f32 $1.562500000e-02, v26  }
0x283: {  	v26 =	vadd.f32 v52, v30;
	v30 =	vperm.xlane v27, v0;
	v63 =	vperm.xlane v58, v0  }
0x284: {  	v49 =	vadd.f32 v24, v55;
	v24 =	vmul.f32 $1.562500000e-02, v47;
	v52 =	vmul.f32 v44, v44  }
0x285: {  	v55 =	vperm.xlane v26, v0;
	v27 =	vadd.f32 v27, v30;
	v30 =	vperm.xlane v29, v0  }
0x286: {  	v35 =	vadd.f32 v58, v63;
	v63 =	vperm.xlane v28, v2;
	v34 =	vsub.f32 v34, v44  }
0x287: {  	v58 =	vperm.xlane v49, v0;
	v47 =	vsub.f32 v24, v52;
	v26 =	vadd.f32 v26, v55  }
0x288: {  	v24 =	vmul.f32 v25, v32;
	v25 =	vadd.f32 v29, v30;
	v30 =	vperm.xlane v27, v2  }
0x289: {  	v28 =	vadd.f32 v28, v63;
	v32 =	vadd.f32 v49, v58;
	v63 =	vperm.xlane v35, v2  }
0x28a: {  	v29 =	vadd.f32 $9.999999740e-06, v47;
	v52 =	vperm.xlane v26, v2;
	v27 =	vadd.f32 v27, v30  }
0x28b: {  	v30 =	vperm.xlane v25, v2;
	v58 =	vperm.xlane v28, v3;
	v35 =	vadd.f32 v35, v63  }
0x28c: {  	v55 =	vshra.s32 v29, $0x1;
	v29 =	vmul.f32 $5.000000000e-01, v29;
	v26 =	vadd.f32 v26, v52  }
0x28d: {  	v47 =	vperm.xlane v32, v2;
	v25 =	vadd.f32 v25, v30;
	v49 =	vsub.s32 $0x5F3759DF, v55  }
0x28e: {  	v28 =	vadd.f32 v58, v28;
	v63 =	vmul.f32 v49, v29;
	v30 =	vperm.xlane v26, v3  }
0x28f: {  	v33 =	vsub.f32 v33, v44;
	v58 =	vperm.xlane v27, v3;
	v32 =	vadd.f32 v32, v47  }
0x290: {  	v47 =	vmul.f32 v49, v63;
	v26 =	vadd.f32 v30, v26;
	v30 =	vperm.xlane v28, v1  }
0x291: {  	v27 =	vadd.f32 v58, v27;
	v58 =	vperm.xlane v25, v3;
	v63 =	vperm.xlane v35, v3  }
0x292: {  	v47 =	vsub.f32 $1.500000000e+00, v47;
	v28 =	vadd.f32 v30, v28;
	v30 =	vperm.xlane v26, v1  }
0x293: {  	v59 =	vld [tilespmem:$0x1FF60];
	v25 =	vadd.f32 v58, v25;
	v35 =	vadd.f32 v63, v35;
	v63 =	vperm.xlane v32, v3  }
0x294: {  	v55 =	vperm.xlane v27, v1;
	v47 =	vmul.f32 v49, v47;
	v26 =	vadd.f32 v30, v26  }
0x295: {  	v28 =	vmul.f32 $1.562500000e-02, v28;
	v30 =	vadd.f32 v63, v32;
	v58 =	vperm.xlane v35, v1  }
0x296: {  	v27 =	vadd.f32 v55, v27;
	v63 =	vperm.xlane v25, v1;
	v26 =	vmul.f32 $1.562500000e-02, v26  }
0x297: {  	v52 =	vmul.f32 v28, v28;
	v32 =	vadd.f32 v58, v35;
	v55 =	vperm.xlane v30, v1  }
0x298: {  	v59 =	vadd.f32 v59, v10;
	v27 =	vmul.f32 $1.562500000e-02, v27;
	v29 =	vmul.f32 v47, v29  }
0x299: {  	v26 =	vsub.f32 v26, v52;
	v30 =	vadd.f32 v55, v30;
	v32 =	vmul.f32 $1.562500000e-02, v32  }
0x29a: {  	v25 =	vadd.f32 v63, v25;
	v35 =	vsub.f32 v53, v28;
	v29 =	vmul.f32 v29, v47  }
0x29b: {  	v26 =	vadd.f32 $9.999999740e-06, v26;
	v30 =	vmul.f32 $1.562500000e-02, v30;
	v63 =	vmul.f32 v32, v32  }
0x29c: {  	v58 =	vmul.f32 v27, v27;
	v36 =	vsub.f32 v36, v28;
	v29 =	vsub.f32 $1.500000000e+00, v29  }
0x29d: {  	v52 =	vshra.s32 v26, $0x1;
	v26 =	vmul.f32 $5.000000000e-01, v26;
	v30 =	vsub.f32 v30, v63  }
0x29e: {  	v49 =	vsub.f32 v40, v28;
	v29 =	vmul.f32 v29, v47;
	v52 =	vsub.s32 $0x5F3759DF, v52  }
0x29f: {  	v48 =	vsub.f32 v41, v27;
	v53 =	vmul.f32 v52, v26;
	v30 =	vadd.f32 $9.999999740e-06, v30  }
0x2a0: {  	v41 =	vsub.f32 v50, v27;
	v25 =	vmul.f32 $1.562500000e-02, v25;
	v55 =	vmul.f32 v29, v8  }
0x2a1: {  	v47 =	vmul.f32 v52, v53;
	v63 =	vshra.s32 v30, $0x1;
	v30 =	vmul.f32 $5.000000000e-01, v30  }
0x2a2: {  	v50 =	vld [tilespmem:$0x1FF70];
	[tilespmem:s18+$0xFFFFFFD0] =	vst v56;
	v25 =	vsub.f32 v25, v58;
	v34 =	vmul.f32 v55, v34;
	v63 =	vsub.s32 $0x5F3759DF, v63  }
0x2a3: {  	[tilespmem:s18+$0xFFFFFFE0] =	vst v59;
	v55 =	vsub.f32 $1.500000000e+00, v47;
	v47 =	vsub.f32 v37, v28;
	v28 =	vmul.f32 v63, v30  }
0x2a4: {  	v42 =	vsub.f32 v42, v27;
	[tilespmem:s18+$0xFFFFFFF0] =	vst v57;
	v25 =	vadd.f32 $9.999999740e-06, v25  }
0x2a5: {  	v59 =	vsub.f32 v51, v44;
	[tilespmem:s18+$0xFFFFFF20] =	vst v62;
	v62 =	vadd.f32 v15, v9;
	v28 =	vmul.f32 v63, v28  }
0x2a6: {  	[tilespmem:s18+$0xFFFFFF10] =	vst v54;
	v58 =	vshra.s32 v25, $0x1;
	v25 =	vmul.f32 $5.000000000e-01, v25;
	v37 =	vsub.f32 v43, v27  }
0x2a7: {  	[tilespmem:s18+$0xFFFFFF30] =	vst v60;
	v27 =	vmul.f32 v29, v6;
	v52 =	vmul.f32 v52, v55;
	v28 =	vsub.f32 $1.500000000e+00, v28  }
0x2a8: {  	v44 =	vsub.f32 v4, v44;
	[tilespmem:s18+$0xFFFFFF40] =	vst v31;
	v55 =	vmul.f32 v29, v5;
	v29 =	vmul.f32 v29, v7  }
0x2a9: {  	[tilespmem:s18+$0xFFFFFF50] =	vst v62;
	v53 =	vsub.s32 $0x5F3759DF, v58;
	v34 =	vadd.f32 v34, v12;
	v28 =	vmul.f32 v63, v28  }
0x2aa: {  	[tilespmem:s18+$0x0] =	vst v50;
	v58 =	vmul.f32 v53, v25;
	v31 =	vmul.f32 v29, v44;
	v29 =	vadd.f32 v14, v10  }
0x2ab: {  	[tilespmem:s19+$0x0] =	vst v34;
	v30 =	vmul.f32 v28, v30  }
0x2ac: {  	v58 =	vmul.f32 v53, v58;
	[tilespmem:s18+$0xFFFFFF60] =	vst v29  }
0x2ad: {  	v4 =	vld [tilespmem:$0x1FF80];
	v30 =	vmul.f32 v30, v28  }
0x2ae: {  	v40 =	vsub.f32 $1.500000000e+00, v58;
	v26 =	vmul.f32 v52, v26  }
0x2af: {  	v33 =	vmul.f32 v27, v33;
	v27 =	vsub.f32 $1.500000000e+00, v30;
	v30 =	vadd.f32 v13, v11  }
0x2b0: {  	v26 =	vmul.f32 v26, v52  }
0x2b1: {  	v43 =	vsub.f32 v39, v32;
	v39 =	vsub.f32 v45, v32;
	v58 =	vmul.f32 v53, v40;
	[tilespmem:s18+$0xFFFFFF70] =	vst v30  }
0x2b2: {  	v26 =	vsub.f32 $1.500000000e+00, v26;
	v45 =	vmul.f32 v27, v28;
	v27 =	vadd.f32 v4, v12;
	v4 =	vld [tilespmem:$0x1FF90]  }
0x2b3: {  	v25 =	vmul.f32 v58, v25  }
0x2b4: {  	v26 =	vmul.f32 v26, v52  }
0x2b5: {  	v40 =	vsub.f32 v38, v32;
	v25 =	vmul.f32 v25, v58  }
0x2b6: {  	v38 =	vsub.f32 v46, v32;
	v46 =	vmul.f32 v26, v5;
	v53 =	vmul.f32 v26, v6;
	[tilespmem:s18+$0xFFFFFF80] =	vst v27  }
0x2b7: {  	v52 =	vmul.f32 v26, v7;
	v50 =	vmul.f32 v26, v8;
	v26 =	vadd.f32 v4, v9;
	v4 =	vld [tilespmem:$0x1FFA0]  }
0x2b8: {  	v25 =	vsub.f32 $1.500000000e+00, v25;
	_ =	sdelay $0x1  }
0x2b9: {  	v25 =	vmul.f32 v25, v58  }
0x2ba: {  	v32 =	vmul.f32 v55, v59  }
0x2bb: {  	v34 =	vmul.f32 v25, v5;
	v28 =	vmul.f32 v25, v6;
	v63 =	vadd.f32 v4, v10  }
0x2bc: {  	v30 =	vadd.f32 v61, v11;
	v29 =	vmul.f32 v25, v8;
	v27 =	vmul.f32 v25, v7;
	[tilespmem:s18+$0xFFFFFF90] =	vst v26  }
0x2bd: {  	s9 =	simm.s32 $0x4;
	s11 =	simm.s32 $0x23F0;
	s1 =	simm.s32 $0x6140;
	v24 =	vadd.f32 v24, v12;
	v25 =	vmul.f32 v45, v6;
	v26 =	vmul.f32 v45, v5;
	[tilespmem:s18+$0xFFFFFFA0] =	vst v63  }
.LBB2_12:
0x2be: {  	v44 =	vld [tilespmem:s11+$0xFFFFFFD0];
	v51 =	vmul.f32 v45, v7;
	v45 =	vmul.f32 v45, v8;
	v32 =	vadd.f32 v32, v9;
	[tilespmem:s18+$0xFFFFFFB0] =	vst v30  }
0x2bf: {  	v30 =	vmul.f32 v46, v35;
	v35 =	vmul.f32 v53, v36;
	v33 =	vadd.f32 v33, v10;
	v54 =	vld [tilespmem:s11+$0xFFFFFFE0];
	[tilespmem:s18+$0xFFFFFFC0] =	vst v24;
	s18 =	smov.u32 s19;
	s19 =	smov.u32 s11  }
0x2c0: {  	v46 =	vmul.f32 v50, v49;
	v24 =	vmul.f32 v52, v47;
	v36 =	vld [tilespmem:s11+$0xFFFFFFF0];
	[tilespmem:s18+$0xFFFFFFD0] =	vst v32;
	v32 =	vadd.f32 v31, v11  }
0x2c1: {  	v28 =	vmul.f32 v28, v42;
	v49 =	vadd.f32 v30, v9;
	v31 =	vmul.f32 v34, v48;
	v47 =	vld [tilespmem:s11+$0x0];
	[tilespmem:s18+$0xFFFFFFE0] =	vst v33  }
0x2c2: {  	s9 =	sadd.s32 $0x4, s9;
	v30 =	vmul.f32 v27, v37;
	v27 =	vmul.f32 v29, v41;
	v33 =	vadd.f32 v35, v10;
	v42 =	vld [tilespmem:s11+$0xFFFFFF20];
	[tilespmem:s18+$0xFFFFFFF0] =	vst v32  }
0x2c3: {  	p0 =	slt.u32 s9, $0x7C;
	v25 =	vmul.f32 v25, v43;
	v29 =	vmul.f32 v26, v40;
	v34 =	vadd.f32 v24, v11;
	v35 =	vld [tilespmem:s11+$0xFFFFFF30];
	[tilespmem:s18+$0xFFFFFF10] =	vst v49  }
0x2c4: {  	v37 =	vadd.f32 v46, v12;
	v26 =	vmul.f32 v51, v38;
	v24 =	vmul.f32 v45, v39;
	v40 =	vld [tilespmem:s11+$0xFFFFFF40];
	[tilespmem:s18+$0xFFFFFF20] =	vst v33  }
0x2c5: {  	v32 =	vadd.f32 v44, v20;
	v33 =	vadd.f32 v54, v21;
	v39 =	vld [tilespmem:s11+$0xFFFFFF50];
	[tilespmem:s18+$0xFFFFFF30] =	vst v34  }
0x2c6: {  	v34 =	vadd.f32 v36, v22;
	v41 =	vld [tilespmem:s11+$0xFFFFFF60];
	v47 =	vadd.f32 v47, v23;
	[tilespmem:s18+$0xFFFFFF40] =	vst v37  }
0x2c7: {  	v36 =	vadd.f32 v42, v21;
	v44 =	vld [tilespmem:s11+$0xFFFFFF70];
	v42 =	vadd.f32 v33, v32  }
0x2c8: {  	v46 =	vmul.f32 v32, v32;
	v48 =	vmul.f32 v33, v33;
	v45 =	vld [tilespmem:s11+$0xFFFFFF80];
	v43 =	vadd.f32 v47, v34  }
0x2c9: {  	v49 =	vmul.f32 v34, v34;
	v37 =	vadd.f32 v35, v22;
	v50 =	vmul.f32 v47, v47;
	v35 =	vld [tilespmem:s11+$0xFFFFFF90]  }
0x2ca: {  	v38 =	vadd.f32 v40, v23;
	v51 =	vmul.f32 v36, v36;
	v52 =	vld [tilespmem:s11+$0xFFFFFFA0];
	v53 =	vadd.f32 v43, v42  }
0x2cb: {  	v40 =	vadd.f32 v48, v46;
	v54 =	vmul.f32 v37, v37;
	v46 =	vadd.f32 v50, v49;
	v55 =	vld [tilespmem:s11+$0xFFFFFFB0]  }
0x2cc: {  	v42 =	vadd.f32 v39, v20;
	v48 =	vmul.f32 v38, v38;
	v43 =	vadd.f32 v41, v21;
	v49 =	vld [tilespmem:s11+$0xFFFFFFC0]  }
0x2cd: {  	v41 =	vadd.f32 v44, v22;
	v56 =	vadd.f32 v46, v40;
	v44 =	vperm.xlane v53, v0;
	v50 =	vld [tilespmem:s11+$0xFFFFFF10]  }
0x2ce: {  	v57 =	vmul.f32 v42, v42;
	v45 =	vadd.f32 v45, v23;
	v40 =	vadd.f32 v35, v20  }
0x2cf: {  	v35 =	vperm.xlane v56, v0;
	v39 =	vadd.f32 v52, v21;
	v52 =	vadd.f32 v53, v44  }
0x2d0: {  	v58 =	vmul.f32 v43, v43;
	v53 =	vadd.f32 v38, v37;
	v46 =	vadd.f32 v55, v22  }
0x2d1: {  	v44 =	vadd.f32 v49, v23;
	v49 =	vadd.f32 v56, v35;
	v55 =	vperm.xlane v52, v2  }
0x2d2: {  	v56 =	vmul.f32 v41, v41;
	v35 =	vadd.f32 v50, v20;
	v50 =	vadd.f32 v43, v42  }
0x2d3: {  	v59 =	vadd.f32 v45, v41;
	v52 =	vadd.f32 v52, v55;
	v55 =	vperm.xlane v49, v2  }
0x2d4: {  	v62 =	vmul.f32 v45, v45;
	v60 =	vadd.f32 v36, v35;
	v61 =	vmul.f32 v35, v35  }
0x2d5: {  	v63 =	vadd.f32 v39, v40;
	v49 =	vadd.f32 v49, v55;
	v55 =	vperm.xlane v52, v3  }
0x2d6: {  	v13 =	vmul.f32 v40, v40;
	v14 =	vmul.f32 v39, v39;
	v4 =	vadd.f32 v44, v46  }
0x2d7: {  	v15 =	vmul.f32 v46, v46;
	v52 =	vadd.f32 v55, v52;
	v55 =	vperm.xlane v49, v3  }
0x2d8: {  	v53 =	vadd.f32 v53, v60;
	v51 =	vadd.f32 v51, v61;
	v60 =	vmul.f32 v44, v44  }
0x2d9: {  	v48 =	vadd.f32 v48, v54;
	v49 =	vadd.f32 v55, v49;
	v54 =	vperm.xlane v52, v1  }
0x2da: {  	v57 =	vadd.f32 v58, v57;
	v59 =	vadd.f32 v59, v50;
	v55 =	vperm.xlane v53, v0  }
0x2db: {  	v56 =	vadd.f32 v62, v56;
	v50 =	vadd.f32 v54, v52;
	v52 =	vperm.xlane v49, v1  }
0x2dc: {  	v13 =	vadd.f32 v14, v13;
	v4 =	vadd.f32 v4, v63;
	v54 =	vperm.xlane v59, v0  }
0x2dd: {  	v14 =	vadd.f32 v60, v15;
	v15 =	vadd.f32 v52, v49;
	v50 =	vmul.f32 $1.562500000e-02, v50  }
0x2de: {  	v48 =	vadd.f32 v48, v51;
	v51 =	vperm.xlane v4, v0;
	v49 =	vadd.f32 v56, v57  }
0x2df: {  	v13 =	vadd.f32 v14, v13;
	v14 =	vmul.f32 $1.562500000e-02, v15;
	v15 =	vmul.f32 v50, v50  }
0x2e0: {  	v52 =	vadd.f32 v53, v55;
	v53 =	vperm.xlane v48, v0;
	v54 =	vadd.f32 v59, v54  }
0x2e1: {  	v4 =	vadd.f32 v4, v51;
	v55 =	vperm.xlane v49, v0;
	v14 =	vsub.f32 v14, v15  }
0x2e2: {  	v51 =	vperm.xlane v13, v0;
	v15 =	vadd.f32 v48, v53;
	v48 =	vperm.xlane v52, v2  }
0x2e3: {  	v49 =	vadd.f32 v49, v55;
	v53 =	vperm.xlane v54, v2;
	v14 =	vadd.f32 $9.999999740e-06, v14  }
0x2e4: {  	v13 =	vadd.f32 v13, v51;
	v51 =	vperm.xlane v4, v2;
	v48 =	vadd.f32 v52, v48  }
0x2e5: {  	v52 =	vperm.xlane v15, v2;
	v55 =	vshra.s32 v14, $0x1;
	v14 =	vmul.f32 $5.000000000e-01, v14  }
0x2e6: {  	v53 =	vadd.f32 v54, v53;
	v54 =	vperm.xlane v49, v2;
	v55 =	vsub.s32 $0x5F3759DF, v55  }
0x2e7: {  	v4 =	vadd.f32 v4, v51;
	v51 =	vperm.xlane v13, v2;
	v56 =	vmul.f32 v55, v14  }
0x2e8: {  	v15 =	vadd.f32 v15, v52;
	v52 =	vperm.xlane v48, v3;
	v49 =	vadd.f32 v49, v54  }
0x2e9: {  	v13 =	vadd.f32 v13, v51;
	v54 =	vperm.xlane v53, v3;
	v51 =	vmul.f32 v55, v56  }
0x2ea: {  	v48 =	vadd.f32 v52, v48;
	v52 =	vperm.xlane v15, v3;
	v56 =	vperm.xlane v4, v3  }
0x2eb: {  	v53 =	vadd.f32 v54, v53;
	v54 =	vperm.xlane v49, v3;
	v51 =	vsub.f32 $1.500000000e+00, v51  }
0x2ec: {  	v15 =	vadd.f32 v52, v15;
	v52 =	vperm.xlane v13, v3;
	v4 =	vadd.f32 v56, v4  }
0x2ed: {  	v49 =	vadd.f32 v54, v49;
	v56 =	vperm.xlane v48, v1;
	v51 =	vmul.f32 v55, v51  }
0x2ee: {  	v54 =	vperm.xlane v53, v1;
	v13 =	vadd.f32 v52, v13;
	v52 =	vperm.xlane v4, v1  }
0x2ef: {  	v48 =	vadd.f32 v56, v48;
	v55 =	vperm.xlane v15, v1;
	v14 =	vmul.f32 v51, v14  }
0x2f0: {  	v53 =	vadd.f32 v54, v53;
	v54 =	vperm.xlane v49, v1;
	v4 =	vadd.f32 v52, v4  }
0x2f1: {  	v15 =	vadd.f32 v55, v15;
	v52 =	vperm.xlane v13, v1;
	v14 =	vmul.f32 v14, v51  }
0x2f2: {  	v49 =	vadd.f32 v54, v49;
	v53 =	vmul.f32 $1.562500000e-02, v53;
	v48 =	vmul.f32 $1.562500000e-02, v48  }
0x2f3: {  	v13 =	vadd.f32 v52, v13;
	v4 =	vmul.f32 $1.562500000e-02, v4;
	v14 =	vsub.f32 $1.500000000e+00, v14  }
0x2f4: {  	v15 =	vmul.f32 $1.562500000e-02, v15;
	v52 =	vmul.f32 v48, v48;
	v35 =	vsub.f32 v35, v48  }
0x2f5: {  	v49 =	vmul.f32 $1.562500000e-02, v49;
	v36 =	vsub.f32 v36, v48;
	v14 =	vmul.f32 v14, v51  }
0x2f6: {  	v15 =	vsub.f32 v15, v52;
	v13 =	vmul.f32 $1.562500000e-02, v13;
	v51 =	vmul.f32 v53, v53  }
0x2f7: {  	v47 =	vsub.f32 v47, v50;
	v52 =	vmul.f32 v4, v4;
	v54 =	vmul.f32 v14, v8  }
0x2f8: {  	v15 =	vadd.f32 $9.999999740e-06, v15;
	v49 =	vsub.f32 v49, v51;
	v51 =	vmul.f32 v14, v5  }
0x2f9: {  	v13 =	vsub.f32 v13, v52;
	v52 =	vmul.f32 v14, v6;
	v47 =	vmul.f32 v54, v47  }
0x2fa: {  	v54 =	vshra.s32 v15, $0x1;
	v15 =	vmul.f32 $5.000000000e-01, v15;
	v49 =	vadd.f32 $9.999999740e-06, v49  }
0x2fb: {  	v13 =	vadd.f32 $9.999999740e-06, v13;
	v54 =	vsub.s32 $0x5F3759DF, v54;
	v47 =	vadd.f32 v47, v12  }
0x2fc: {  	v55 =	vmul.f32 v54, v15;
	v56 =	vshra.s32 v49, $0x1;
	v57 =	vmul.f32 $5.000000000e-01, v49  }
0x2fd: {  	s2 =	simm.s32 $0x0;
	s6 =	simm.s32 $0x80;
	v49 =	vshra.s32 v13, $0x1;
	v13 =	vmul.f32 $5.000000000e-01, v13;
	v56 =	vsub.s32 $0x5F3759DF, v56;
	[tilespmem:s11+$0x0] =	vst v47  }
0x2fe: {  	v59 =	vsub.s32 $0x5F3759DF, v49;
	v55 =	vmul.f32 v54, v55;
	v58 =	vmul.f32 v56, v57  }
0x2ff: {  	v14 =	vmul.f32 v14, v7;
	v47 =	vsub.f32 v37, v48;
	v37 =	vmul.f32 v59, v13  }
0x300: {  	v49 =	vsub.f32 v38, v48;
	v55 =	vsub.f32 $1.500000000e+00, v55;
	v38 =	vmul.f32 v56, v58  }
0x301: {  	v48 =	vsub.f32 v42, v53;
	v42 =	vsub.f32 v43, v53;
	v43 =	vmul.f32 v59, v37  }
0x302: {  	v37 =	vsub.f32 v41, v53;
	v54 =	vmul.f32 v54, v55;
	v38 =	vsub.f32 $1.500000000e+00, v38  }
0x303: {  	v41 =	vsub.f32 v45, v53;
	v43 =	vsub.f32 $1.500000000e+00, v43  }
0x304: {  	v40 =	vsub.f32 v40, v4;
	v15 =	vmul.f32 v54, v15;
	v45 =	vmul.f32 v56, v38  }
0x305: {  	v55 =	vmul.f32 v59, v43;
	v43 =	vsub.f32 v39, v4;
	v38 =	vsub.f32 v46, v4  }
0x306: {  	v39 =	vsub.f32 v44, v4;
	v15 =	vmul.f32 v15, v54;
	v46 =	vmul.f32 v45, v57  }
0x307: {  	v33 =	vsub.f32 v33, v50;
	v4 =	vmul.f32 v55, v13;
	v13 =	vsub.f32 v32, v50  }
0x308: {  	v34 =	vsub.f32 v34, v50;
	v15 =	vsub.f32 $1.500000000e+00, v15;
	v44 =	vmul.f32 v46, v45  }
0x309: {  	v4 =	vmul.f32 v4, v55;
	v32 =	vmul.f32 v51, v13;
	v13 =	vadd.f32 v31, v9  }
0x30a: {  	v33 =	vmul.f32 v52, v33;
	v15 =	vmul.f32 v15, v54;
	v44 =	vsub.f32 $1.500000000e+00, v44  }
0x30b: {  	v31 =	vmul.f32 v14, v34;
	v4 =	vsub.f32 $1.500000000e+00, v4;
	[tilespmem:s18+$0xFFFFFF50] =	vst v13;
	v13 =	vadd.f32 v28, v10  }
0x30c: {  	v46 =	vmul.f32 v15, v5;
	v14 =	vmul.f32 v44, v45;
	v28 =	vadd.f32 v30, v11  }
.Ltmp5:
0x30d: {  	v53 =	vmul.f32 v15, v6;
	v45 =	vmul.f32 v4, v55;
	v4 =	vadd.f32 v27, v12;
	[tilespmem:s18+$0xFFFFFF60] =	vst v13;
	(pc) =	sbr.rel @p0 .LBB2_12-.Ltmp5, $4  }
0x30e: {  	v52 =	vmul.f32 v15, v7;
	v50 =	vmul.f32 v15, v8;
	v13 =	vadd.f32 v29, v9;
	[tilespmem:s18+$0xFFFFFF70] =	vst v28  }
0x30f: {  	v34 =	vmul.f32 v14, v5;
	v28 =	vmul.f32 v14, v6;
	[tilespmem:s18+$0xFFFFFF80] =	vst v4;
	v4 =	vadd.f32 v25, v10  }
0x310: {  	v30 =	vadd.f32 v26, v11;
	v27 =	vmul.f32 v14, v7;
	v29 =	vmul.f32 v14, v8;
	[tilespmem:s18+$0xFFFFFF90] =	vst v13  }
0x311: {  	v24 =	vadd.f32 v24, v12;
	s11 =	sadd.s32 $0x100, s11;
	v26 =	vmul.f32 v45, v5;
	v25 =	vmul.f32 v45, v6;
	[tilespmem:s18+$0xFFFFFFA0] =	vst v4  }
0x312: {  	v4 =	vadd.f32 v32, v9;
	[tilespmem:s18+$0xFFFFFFB0] =	vst v30  }
0x313: {  	v13 =	vmul.f32 v46, v35;
	v14 =	vadd.f32 v33, v10;
	[tilespmem:s18+$0xFFFFFFC0] =	vst v24  }
0x314: {  	v15 =	vmul.f32 v53, v36;
	[tilespmem:s19+$0xFFFFFFD0] =	vst v4;
	v4 =	vadd.f32 v31, v11  }
0x315: {  	v20 =	vmul.f32 v52, v47;
	v13 =	vadd.f32 v13, v9;
	[tilespmem:s19+$0xFFFFFFE0] =	vst v14  }
0x316: {  	v14 =	vmul.f32 v50, v49;
	v15 =	vadd.f32 v15, v10;
	[tilespmem:s19+$0xFFFFFFF0] =	vst v4  }
0x317: {  	v21 =	vmul.f32 v34, v48;
	[tilespmem:s19+$0xFFFFFF10] =	vst v13;
	v13 =	vadd.f32 v20, v11  }
0x318: {  	v22 =	vmul.f32 v28, v42;
	[tilespmem:s19+$0xFFFFFF20] =	vst v15;
	v14 =	vadd.f32 v14, v12  }
0x319: {  	v15 =	vmul.f32 v27, v37;
	[tilespmem:s19+$0xFFFFFF30] =	vst v13;
	v13 =	vadd.f32 v21, v9  }
0x31a: {  	v23 =	vmul.f32 v29, v41;
	[tilespmem:s19+$0xFFFFFF40] =	vst v14;
	v14 =	vadd.f32 v22, v10  }
0x31b: {  	v4 =	vmul.f32 v45, v7;
	[tilespmem:s19+$0xFFFFFF50] =	vst v13;
	v13 =	vadd.f32 v15, v11  }
0x31c: {  	[tilespmem:s19+$0xFFFFFF60] =	vst v14;
	v14 =	vadd.f32 v23, v12  }
0x31d: {  	v4 =	vmul.f32 v4, v38;
	[tilespmem:s19+$0xFFFFFF70] =	vst v13  }
0x31e: {  	v20 =	vmul.f32 v45, v8;
	v21 =	vmul.f32 v26, v40;
	v22 =	vmov s2;
	[tilespmem:s19+$0xFFFFFF80] =	vst v14  }
0x31f: {  	v24 =	vmul.f32 v25, v43;
	v15 =	vand.u32 $0x3E, v22;
	v4 =	vadd.f32 v4, v11;
	v42 =	vld [tilespmem:$0x1FFF0]  }
0x320: {  	v26 =	vbroadcast v15, $0x0;
	v15 =	vmul.f32 v20, v39;
	v13 =	vadd.f32 v21, v9  }
0x321: {  	v14 =	vadd.f32 v24, v10;
	[tilespmem:s19+$0xFFFFFFB0] =	vst v4  }
0x322: {  	[tilespmem:s19+$0xFFFFFF90] =	vst v13;
	v13 =	vadd.f32 v15, v12  }
0x323: {  	s10 =	simm.s32 $0x1;
	[tilespmem:s19+$0xFFFFFFA0] =	vst v14  }
0x324: {  	v20 =	vmov s10;
	[tilespmem:s19+$0xFFFFFFC0] =	vst v13;
	v21 =	vor.u32 v42, v26  }
0x325: {  	v20 =	vand.u32 $0x3F, v20;
	v45 =	vld [tilespmem:$0x1FFB0]  }
0x326: {  	v27 =	vbroadcast v20, $0x0;
	_ =	sdelay $0x1  }
0x327: {  	v4 =	vor.u32 v42, v27  }
0x328: {  	v13 =	vld.idx.msk [tilespmem:v21+s25+$0x0], $0xffff  }
0x329: {  	s11 =	simm.s32 $0x2;
	v14 =	vor.u32 v45, v26  }
0x32a: {  	v15 =	vmov s11  }
0x32b: {  	v15 =	vand.u32 $0x3E, v15  }
0x32c: {  	v21 =	vbroadcast v15, $0x0;
	v4 =	vld.idx.msk [tilespmem:v4+s25+$0x0], $0xffff  }
0x32d: {  	v15 =	vor.u32 v45, v27;
	[tilespmem:s1+$0xFFFFFFC0] =	vst v13  }
0x32e: {  	s15 =	simm.s32 $0x0;
	v13 =	vor.u32 v42, v21;
	v14 =	vld.idx.msk [tilespmem:v14+s25+$0x0], $0xffff  }
0x32f: {  	s6 =	sand.u32 $0x380, s6;
	s2 =	sand.u32 $0x1C00, s15;
	v20 =	vor.u32 v16, v26  }
0x330: {  	s17 =	simm.s32 $0x3;
	s20 =	sor.u32 s6, s2  }
0x331: {  	[tilespmem:s20+$0x6100] =	vst v4;
	v4 =	vmov s17  }
0x332: {  	v15 =	vld.idx.msk [tilespmem:v15+s25+$0x0], $0xffff;
	v4 =	vand.u32 $0x3F, v4  }
0x333: {  	s18 =	simm.s32 $0x4;
	v22 =	vbroadcast v4, $0x0;
	v4 =	vor.u32 v16, v27;
	v13 =	vld.idx.msk [tilespmem:v13+s25+$0x0], $0xffff;
	[tilespmem:s1+$0xFFFFFFD0] =	vst v14  }
0x334: {  	v23 =	vmov s18;
	v14 =	vor.u32 v45, v21;
	v24 =	vld.idx.msk [tilespmem:v20+s25+$0x0], $0xffff  }
0x335: {  	v20 =	vand.u32 $0x3E, v23;
	v23 =	vor.u32 v42, v22;
	v44 =	vld [tilespmem:$0x1FFC0];
	_ =	sdelay $0x1  }
0x336: {  	s11 =	simm.s32 $0x6240;
	[tilespmem:s20+$0x6110] =	vst v15;
	v20 =	vbroadcast v20, $0x0  }
0x337: {  	v4 =	vld.idx.msk [tilespmem:v4+s25+$0x0], $0xffff;
	[tilespmem:s11+$0xFFFFFFC0] =	vst v13  }
0x338: {  	v13 =	vor.u32 v42, v20;
	v14 =	vld.idx.msk [tilespmem:v14+s25+$0x0], $0xffff  }
0x339: {  	v25 =	vor.u32 v44, v26;
	[tilespmem:s1+$0xFFFFFFE0] =	vst v24;
	v23 =	vld.idx.msk [tilespmem:v23+s25+$0x0], $0xffff  }
0x33a: {  	v15 =	vor.u32 v44, v27;
	v43 =	vld [tilespmem:$0x1FFD0]  }
0x33b: {  	s29 =	simm.s32 $0x100;
	s19 =	simm.s32 $0x180;
	v24 =	vor.u32 v16, v21  }
0x33c: {  	s6 =	sand.u32 $0x1C00, s29;
	s2 =	sand.u32 $0x380, s19  }
0x33d: {  	s18 =	sor.u32 s2, s6;
	s6 =	simm.s32 $0x5;
	[tilespmem:s20+$0x6120] =	vst v4;
	v13 =	vld.idx.msk [tilespmem:v13+s25+$0x0], $0xffff  }
0x33e: {  	v28 =	vor.u32 v45, v22;
	v25 =	vld.idx.msk [tilespmem:v25+s25+$0x0], $0xffff;
	[tilespmem:s18+$0x6100] =	vst v23;
	v23 =	vmov s6  }
0x33f: {  	[tilespmem:s11+$0xFFFFFFD0] =	vst v14;
	v14 =	vld.idx.msk [tilespmem:v15+s25+$0x0], $0xffff;
	v29 =	vor.u32 v43, v26;
	v23 =	vand.u32 $0x3F, v23  }
0x340: {  	s9 =	simm.s32 $0x6;
	v4 =	vor.u32 v45, v20;
	v15 =	vld.idx.msk [tilespmem:v24+s25+$0x0], $0xffff;
	v23 =	vbroadcast v23, $0x0  }
0x341: {  	v24 =	vmov s9;
	s9 =	simm.s32 $0x6340;
	v30 =	vor.u32 v43, v27  }
0x342: {  	v24 =	vand.u32 $0x3E, v24;
	[tilespmem:s9+$0xFFFFFFC0] =	vst v13;
	v50 =	vor.u32 v42, v23  }
0x343: {  	v28 =	vld.idx.msk [tilespmem:v28+s25+$0x0], $0xffff;
	v24 =	vbroadcast v24, $0x0;
	[tilespmem:s1+$0xFFFFFFF0] =	vst v25;
	v25 =	vor.u32 v44, v21  }
0x344: {  	v31 =	vor.u32 v16, v22;
	[tilespmem:s20+$0x6130] =	vst v14;
	v29 =	vld.idx.msk [tilespmem:v29+s25+$0x0], $0xffff  }
0x345: {  	v4 =	vld.idx.msk [tilespmem:v4+s25+$0x0], $0xffff;
	[tilespmem:s11+$0xFFFFFFE0] =	vst v15;
	v15 =	vor.u32 v42, v24  }
0x346: {  	v14 =	vld.idx.msk [tilespmem:v30+s25+$0x0], $0xffff;
	v30 =	vor.u32 v16, v20  }
0x347: {  	v13 =	vor.u32 v17, v26;
	v32 =	vld.idx.msk [tilespmem:v50+s25+$0x0], $0xffff  }
0x348: {  	[tilespmem:s18+$0x6110] =	vst v28;
	v28 =	vor.u32 v17, v27;
	v25 =	vld.idx.msk [tilespmem:v25+s25+$0x0], $0xffff  }
0x349: {  	s15 =	simm.s32 $0x200;
	s10 =	simm.s32 $0x280;
	v51 =	vor.u32 v43, v21;
	[tilespmem:s1+$0x0] =	vst v29;
	v29 =	vld.idx.msk [tilespmem:v31+s25+$0x0], $0xffff  }
0x34a: {  	s2 =	sand.u32 $0x380, s10;
	s6 =	sand.u32 $0x1C00, s15;
	[tilespmem:s9+$0xFFFFFFD0] =	vst v4;
	v15 =	vld.idx.msk [tilespmem:v15+s25+$0x0], $0xffff;
	v31 =	vor.u32 v44, v22  }
0x34b: {  	s19 =	sor.u32 s2, s6;
	v52 =	vor.u32 v45, v23;
	[tilespmem:s20+$0x6140] =	vst v14;
	v30 =	vld.idx.msk [tilespmem:v30+s25+$0x0], $0xffff  }
0x34c: {  	v53 =	vor.u32 v44, v20;
	v13 =	vld.idx.msk [tilespmem:v13+s25+$0x0], $0xffff;
	[tilespmem:s19+$0x6100] =	vst v32  }
0x34d: {  	v14 =	vld.idx.msk [tilespmem:v28+s25+$0x0], $0xffff;
	v28 =	vor.u32 v45, v24;
	[tilespmem:s11+$0xFFFFFFF0] =	vst v25  }
0x34e: {  	s6 =	simm.s32 $0x6440;
	v4 =	vor.u32 v18, v26;
	[tilespmem:s18+$0x6120] =	vst v29;
	v54 =	vld.idx.msk [tilespmem:v51+s25+$0x0], $0xffff  }
0x34f: {  	[tilespmem:s6+$0xFFFFFFC0] =	vst v15;
	v29 =	vld.idx.msk [tilespmem:v31+s25+$0x0], $0xffff;
	v31 =	vor.u32 v18, v27  }
0x350: {  	s17 =	simm.s32 $0x7;
	v55 =	vld.idx.msk [tilespmem:v52+s25+$0x0], $0xffff;
	v15 =	vor.u32 v17, v21;
	[tilespmem:s9+$0xFFFFFFE0] =	vst v30  }
0x351: {  	v56 =	vor.u32 v43, v22;
	[tilespmem:s1+$0x10] =	vst v13;
	v13 =	vmov s17;
	v35 =	vld.idx.msk [tilespmem:v53+s25+$0x0], $0xffff  }
0x352: {  	s29 =	simm.s32 $0x8;
	v63 =	vor.u32 v43, v20;
	v28 =	vld.idx.msk [tilespmem:v28+s25+$0x0], $0xffff;
	v13 =	vand.u32 $0x3F, v13  }
0x353: {  	v57 =	vmov s29;
	[tilespmem:s20+$0x6150] =	vst v14;
	v4 =	vld.idx.msk [tilespmem:v4+s25+$0x0], $0xffff;
	v25 =	vbroadcast v13, $0x0;
	v13 =	vor.u32 v16, v23  }
0x354: {  	v30 =	vor.u32 v19, v26;
	v14 =	vand.u32 $0x3E, v57;
	[tilespmem:s11+$0x0] =	vst v54;
	v31 =	vld.idx.msk [tilespmem:v31+s25+$0x0], $0xffff  }
0x355: {  	v26 =	vbroadcast v14, $0x0;
	v14 =	vor.u32 v42, v25;
	[tilespmem:s18+$0x6130] =	vst v29;
	v15 =	vld.idx.msk [tilespmem:v15+s25+$0x0], $0xffff  }
0x356: {  	v27 =	vor.u32 v19, v27;
	[tilespmem:s9+$0xFFFFFFF0] =	vst v35;
	v58 =	vld.idx.msk [tilespmem:v56+s25+$0x0], $0xffff  }
0x357: {  	v59 =	vor.u32 v42, v26;
	[tilespmem:s19+$0x6110] =	vst v55;
	v33 =	vld.idx.msk [tilespmem:v63+s25+$0x0], $0xffff  }
0x358: {  	v60 =	vor.u32 v17, v22;
	[tilespmem:s1+$0x20] =	vst v4;
	v13 =	vld.idx.msk [tilespmem:v13+s25+$0x0], $0xffff  }
0x359: {  	[tilespmem:s6+$0xFFFFFFD0] =	vst v28;
	v4 =	vor.u32 v16, v24;
	v61 =	vld.idx.msk [tilespmem:v30+s25+$0x0], $0xffff  }
0x35a: {  	v62 =	vor.u32 v44, v23;
	v14 =	vld.idx.msk [tilespmem:v14+s25+$0x0], $0xffff;
	[tilespmem:s20+$0x6160] =	vst v31  }
0x35b: {  	v37 =	vor.u32 v45, v25;
	[tilespmem:s11+$0x10] =	vst v15;
	v29 =	vld.idx.msk [tilespmem:v27+s25+$0x0], $0xffff  }
0x35c: {  	s10 =	simm.s32 $0x300;
	s2 =	simm.s32 $0x380;
	v35 =	vor.u32 v18, v21;
	v34 =	vld.idx.msk [tilespmem:v59+s25+$0x0], $0xffff;
	[tilespmem:s18+$0x6140] =	vst v58  }
0x35d: {  	s10 =	sand.u32 $0x1C00, s10;
	s15 =	sand.u32 $0x380, s2;
	v36 =	vor.u32 v45, v26;
	v28 =	vld.idx.msk [tilespmem:v60+s25+$0x0], $0xffff;
	[tilespmem:s19+$0x6120] =	vst v13  }
0x35e: {  	s10 =	sor.u32 s15, s10;
	v31 =	vor.u32 v18, v22;
	v30 =	vld.idx.msk [tilespmem:v4+s25+$0x0], $0xffff;
	[tilespmem:s1+$0x30] =	vst v61  }
0x35f: {  	s15 =	simm.s32 $0xA;
	v32 =	vor.u32 v44, v24;
	s17 =	simm.s32 $0x9;
	s1 =	simm.s32 $0x6440;
	v27 =	vld.idx.msk [tilespmem:v62+s25+$0x0], $0xffff;
	[tilespmem:s10+$0x6100] =	vst v14  }
.LBB2_14:
0x360: {  	p0 =	slt.u32 s15, $0x3E;
	v4 =	vmov s17;
	v13 =	vld.idx.msk [tilespmem:v37+s25+$0x0], $0xffff;
	s6 =	sadd.s32 $0x100, s6;
	v14 =	vor.u32 v43, v23;
	[tilespmem:s20+$0x6170] =	vst v29;
	s20 =	smov.u32 s18  }
0x361: {  	v15 =	vor.u32 v17, v20;
	s18 =	smov.u32 s19;
	s19 =	smov.u32 s10;
	[tilespmem:s6+$0xFFFFFFC0] =	vst v34;
	v4 =	vand.u32 $0x3F, v4;
	v29 =	vld.idx.msk [tilespmem:v35+s25+$0x0], $0xffff  }
0x362: {  	v34 =	vmov s15;
	v35 =	vld.idx.msk [tilespmem:v36+s25+$0x0], $0xffff;
	v4 =	vbroadcast v4, $0x0;
	v36 =	vor.u32 v16, v25;
	[tilespmem:s20+$0x6150] =	vst v28  }
0x363: {  	v28 =	vand.u32 $0x3E, v34;
	[tilespmem:s1+$0xFFFFFFE0] =	vst v30;
	v30 =	vor.u32 v19, v21;
	v31 =	vld.idx.msk [tilespmem:v31+s25+$0x0], $0xffff;
	v21 =	vmovc v20;
	v20 =	vmov v24  }
0x364: {  	v24 =	vmov v26;
	v26 =	vbroadcast v28, $0x0;
	v34 =	vor.u32 v42, v4;
	v32 =	vld.idx.msk [tilespmem:v32+s25+$0x0], $0xffff;
	[tilespmem:s18+$0x6130] =	vst v27  }
0x365: {  	v27 =	vor.u32 v19, v22;
	v22 =	vmovc v23;
	v23 =	vmov v25;
	v25 =	vmov v4;
	[tilespmem:s9+$0x0] =	vst v33;
	v14 =	vld.idx.msk [tilespmem:v14+s25+$0x0], $0xffff  }
0x366: {  	v4 =	vor.u32 v42, v26;
	[tilespmem:s19+$0x6110] =	vst v13;
	v13 =	vld.idx.msk [tilespmem:v15+s25+$0x0], $0xffff  }
0x367: {  	v28 =	vor.u32 v17, v22;
	v15 =	vld.idx.msk [tilespmem:v36+s25+$0x0], $0xffff;
	[tilespmem:s11+$0x20] =	vst v29  }
0x368: {  	v33 =	vor.u32 v16, v24;
	[tilespmem:s6+$0xFFFFFFD0] =	vst v35;
	v38 =	vld.idx.msk [tilespmem:v30+s25+$0x0], $0xffff  }
0x369: {  	v40 =	vor.u32 v44, v23;
	v39 =	vld.idx.msk [tilespmem:v34+s25+$0x0], $0xffff;
	[tilespmem:s20+$0x6160] =	vst v31  }
0x36a: {  	v41 =	vor.u32 v43, v20;
	[tilespmem:s1+$0xFFFFFFF0] =	vst v32;
	v29 =	vld.idx.msk [tilespmem:v27+s25+$0x0], $0xffff  }
.Ltmp6:
0x36b: {  	s2 =	sadd.s32 $0x100, s2;
	v37 =	vor.u32 v45, v25;
	v34 =	vld.idx.msk [tilespmem:v4+s25+$0x0], $0xffff;
	[tilespmem:s18+$0x6140] =	vst v14;
	(pc) =	sbr.rel @p0 .LBB2_14-.Ltmp6, $4  }
0x36c: {  	s10 =	sadd.s32 $0xFFFFFF80, s2;
	v35 =	vor.u32 v18, v21;
	[tilespmem:s9+$0x10] =	vst v13;
	v28 =	vld.idx.msk [tilespmem:v28+s25+$0x0], $0xffff  }
0x36d: {  	s17 =	sand.u32 $0x380, s2;
	s10 =	sand.u32 $0x1C00, s10;
	v36 =	vor.u32 v45, v26;
	v30 =	vld.idx.msk [tilespmem:v33+s25+$0x0], $0xffff;
	[tilespmem:s19+$0x6120] =	vst v15  }
0x36e: {  	s10 =	sor.u32 s17, s10;
	v31 =	vor.u32 v18, v22;
	v27 =	vld.idx.msk [tilespmem:v40+s25+$0x0], $0xffff;
	[tilespmem:s11+$0x30] =	vst v38;
	s11 =	smov.u32 s9;
	s9 =	smov.u32 s1  }
0x36f: {  	s17 =	sadd.s32 $0x1, s15;
	s15 =	sadd.s32 $0x2, s15;
	v32 =	vor.u32 v44, v24;
	s1 =	smov.u32 s6;
	[tilespmem:s10+$0x6100] =	vst v39;
	v33 =	vld.idx.msk [tilespmem:v41+s25+$0x0], $0xffff  }
0x370: {  	v4 =	vmov s17  }
0x371: {  	v4 =	vand.u32 $0x3F, v4  }
0x372: {  	v4 =	vbroadcast v4, $0x0;
	_ =	sdelay $0x1  }
0x373: {  	v13 =	vor.u32 v42, v4;
	_ =	sdelay $0x4  }
0x374: {  	v13 =	vld.idx.msk [tilespmem:v13+s25+$0x0], $0xffff  }
0x375: {  	s15 =	sadd.s32 $0x100, s2;
	v14 =	vor.u32 v45, v4  }
0x376: {  	s29 =	sadd.s32 $0xFFFFFF80, s15  }
0x377: {  	s2 =	sadd.s32 $0x100, s6;
	s15 =	sand.u32 $0x380, s15;
	s17 =	sand.u32 $0x1C00, s29  }
0x378: {  	v15 =	vld.idx.msk [tilespmem:v37+s25+$0x0], $0xffff;
	[tilespmem:s2+$0xFFFFFFC0] =	vst v34;
	s6 =	sor.u32 s15, s17  }
0x379: {  	v62 =	vor.u32 v16, v25;
	v34 =	vld.idx.msk [tilespmem:v36+s25+$0x0], $0xffff;
	[tilespmem:s6+$0x6100] =	vst v13  }
0x37a: {  	[tilespmem:s20+$0x6170] =	vst v29;
	v13 =	vor.u32 v16, v26;
	v14 =	vld.idx.msk [tilespmem:v14+s25+$0x0], $0xffff  }
0x37b: {  	[tilespmem:s18+$0x6150] =	vst v28;
	v63 =	vor.u32 v16, v4  }
0x37c: {  	[tilespmem:s1+$0xFFFFFFE0] =	vst v30  }
0x37d: {  	v37 =	vld.idx.msk [tilespmem:v35+s25+$0x0], $0xffff;
	[tilespmem:s10+$0x6110] =	vst v15  }
0x37e: {  	v15 =	vor.u32 v43, v23;
	v38 =	vld.idx.msk [tilespmem:v62+s25+$0x0], $0xffff;
	[tilespmem:s2+$0xFFFFFFD0] =	vst v34  }
0x37f: {  	v39 =	vor.u32 v44, v25;
	v13 =	vld.idx.msk [tilespmem:v13+s25+$0x0], $0xffff;
	[tilespmem:s6+$0x6110] =	vst v14  }
0x380: {  	[tilespmem:s19+$0x6130] =	vst v27;
	v14 =	vor.u32 v44, v26;
	v16 =	vld.idx.msk [tilespmem:v63+s25+$0x0], $0xffff  }
0x381: {  	v40 =	vld.idx.msk [tilespmem:v31+s25+$0x0], $0xffff;
	[tilespmem:s9+$0x0] =	vst v33;
	v41 =	vor.u32 v44, v4  }
0x382: {  	v21 =	vor.u32 v19, v21;
	v32 =	vld.idx.msk [tilespmem:v32+s25+$0x0], $0xffff;
	[tilespmem:s11+$0x20] =	vst v37  }
0x383: {  	v22 =	vor.u32 v19, v22;
	v15 =	vld.idx.msk [tilespmem:v15+s25+$0x0], $0xffff;
	[tilespmem:s10+$0x6120] =	vst v38  }
0x384: {  	v29 =	vld.idx.msk [tilespmem:v39+s25+$0x0], $0xffff;
	v44 =	vor.u32 v43, v24;
	[tilespmem:s2+$0xFFFFFFE0] =	vst v13  }
0x385: {  	v13 =	vor.u32 v43, v25;
	v14 =	vld.idx.msk [tilespmem:v14+s25+$0x0], $0xffff;
	[tilespmem:s6+$0x6120] =	vst v16  }
0x386: {  	v45 =	vor.u32 v43, v26;
	[tilespmem:s18+$0x6160] =	vst v40;
	v46 =	vld.idx.msk [tilespmem:v41+s25+$0x0], $0xffff  }
0x387: {  	v48 =	vor.u32 v43, v4;
	v21 =	vld.idx.msk [tilespmem:v21+s25+$0x0], $0xffff;
	[tilespmem:s1+$0xFFFFFFF0] =	vst v32  }
0x388: {  	v22 =	vld.idx.msk [tilespmem:v22+s25+$0x0], $0xffff;
	[tilespmem:s19+$0x6140] =	vst v15;
	v15 =	vor.u32 v17, v23  }
0x389: {  	v42 =	vor.u32 v17, v20;
	[tilespmem:s10+$0x6130] =	vst v29;
	v28 =	vld.idx.msk [tilespmem:v44+s25+$0x0], $0xffff  }
0x38a: {  	v49 =	vor.u32 v17, v24;
	v13 =	vld.idx.msk [tilespmem:v13+s25+$0x0], $0xffff;
	[tilespmem:s2+$0xFFFFFFF0] =	vst v14  }
0x38b: {  	v14 =	vor.u32 v17, v25;
	v16 =	vld.idx.msk [tilespmem:v45+s25+$0x0], $0xffff;
	[tilespmem:s6+$0x6130] =	vst v46  }
0x38c: {  	v50 =	vor.u32 v17, v26;
	[tilespmem:s11+$0x30] =	vst v21;
	v51 =	vld.idx.msk [tilespmem:v48+s25+$0x0], $0xffff  }
0x38d: {  	v52 =	vor.u32 v17, v4;
	[tilespmem:s18+$0x6170] =	vst v22;
	v15 =	vld.idx.msk [tilespmem:v15+s25+$0x0], $0xffff  }
0x38e: {  	v54 =	vor.u32 v18, v23;
	v47 =	vld.idx.msk [tilespmem:v42+s25+$0x0], $0xffff;
	[tilespmem:s1+$0x0] =	vst v28  }
0x38f: {  	v53 =	vor.u32 v18, v20;
	v29 =	vld.idx.msk [tilespmem:v49+s25+$0x0], $0xffff;
	[tilespmem:s10+$0x6140] =	vst v13  }
0x390: {  	v13 =	vor.u32 v18, v24;
	v14 =	vld.idx.msk [tilespmem:v14+s25+$0x0], $0xffff;
	[tilespmem:s2+$0x0] =	vst v16  }
0x391: {  	v55 =	vor.u32 v18, v25;
	v27 =	vld.idx.msk [tilespmem:v50+s25+$0x0], $0xffff;
	[tilespmem:s6+$0x6140] =	vst v51  }
0x392: {  	v56 =	vor.u32 v18, v26;
	[tilespmem:s19+$0x6150] =	vst v15;
	v17 =	vld.idx.msk [tilespmem:v52+s25+$0x0], $0xffff  }
0x393: {  	[tilespmem:s9+$0x10] =	vst v47;
	v15 =	vor.u32 v18, v4;
	v58 =	vld.idx.msk [tilespmem:v54+s25+$0x0], $0xffff  }
0x394: {  	v59 =	vor.u32 v19, v23;
	v21 =	vld.idx.msk [tilespmem:v53+s25+$0x0], $0xffff;
	[tilespmem:s1+$0x10] =	vst v29  }
0x395: {  	v57 =	vor.u32 v19, v20;
	v13 =	vld.idx.msk [tilespmem:v13+s25+$0x0], $0xffff;
	[tilespmem:s10+$0x6150] =	vst v14  }
0x396: {  	v14 =	vor.u32 v19, v24;
	v16 =	vld.idx.msk [tilespmem:v55+s25+$0x0], $0xffff;
	[tilespmem:s2+$0x10] =	vst v27  }
0x397: {  	v60 =	vor.u32 v19, v25;
	v22 =	vld.idx.msk [tilespmem:v56+s25+$0x0], $0xffff;
	[tilespmem:s6+$0x6150] =	vst v17  }
0x398: {  	v61 =	vor.u32 v19, v26;
	[tilespmem:s19+$0x6160] =	vst v58;
	v15 =	vld.idx.msk [tilespmem:v15+s25+$0x0], $0xffff  }
0x399: {  	[tilespmem:s9+$0x20] =	vst v21;
	v4 =	vor.u32 v19, v4;
	v62 =	vld.idx.msk [tilespmem:v59+s25+$0x0], $0xffff  }
0x39a: {  	v18 =	vld.idx.msk [tilespmem:v57+s25+$0x0], $0xffff;
	[tilespmem:s1+$0x20] =	vst v13  }
0x39b: {  	v13 =	vld.idx.msk [tilespmem:v14+s25+$0x0], $0xffff;
	[tilespmem:s10+$0x6160] =	vst v16  }
0x39c: {  	v14 =	vld.idx.msk [tilespmem:v60+s25+$0x0], $0xffff;
	[tilespmem:s2+$0x20] =	vst v22  }
0x39d: {  	v63 =	vld.idx.msk [tilespmem:v61+s25+$0x0], $0xffff;
	[tilespmem:s6+$0x6160] =	vst v15  }
0x39e: {  	s3 =	sadd.s32 $0x1, s3;
	[tilespmem:s19+$0x6170] =	vst v62;
	v4 =	vld.idx.msk [tilespmem:v4+s25+$0x0], $0xffff  }
0x39f: {  	p0 =	sne.s32 s3, $0x64;
	[tilespmem:s9+$0x30] =	vst v18  }
.Ltmp7:
0x3a0: {  	s29 =	sshll.u32 s16, $0x12;
	[tilespmem:s1+$0x30] =	vst v13;
	(pc) =	sbr.rel @p0 .LBB2_4-.Ltmp7, $4  }
0x3a1: {  	s1 =	sor.u32 s14, s29;
	[tilespmem:s10+$0x6170] =	vst v14  }
0x3a2: {  	s1 =	sshrl.u32 s1, $0x3;
	[tilespmem:s2+$0x30] =	vst v63  }
0x3a3: {  	s1 =	sadd.s32 s4, s1;
	[tilespmem:s6+$0x6170] =	vst v4  }
0x3a4: {  	[hbm4b:s1+s26] =	stream.strided.scatter [tilespmem:s31], [sflag:$0x6], $0x2000, s28, s26, $0x38;
	[tilespmem:$0xE600] =	vst v63  }
0x3a5: {  	_ =	swait.ge [sflag:s0], $0x2000  }
0x3a6: {  	[sflag:s0] =	ssyncset.done $0x0  }
0x3a7: {  	[sflag:s0] =	ssyncadd.s32 $0xFFFFE000  }
0x3a8: {  	_ =	swait.ge [sflag:s5], $0x2000  }
0x3a9: {  	s2 =	rddreg [dreg:$0x9]  }
0x3aa: {  	s1 =	rddreg [dreg:$0x8];
	s2 =	sadd.s32 $0x1, s2  }
0x3ab: {  	p0 =	sne.s32 s2, s1  }
.Ltmp8:
0x3ac: {  	_ = 	snop;
	(pc) =	sbr.rel @p0 .LBB2_1-.Ltmp8, $3  }
0x3ad: {  	_ =	sdelay $0x1  }
0x3ae: {  	[sflag:s5] =	ssyncset.done $0x0  }
0x3af: {  	s10 =	simm.s32 $0x7;
	[sflag:s5] =	ssyncadd.s32 $0xFFFFE000  }
0x3b0: {  	_ =	sfence.sel $0x180000  }
0x3b1: {  	[bflag:$0x0] =	sbarrier.arrive $0xFFFF  }
0x3b2: {  	_ =	strace $0x90000047  }
0x3b3: {  	s0 =	stileid.u32;
	[bflag:$0x2] =	sbarrier.arrive $0xFFFF  }
0x3b4: {  	p0 =	sne.s32 s0, $0x0;
	s0 =	rddreg [dreg:$0x4]  }
0x3b5: {  	s0 =	sadd.s32 @!p0 $0x100000, s0  }
0x3b6: {  	[sflag:s0] =	ssyncadd.tile.s32 @!p0 $0x1;
	_ =	shalt  }
.Lfunc_end2:
_tile_overlayer_lowered:
.L_overlay_start_2:
0x3b7: {  	(tag) =	ssettag $0x2  }
0x3b8: {  	s0 =	rddreg [dreg:$0x0];
	s2 =	stileid.u32  }
0x3b9: {  	s1 =	rddreg [dreg:$0x1];
	p0 =	sne.s32 s2, $0x0  }
0x3ba: {  	s3 =	rddreg [dreg:$0x2];
	[bflag:$0x3] =	sbarrier.arrive $0xFFFF;
	s2 =	simm.s32 @!p0 $0x1C07  }
0x3bb: {  	[timem:s3], [sflag:s2] =	dma.local @!p0 [hbm:s0], s1  }
0x3bc: {  	s0 =	simm.s32 @!p0 $0x7  }
0x3bd: {  	_ =	swait.ge @!p0 [sflag:s0], s1  }
0x3be: {  	s1 =	ssub.s32 @!p0 $0x0, s1;
	[sflag:s0] =	ssyncset.done @!p0 $0x0  }
0x3bf: {  	[sflag:s0] =	ssyncadd.s32 @!p0 s1  }
0x3c0: {  	[bflag:$0x3] =	sbarrier.arrive $0xFFFF  }
0x3c1: {  	_ =	shalt  }

</sc_bundles>
